<compile_context>
chip_gen: v7x
topology: tpu7x:2x2x1
jax: 0.10.2.dev20260603
libtpu: 0.0.44.dev20260713+nightly
codegen_flags: <defaults>
</compile_context>

<pallas_src>
import functools

import jax
import jax.numpy as jnp
from jax import lax
from jax.experimental import pallas as pl
from jax.experimental.pallas import tpu as pltpu, tpu_sc as plsc

NN = 10000
NP = 10240
EDGES = 330000
CHUNK = 2048
NCH = 164
NCHA = 166
EPA = NCHA * CHUNK
GR = CHUNK // 16
DUMMY = NN

FI = 128
HH = 8
CO1 = 128
CO2 = 64
NCLS = 16

_mesh = plsc.VectorSubcoreMesh(core_axis_name="c", subcore_axis_name="s")
_sc_params = pltpu.CompilerParams(needs_layout_passes=False)
_BLK = NP
_GRID = NP // _BLK



def _mm_kernel(w_ref, x_ref, o_ref):
    o_ref[...] = jnp.dot(w_ref[...], x_ref[...],
                         preferred_element_type=jnp.float32)


def _tc_project(wcat_t, x_t, c_out):
    fin = wcat_t.shape[1]
    return pl.pallas_call(
        _mm_kernel,
        grid=(_GRID,),
        in_specs=[
            pl.BlockSpec((c_out + 2 * HH, fin), lambda i: (0, 0)),
            pl.BlockSpec((fin, _BLK), lambda i: (0, i)),
        ],
        out_specs=pl.BlockSpec((c_out + 2 * HH, _BLK), lambda i: (0, i)),
        out_shape=jax.ShapeDtypeStruct((c_out + 2 * HH, NP), jnp.float32),
    )(wcat_t, x_t)


def _boundary_kernel(cph, num_ref, den_ref, b_ref, w_ref, o_ref):
    num = num_ref[...]
    den = den_ref[...]
    segs = []
    for h in range(HH):
        segs.append(num[h * cph:(h + 1) * cph, :] /
                    (den[h:h + 1, :] + 1e-16))
    act = jnp.concatenate(segs, axis=0)
    act = jnp.maximum(act + b_ref[...], 0.0)
    o_ref[...] = jnp.dot(w_ref[...], act, preferred_element_type=jnp.float32)


def _tc_boundary(num, den, b_col, w_t, c_in):
    cph = c_in // HH
    return pl.pallas_call(
        functools.partial(_boundary_kernel, cph),
        grid=(_GRID,),
        in_specs=[
            pl.BlockSpec((c_in, _BLK), lambda i: (0, i)),
            pl.BlockSpec((HH, _BLK), lambda i: (0, i)),
            pl.BlockSpec((c_in, 1), lambda i: (0, 0)),
            pl.BlockSpec(w_t.shape, lambda i: (0, 0)),
        ],
        out_specs=pl.BlockSpec((w_t.shape[0], _BLK), lambda i: (0, i)),
        out_shape=jax.ShapeDtypeStruct((w_t.shape[0], NP), jnp.float32),
    )(num, den, b_col, w_t)


def _gcn_boundary_kernel(num_ref, den_ref, b_ref, w_ref, cnt_ref,
                         h3_ref, dinv_ref):
    num = num_ref[...]
    den = den_ref[...]
    cph = CO2 // HH
    segs = []
    for h in range(HH):
        segs.append(num[h * cph:(h + 1) * cph, :] /
                    (den[h:h + 1, :] + 1e-16))
    act = jnp.concatenate(segs, axis=0)
    act = jnp.maximum(act + b_ref[...], 0.0)
    h3 = jnp.dot(w_ref[...], act, preferred_element_type=jnp.float32)
    cnt = cnt_ref[...]
    dinv = jnp.where(cnt > 0.0, lax.rsqrt(cnt), 0.0)
    h3_ref[...] = h3 * dinv
    dinv_ref[...] = dinv


def _tc_gcn_boundary(num, den, b_col, w_t, cnt):
    return pl.pallas_call(
        _gcn_boundary_kernel,
        grid=(_GRID,),
        in_specs=[
            pl.BlockSpec((CO2, _BLK), lambda i: (0, i)),
            pl.BlockSpec((HH, _BLK), lambda i: (0, i)),
            pl.BlockSpec((CO2, 1), lambda i: (0, 0)),
            pl.BlockSpec((NCLS, CO2), lambda i: (0, 0)),
            pl.BlockSpec((1, _BLK), lambda i: (0, i)),
        ],
        out_specs=[
            pl.BlockSpec((NCLS, _BLK), lambda i: (0, i)),
            pl.BlockSpec((1, _BLK), lambda i: (0, i)),
        ],
        out_shape=[
            jax.ShapeDtypeStruct((NCLS, NP), jnp.float32),
            jax.ShapeDtypeStruct((1, NP), jnp.float32),
        ],
    )(num, den, b_col, w_t, cnt)


def _final_kernel(part_ref, dinv_ref, bg_ref, o_ref):
    s = part_ref[0:NCLS, :] + part_ref[NCLS:2 * NCLS, :]
    s = s * dinv_ref[...]
    o_ref[...] = s.T + bg_ref[...]


def _tc_final(part, dinv, bg_row):
    return pl.pallas_call(
        _final_kernel,
        grid=(_GRID,),
        in_specs=[
            pl.BlockSpec((2 * NCLS, _BLK), lambda i: (0, i)),
            pl.BlockSpec((1, _BLK), lambda i: (0, i)),
            pl.BlockSpec((1, NCLS), lambda i: (0, 0)),
        ],
        out_specs=pl.BlockSpec((_BLK, NCLS), lambda i: (i, 0)),
        out_shape=jax.ShapeDtypeStruct((NP, NCLS), jnp.float32),
    )(part, dinv, bg_row)



def _start_chunk(eidx_hbm, ch, eb, sem):
    off = ch * 2 * CHUNK
    pltpu.make_async_copy(eidx_hbm.at[pl.ds(off, 2 * CHUNK)], eb, sem).start()


def _wait_chunk(eidx_hbm, ch, eb, sem):
    off = ch * 2 * CHUNK
    pltpu.make_async_copy(eidx_hbm.at[pl.ds(off, 2 * CHUNK)], eb, sem).wait()


def _zero_refs(refs):
    z = jnp.zeros((16,), jnp.float32)

    def body(i, carry):
        for r in refs:
            r[pl.ds(i * 16, 16)] = z
        return carry

    lax.fori_loop(0, NP // 16, body, 0)


def _make_gat_pass(c_out, cpt, with_cnt):
    n_scratch = (
        [pltpu.VMEM((NP,), jnp.float32)] * (2 * cpt + 3)
        + [pltpu.VMEM((2 * CHUNK,), jnp.int32)] * 2
        + [pltpu.SemaphoreType.DMA] * 2
    )
    outs = [
        jax.ShapeDtypeStruct((c_out, NP), jnp.float32),
        jax.ShapeDtypeStruct((HH, NP), jnp.float32),
    ]
    if with_cnt:
        outs.append(jax.ShapeDtypeStruct((NP,), jnp.float32))

    @functools.partial(
        pl.kernel,
        out_type=tuple(outs),
        mesh=_mesh,
        compiler_params=_sc_params,
        scratch_types=n_scratch,
    )
    def gat_pass(eidx_hbm, hcat_hbm, *refs):
        num_out = refs[0]
        den_out = refs[1]
        k = 3 if with_cnt else 2
        if with_cnt:
            cnt_out = refs[2]
        hcol = refs[k:k + cpt]
        accs = refs[k + cpt:k + 2 * cpt]
        asrc, adst, den_acc = refs[k + 2 * cpt:k + 2 * cpt + 3]
        eb0, eb1 = refs[k + 2 * cpt + 3:k + 2 * cpt + 5]
        sem0, sem1 = refs[k + 2 * cpt + 5:]

        wid = lax.axis_index("s") * 2 + lax.axis_index("c")
        head = wid // 4

        for j in range(cpt):
            pltpu.sync_copy(hcat_hbm.at[wid * cpt + j], hcol[j])
        pltpu.sync_copy(hcat_hbm.at[c_out + head], asrc)
        pltpu.sync_copy(hcat_hbm.at[c_out + HH + head], adst)

        _zero_refs(list(accs) + [den_acc])

        own_den = ((wid % 4 == 0) & (head < 4)) | ((wid % 4 == 1) & (head >= 4))
        if with_cnt:
            mask_dc = jnp.broadcast_to(own_den | (wid == 2), (16,))
            mask_cnt = jnp.broadcast_to(wid == 2, (16,))
            ones = jnp.ones((16,), jnp.float32)
        else:
            mask_dc = jnp.broadcast_to(own_den, (16,))

        def run(eb):
            @plsc.parallel_loop(0, GR, unroll=4)
            def group(g):
                s16 = eb[pl.ds(g * 16, 16)]
                d16 = eb[pl.ds(CHUNK + g * 16, 16)]
                asv = plsc.load_gather(asrc, [s16])
                adv = plsc.load_gather(adst, [d16])
                al = asv + adv
                al = jnp.where(al >= 0.0, al, 0.2 * al)
                w = jnp.exp(al)
                for j in range(cpt):
                    hv = plsc.load_gather(hcol[j], [s16])
                    plsc.addupdate_scatter(accs[j], [d16], hv * w)
                dc = jnp.where(mask_cnt, ones, w) if with_cnt else w
                plsc.addupdate_scatter(den_acc, [d16], dc, mask=mask_dc)

        _start_chunk(eidx_hbm, 0, eb0, sem0)

        def two_chunks(i, carry):
            ch0 = 2 * i
            _wait_chunk(eidx_hbm, ch0, eb0, sem0)
            _start_chunk(eidx_hbm, ch0 + 1, eb1, sem1)
            run(eb0)
            _wait_chunk(eidx_hbm, ch0 + 1, eb1, sem1)
            _start_chunk(eidx_hbm, ch0 + 2, eb0, sem0)
            run(eb1)
            return carry

        lax.fori_loop(0, NCH // 2, two_chunks, 0)
        _wait_chunk(eidx_hbm, NCH, eb0, sem0)

        for j in range(cpt):
            pltpu.sync_copy(accs[j], num_out.at[wid * cpt + j])

        @pl.when(own_den)
        def _():
            pltpu.sync_copy(den_acc, den_out.at[head])

        if with_cnt:
            @pl.when(wid == 2)
            def _():
                pltpu.sync_copy(den_acc, cnt_out)

    return gat_pass


_gat_pass1 = _make_gat_pass(CO1, 4, True)
_gat_pass2 = _make_gat_pass(CO2, 2, False)


@functools.partial(
    pl.kernel,
    out_type=jax.ShapeDtypeStruct((2 * NCLS, NP), jnp.float32),
    mesh=_mesh,
    compiler_params=_sc_params,
    scratch_types=(
        [pltpu.VMEM((NP,), jnp.float32)] * 2
        + [pltpu.VMEM((2 * CHUNK,), jnp.int32)] * 2
        + [pltpu.SemaphoreType.DMA] * 2
    ),
)
def _gcn_pass(eidx_hbm, h3_hbm, part_out,
              h3col, acc, eb0, eb1, sem0, sem1):
    wid = lax.axis_index("s") * 2 + lax.axis_index("c")
    col = wid % NCLS
    half = wid // NCLS
    base = half * (NCH // 2)

    pltpu.sync_copy(h3_hbm.at[col], h3col)
    _zero_refs([acc])

    def run(eb):
        @plsc.parallel_loop(0, GR, unroll=4)
        def group(g):
            s16 = eb[pl.ds(g * 16, 16)]
            d16 = eb[pl.ds(CHUNK + g * 16, 16)]
            hv = plsc.load_gather(h3col, [s16])
            plsc.addupdate_scatter(acc, [d16], hv)

    _start_chunk(eidx_hbm, base, eb0, sem0)

    def two_chunks(i, carry):
        ch0 = base + 2 * i
        _wait_chunk(eidx_hbm, ch0, eb0, sem0)
        _start_chunk(eidx_hbm, ch0 + 1, eb1, sem1)
        run(eb0)
        _wait_chunk(eidx_hbm, ch0 + 1, eb1, sem1)
        _start_chunk(eidx_hbm, ch0 + 2, eb0, sem0)
        run(eb1)
        return carry

    lax.fori_loop(0, NCH // 4, two_chunks, 0)
    _wait_chunk(eidx_hbm, base + NCH // 2, eb0, sem0)

    pltpu.sync_copy(acc, part_out.at[wid])



@jax.jit
def kernel(x, edge_index, W1, att_src1, att_dst1, b1,
           W2, att_src2, att_dst2, b2, Wg, bg):
    loop = jnp.arange(NN, dtype=jnp.int32)
    pad = jnp.full((EPA - EDGES,), DUMMY, jnp.int32)
    src = jnp.concatenate([edge_index[0], loop, pad])
    dst = jnp.concatenate([edge_index[1], loop, pad])
    eidx = jnp.stack([src.reshape(NCHA, CHUNK),
                      dst.reshape(NCHA, CHUNK)], axis=1).reshape(-1)

    x_t = jnp.pad(x, ((0, NP - NN), (0, 0))).T

    def _fold(att, co):
        sel = (jnp.arange(co)[:, None] // (co // HH)
               == jnp.arange(HH)[None, :]).astype(jnp.float32)
        return att.reshape(co, 1) * sel

    wcat1_t = jnp.concatenate(
        [W1, W1 @ _fold(att_src1, CO1), W1 @ _fold(att_dst1, CO1)],
        axis=1).T
    wcat2_t = jnp.concatenate(
        [W2, W2 @ _fold(att_src2, CO2), W2 @ _fold(att_dst2, CO2)],
        axis=1).T

    wg_t = Wg.T
    b1c = b1.reshape(CO1, 1)
    b2c = b2.reshape(CO2, 1)
    bg_row = bg.reshape(1, NCLS)

    hcat1 = _tc_project(wcat1_t, x_t, CO1)
    num1, den1, cnt = _gat_pass1(eidx, hcat1)

    hcat2 = _tc_boundary(num1, den1, b1c, wcat2_t, CO1)
    num2, den2 = _gat_pass2(eidx, hcat2)

    h3s, dinv = _tc_gcn_boundary(num2, den2, b2c, wg_t,
                                 cnt.reshape(1, NP))
    part = _gcn_pass(eidx, h3s)

    out = _tc_final(part, dinv, bg_row)
    return out[:NN]

# --- scband reference (transcript-rebuilt; emitter-appended) ---
"""Pipeline reference for scband-gatsmall-12043088298518 (READ-ONLY COPY).

The authoritative reference and input builder live on the scoring server;
editing this copy changes nothing except your own understanding.
"""

import jax, jax.numpy as jnp
import numpy as np

N = 10000
E = 320000
F_IN = 128
H = 8
C1 = 16
C2 = 8
NC = 16


def add_self_loops(edge_index, n):
    loop = jnp.arange(n, dtype=edge_index.dtype)
    src = jnp.concatenate([edge_index[0], loop])
    dst = jnp.concatenate([edge_index[1], loop])
    return src, dst


def gat_conv(x, src, dst, W, att_src, att_dst, bias, heads, out_ch, n):
    h = (x @ W).reshape(n, heads, out_ch)
    a_src = jnp.sum(h * att_src[None, :, :], axis=-1)
    a_dst = jnp.sum(h * att_dst[None, :, :], axis=-1)
    alpha = a_src[src] + a_dst[dst]
    alpha = jax.nn.leaky_relu(alpha, negative_slope=0.2)
    amax = jax.ops.segment_max(alpha, dst, num_segments=n)
    amax = jnp.where(jnp.isfinite(amax), amax, 0.0)
    ex = jnp.exp(alpha - amax[dst])
    den = jax.ops.segment_sum(ex, dst, num_segments=n)
    coef = ex / (den[dst] + 1e-16)
    msg = h[src] * coef[:, :, None]
    out = jax.ops.segment_sum(msg, dst, num_segments=n)
    return out.reshape(n, heads * out_ch) + bias


def gcn_conv(x, src, dst, W, b, n):
    h = x @ W
    deg = jax.ops.segment_sum(jnp.ones(src.shape[0], dtype=h.dtype), dst, num_segments=n)
    dinv = jnp.where(deg > 0, deg ** -0.5, 0.0)
    norm = dinv[src] * dinv[dst]
    out = jax.ops.segment_sum(h[src] * norm[:, None], dst, num_segments=n)
    return out + b


def setup_inputs(seed: int = 0) -> dict:
    key = jax.random.key(seed)
    ks = jax.random.split(key, 12)
    x = jax.random.normal(ks[0], (N, F_IN), dtype=jnp.float32)
    edge_index = jax.random.randint(ks[1], (2, E), 0, N, dtype=jnp.int32)
    W1 = jax.random.normal(ks[2], (F_IN, H * C1), dtype=jnp.float32) / np.sqrt(F_IN)
    att_src1 = jax.random.normal(ks[3], (H, C1), dtype=jnp.float32) * 0.1
    att_dst1 = jax.random.normal(ks[4], (H, C1), dtype=jnp.float32) * 0.1
    b1 = jnp.zeros((H * C1,), dtype=jnp.float32)
    W2 = jax.random.normal(ks[5], (H * C1, H * C2), dtype=jnp.float32) / np.sqrt(H * C1)
    att_src2 = jax.random.normal(ks[6], (H, C2), dtype=jnp.float32) * 0.1
    att_dst2 = jax.random.normal(ks[7], (H, C2), dtype=jnp.float32) * 0.1
    b2 = jnp.zeros((H * C2,), dtype=jnp.float32)
    Wg = jax.random.normal(ks[8], (H * C2, NC), dtype=jnp.float32) / np.sqrt(H * C2)
    bg = jnp.zeros((NC,), dtype=jnp.float32)
    return {"x": x, "edge_index": edge_index, "W1": W1, "att_src1": att_src1,
            "att_dst1": att_dst1, "b1": b1, "W2": W2, "att_src2": att_src2,
            "att_dst2": att_dst2, "b2": b2, "Wg": Wg, "bg": bg}


def reference(x, edge_index, W1, att_src1, att_dst1, b1, W2, att_src2, att_dst2, b2, Wg, bg):
    src, dst = add_self_loops(edge_index, N)
    h = gat_conv(x, src, dst, W1, att_src1, att_dst1, b1, H, C1, N)
    h = jax.nn.relu(h)
    h = gat_conv(h, src, dst, W2, att_src2, att_dst2, b2, H, C2, N)
    h = jax.nn.relu(h)
    out = gcn_conv(h, src, dst, Wg, bg, N)
    return out

if __name__ == "__main__":
    import jax
    _d = setup_inputs()
    print(jax.jit(kernel)(*tuple(_d.values())))

</pallas_src>

<mosaic_0001>
#map = affine_map<(d0, d1) -> (0)>
#map1 = affine_map<(d0, d1) -> (0, 0)>
module attributes {stable_mosaic.version = 14 : i64} {
  func.func @_gcn_pass(%arg0: i32, %arg1: i32, %arg2: memref<679936xi32, #tpu.memory_space<hbm>>, %arg3: memref<16x10240xf32, #tpu.memory_space<hbm>>, %arg4: memref<32x10240xf32, #tpu.memory_space<hbm>>, %arg5: memref<10240xf32, #tpu.memory_space<vmem>>, %arg6: memref<10240xf32, #tpu.memory_space<vmem>>, %arg7: memref<4096xi32, #tpu.memory_space<vmem>>, %arg8: memref<4096xi32, #tpu.memory_space<vmem>>, %arg9: memref<!tpu.dma_semaphore, #tpu.memory_space<semaphore_mem>>, %arg10: memref<!tpu.dma_semaphore, #tpu.memory_space<semaphore_mem>>) attributes {dimension_semantics = [#tpu.dimension_semantics<core_parallel>, #tpu.dimension_semantics<subcore_parallel>], iteration_bounds = array<i64: 2, 16>, scalar_prefetch = 0 : i64, scratch_operands = 6 : i64, tpu.core_type = #tpu.core_type<sc_vector_subcore>, window_params = [{transform_indices = #map}, {transform_indices = #map1}, {transform_indices = #map1}]} {
    %mul3A = arith.constant 2 : i32
    %mul3A_0 = arith.muli %arg1, %mul3A : i32
    %add3A = arith.addi %mul3A_0, %arg0 : i32
    %jit3A = arith.constant 16 : i32
    %eq3A = arith.constant 0 : i32
    %eq3A_1 = arith.cmpi eq, %jit3A, %eq3A : i32
    %jit3A_2 = arith.constant 1 : i32
    %select_n3A = arith.select %eq3A_1, %jit3A_2, %jit3A : i32
    %rem3A = arith.remsi %add3A, %select_n3A : i32
    %ne3A = arith.constant 0 : i32
    %ne3A_3 = arith.cmpi ne, %rem3A, %ne3A : i32
    %lt3A = arith.constant 0 : i32
    %lt3A_4 = arith.cmpi slt, %rem3A, %lt3A : i32
    %lt3A_5 = arith.constant 0 : i32
    %lt3A_6 = arith.cmpi slt, %select_n3A, %lt3A_5 : i32
    %ne3A_7 = arith.xori %lt3A_4, %lt3A_6 : i1
    %and3A = arith.andi %ne3A_7, %ne3A_3 : i1
    %add3A_8 = arith.addi %rem3A, %select_n3A : i32
    %select_n3A_9 = arith.select %and3A, %add3A_8, %rem3A : i32
    %jit3A_10 = arith.constant 16 : i32
    %div3A = arith.divsi %add3A, %jit3A_10 : i32
    %sign3A = arith.constant 0 : i32
    %sign3A_11 = arith.cmpi sgt, %add3A, %sign3A : i32
    %sign3A_12 = arith.extui %sign3A_11 : i1 to i32
    %sign3A_13 = arith.constant 0 : i32
    %sign3A_14 = arith.cmpi slt, %add3A, %sign3A_13 : i32
    %sign3A_15 = arith.extui %sign3A_14 : i1 to i32
    %sign3A_16 = arith.subi %sign3A_12, %sign3A_15 : i32
    %sign3A_17 = arith.constant 0 : i32
    %sign3A_18 = arith.cmpi sgt, %jit3A_10, %sign3A_17 : i32
    %sign3A_19 = arith.extui %sign3A_18 : i1 to i32
    %sign3A_20 = arith.constant 0 : i32
    %sign3A_21 = arith.cmpi slt, %jit3A_10, %sign3A_20 : i32
    %sign3A_22 = arith.extui %sign3A_21 : i1 to i32
    %sign3A_23 = arith.subi %sign3A_19, %sign3A_22 : i32
    %ne3A_24 = arith.cmpi ne, %sign3A_16, %sign3A_23 : i32
    %rem3A_25 = arith.remsi %add3A, %jit3A_10 : i32
    %ne3A_26 = arith.constant 0 : i32
    %ne3A_27 = arith.cmpi ne, %rem3A_25, %ne3A_26 : i32
    %and3A_28 = arith.andi %ne3A_24, %ne3A_27 : i1
    %sub3A = arith.constant 1 : i32
    %sub3A_29 = arith.subi %div3A, %sub3A : i32
    %select_n3A_30 = arith.select %and3A_28, %sub3A_29, %div3A : i32
    %mul3A_31 = arith.constant 82 : i32
    %mul3A_32 = arith.muli %select_n3A_30, %mul3A_31 : i32
    "tpu.region"() ({
      %run_scoped3A = tpu.sem_alloc : memref<!tpu.dma_semaphore, #tpu.memory_space<semaphore_mem>>
      %dma_start3A_57 = arith.constant 0 : i32
      %dma_start3A_58 = tpu.memref_slice %arg3[%select_n3A_9, %dma_start3A_57] : memref<16x10240xf32, #tpu.memory_space<hbm>> -> memref<1x10240xf32, #tpu.memory_space<hbm>>
      %dma_start3A_59 = tpu.memref_squeeze %dma_start3A_58 : memref<1x10240xf32, #tpu.memory_space<hbm>> -> memref<10240xf32, #tpu.memory_space<hbm>>
      %dma_start3A_60 = arith.constant 0 : i32
      %dma_start3A_61 = tpu.memref_slice %arg3[%select_n3A_9, %dma_start3A_60] : memref<16x10240xf32, #tpu.memory_space<hbm>> -> memref<1x10240xf32, #tpu.memory_space<hbm>>
      %dma_start3A_62 = tpu.memref_squeeze %dma_start3A_61 : memref<1x10240xf32, #tpu.memory_space<hbm>> -> memref<10240xf32, #tpu.memory_space<hbm>>
      tpu.enqueue_dma source(%dma_start3A_62 : memref<10240xf32, #tpu.memory_space<hbm>>) target(%arg5 : memref<10240xf32, #tpu.memory_space<vmem>>) target_semaphore(%run_scoped3A : memref<!tpu.dma_semaphore, #tpu.memory_space<semaphore_mem>>)
      %dma_wait3A_63 = arith.constant 0 : i32
      %dma_wait3A_64 = tpu.memref_slice %arg3[%select_n3A_9, %dma_wait3A_63] : memref<16x10240xf32, #tpu.memory_space<hbm>> -> memref<1x10240xf32, #tpu.memory_space<hbm>>
      %dma_wait3A_65 = tpu.memref_squeeze %dma_wait3A_64 : memref<1x10240xf32, #tpu.memory_space<hbm>> -> memref<10240xf32, #tpu.memory_space<hbm>>
      %dma_wait3A_66 = arith.constant 0 : i32
      %dma_wait3A_67 = tpu.memref_slice %arg3[%select_n3A_9, %dma_wait3A_66] : memref<16x10240xf32, #tpu.memory_space<hbm>> -> memref<1x10240xf32, #tpu.memory_space<hbm>>
      %dma_wait3A_68 = tpu.memref_squeeze %dma_wait3A_67 : memref<1x10240xf32, #tpu.memory_space<hbm>> -> memref<10240xf32, #tpu.memory_space<hbm>>
      tpu.wait_dma2 semaphore(%run_scoped3A : memref<!tpu.dma_semaphore, #tpu.memory_space<semaphore_mem>>) src(%dma_wait3A_68 : memref<10240xf32, #tpu.memory_space<hbm>>) dst(%arg5 : memref<10240xf32, #tpu.memory_space<vmem>>)
      tpu.yield
    }) : () -> ()
    %broadcast_in_dim3A = arith.constant 0.000000e+00 : f32
    %broadcast_in_dim3A_33 = vector.broadcast %broadcast_in_dim3A : f32 to vector<16xf32>
    %scan3A = arith.constant 0 : i32
    %scan3A_34 = arith.constant 0 : i32
    %scan3A_35 = arith.constant 640 : i32
    %scan3A_36 = arith.addi %scan3A_34, %scan3A_35 : i32
    %scan3A_37 = arith.constant 1 : i32
    scf.for %scan3A_57 = %scan3A_34 to %scan3A_36 step %scan3A_37  : i32 {
      %mul3A_58 = arith.constant 16 : i32
      %mul3A_59 = arith.muli %scan3A_57, %mul3A_58 : i32
      %swap3A = arith.index_cast %mul3A_59 : i32 to index
      %swap3A_60 = tpu.vector_load %arg6[%swap3A] {strides = array<i32>} : memref<10240xf32, #tpu.memory_space<vmem>>, vector<16xf32>,
      tpu.vector_store %arg6[%swap3A], %broadcast_in_dim3A_33 {strides = array<i32>} : memref<10240xf32, #tpu.memory_space<vmem>>, vector<16xf32>,
    }
    %scan3A_38 = arith.constant 640 : i32
    %mul3A_39 = arith.constant 2 : i32
    %mul3A_40 = arith.muli %mul3A_32, %mul3A_39 : i32
    %mul3A_41 = arith.constant 2048 : i32
    %mul3A_42 = arith.muli %mul3A_40, %mul3A_41 : i32
    %dma_start3A = tpu.memref_slice %arg2[%mul3A_42] : memref<679936xi32, #tpu.memory_space<hbm>> -> memref<4096xi32, #tpu.memory_space<hbm>>
    %dma_start3A_43 = tpu.memref_slice %arg2[%mul3A_42] : memref<679936xi32, #tpu.memory_space<hbm>> -> memref<4096xi32, #tpu.memory_space<hbm>>
    tpu.enqueue_dma source(%dma_start3A_43 : memref<4096xi32, #tpu.memory_space<hbm>>) target(%arg7 : memref<4096xi32, #tpu.memory_space<vmem>>) target_semaphore(%arg9 : memref<!tpu.dma_semaphore, #tpu.memory_space<semaphore_mem>>)
    %scan3A_44 = arith.constant 0 : i32
    %scan3A_45 = arith.constant 0 : i32
    %scan3A_46 = arith.constant 41 : i32
    %scan3A_47 = arith.addi %scan3A_45, %scan3A_46 : i32
    %scan3A_48 = arith.constant 1 : i32
    scf.for %scan3A_57 = %scan3A_45 to %scan3A_47 step %scan3A_48  : i32 {
      %mul3A_58 = arith.constant 2 : i32
      %mul3A_59 = arith.muli %mul3A_58, %scan3A_57 : i32
      %add3A_60 = arith.addi %mul3A_32, %mul3A_59 : i32
      %mul3A_61 = arith.constant 2 : i32
      %mul3A_62 = arith.muli %add3A_60, %mul3A_61 : i32
      %mul3A_63 = arith.constant 2048 : i32
      %mul3A_64 = arith.muli %mul3A_62, %mul3A_63 : i32
      %dma_wait3A_65 = tpu.memref_slice %arg2[%mul3A_64] : memref<679936xi32, #tpu.memory_space<hbm>> -> memref<4096xi32, #tpu.memory_space<hbm>>
      %dma_wait3A_66 = tpu.memref_slice %arg2[%mul3A_64] : memref<679936xi32, #tpu.memory_space<hbm>> -> memref<4096xi32, #tpu.memory_space<hbm>>
      tpu.wait_dma2 semaphore(%arg9 : memref<!tpu.dma_semaphore, #tpu.memory_space<semaphore_mem>>) src(%dma_wait3A_66 : memref<4096xi32, #tpu.memory_space<hbm>>) dst(%arg7 : memref<4096xi32, #tpu.memory_space<vmem>>)
      %add3A_67 = arith.constant 1 : i32
      %add3A_68 = arith.addi %add3A_60, %add3A_67 : i32
      %mul3A_69 = arith.constant 2 : i32
      %mul3A_70 = arith.muli %add3A_68, %mul3A_69 : i32
      %mul3A_71 = arith.constant 2048 : i32
      %mul3A_72 = arith.muli %mul3A_70, %mul3A_71 : i32
      %dma_start3A_73 = tpu.memref_slice %arg2[%mul3A_72] : memref<679936xi32, #tpu.memory_space<hbm>> -> memref<4096xi32, #tpu.memory_space<hbm>>
      %dma_start3A_74 = tpu.memref_slice %arg2[%mul3A_72] : memref<679936xi32, #tpu.memory_space<hbm>> -> memref<4096xi32, #tpu.memory_space<hbm>>
      tpu.enqueue_dma source(%dma_start3A_74 : memref<4096xi32, #tpu.memory_space<hbm>>) target(%arg8 : memref<4096xi32, #tpu.memory_space<vmem>>) target_semaphore(%arg10 : memref<!tpu.dma_semaphore, #tpu.memory_space<semaphore_mem>>)
      %parallel_loop3A = arith.constant 0 : i32
      %parallel_loop3A_75 = arith.constant 128 : i32
      %parallel_loop3A_76 = arith.constant 1 : i32
      scf.for %parallel_loop3A_96 = %parallel_loop3A to %parallel_loop3A_75 step %parallel_loop3A_76  : i32 {
        %parallel_loop3A_97 = arith.constant 16 : i32
        %parallel_loop3A_98 = arith.muli %parallel_loop3A_96, %parallel_loop3A_97 : i32
        %parallel_loop3A_99 = arith.index_cast %parallel_loop3A_98 : i32 to index
        %parallel_loop3A_100 = tpu.vector_load %arg7[%parallel_loop3A_99] {strides = array<i32>} : memref<4096xi32, #tpu.memory_space<vmem>>, vector<16xi32>,
        %parallel_loop3A_101 = arith.constant 16 : i32
        %parallel_loop3A_102 = arith.muli %parallel_loop3A_96, %parallel_loop3A_101 : i32
        %parallel_loop3A_103 = arith.constant 2048 : i32
        %parallel_loop3A_104 = arith.addi %parallel_loop3A_103, %parallel_loop3A_102 : i32
        %parallel_loop3A_105 = arith.index_cast %parallel_loop3A_104 : i32 to index
        %parallel_loop3A_106 = tpu.vector_load %arg7[%parallel_loop3A_105] {strides = array<i32>} : memref<4096xi32, #tpu.memory_space<vmem>>, vector<16xi32>,
        %parallel_loop3A_107 = tpu.vector_load_idx %arg5[%parallel_loop3A_100] : memref<10240xf32, #tpu.memory_space<vmem>>[vector<16xi32>], vector<16xf32>,
        tpu.vector_store_idx %arg6[%parallel_loop3A_106], %parallel_loop3A_107 {add = true} : memref<10240xf32, #tpu.memory_space<vmem>>[vector<16xi32>], vector<16xf32>,
      } {sc.loop_unroll_factor = 4 : i64, sc.parallel_access}
      %add3A_77 = arith.constant 1 : i32
      %add3A_78 = arith.addi %add3A_60, %add3A_77 : i32
      %mul3A_79 = arith.constant 2 : i32
      %mul3A_80 = arith.muli %add3A_78, %mul3A_79 : i32
      %mul3A_81 = arith.constant 2048 : i32
      %mul3A_82 = arith.muli %mul3A_80, %mul3A_81 : i32
      %dma_wait3A_83 = tpu.memref_slice %arg2[%mul3A_82] : memref<679936xi32, #tpu.memory_space<hbm>> -> memref<4096xi32, #tpu.memory_space<hbm>>
      %dma_wait3A_84 = tpu.memref_slice %arg2[%mul3A_82] : memref<679936xi32, #tpu.memory_space<hbm>> -> memref<4096xi32, #tpu.memory_space<hbm>>
      tpu.wait_dma2 semaphore(%arg10 : memref<!tpu.dma_semaphore, #tpu.memory_space<semaphore_mem>>) src(%dma_wait3A_84 : memref<4096xi32, #tpu.memory_space<hbm>>) dst(%arg8 : memref<4096xi32, #tpu.memory_space<vmem>>)
      %add3A_85 = arith.constant 2 : i32
      %add3A_86 = arith.addi %add3A_60, %add3A_85 : i32
      %mul3A_87 = arith.constant 2 : i32
      %mul3A_88 = arith.muli %add3A_86, %mul3A_87 : i32
      %mul3A_89 = arith.constant 2048 : i32
      %mul3A_90 = arith.muli %mul3A_88, %mul3A_89 : i32
      %dma_start3A_91 = tpu.memref_slice %arg2[%mul3A_90] : memref<679936xi32, #tpu.memory_space<hbm>> -> memref<4096xi32, #tpu.memory_space<hbm>>
      %dma_start3A_92 = tpu.memref_slice %arg2[%mul3A_90] : memref<679936xi32, #tpu.memory_space<hbm>> -> memref<4096xi32, #tpu.memory_space<hbm>>
      tpu.enqueue_dma source(%dma_start3A_92 : memref<4096xi32, #tpu.memory_space<hbm>>) target(%arg7 : memref<4096xi32, #tpu.memory_space<vmem>>) target_semaphore(%arg9 : memref<!tpu.dma_semaphore, #tpu.memory_space<semaphore_mem>>)
      %parallel_loop3A_93 = arith.constant 0 : i32
      %parallel_loop3A_94 = arith.constant 128 : i32
      %parallel_loop3A_95 = arith.constant 1 : i32
      scf.for %parallel_loop3A_96 = %parallel_loop3A_93 to %parallel_loop3A_94 step %parallel_loop3A_95  : i32 {
        %parallel_loop3A_97 = arith.constant 16 : i32
        %parallel_loop3A_98 = arith.muli %parallel_loop3A_96, %parallel_loop3A_97 : i32
        %parallel_loop3A_99 = arith.index_cast %parallel_loop3A_98 : i32 to index
        %parallel_loop3A_100 = tpu.vector_load %arg8[%parallel_loop3A_99] {strides = array<i32>} : memref<4096xi32, #tpu.memory_space<vmem>>, vector<16xi32>,
        %parallel_loop3A_101 = arith.constant 16 : i32
        %parallel_loop3A_102 = arith.muli %parallel_loop3A_96, %parallel_loop3A_101 : i32
        %parallel_loop3A_103 = arith.constant 2048 : i32
        %parallel_loop3A_104 = arith.addi %parallel_loop3A_103, %parallel_loop3A_102 : i32
        %parallel_loop3A_105 = arith.index_cast %parallel_loop3A_104 : i32 to index
        %parallel_loop3A_106 = tpu.vector_load %arg8[%parallel_loop3A_105] {strides = array<i32>} : memref<4096xi32, #tpu.memory_space<vmem>>, vector<16xi32>,
        %parallel_loop3A_107 = tpu.vector_load_idx %arg5[%parallel_loop3A_100] : memref<10240xf32, #tpu.memory_space<vmem>>[vector<16xi32>], vector<16xf32>,
        tpu.vector_store_idx %arg6[%parallel_loop3A_106], %parallel_loop3A_107 {add = true} : memref<10240xf32, #tpu.memory_space<vmem>>[vector<16xi32>], vector<16xf32>,
      } {sc.loop_unroll_factor = 4 : i64, sc.parallel_access}
    }
    %scan3A_49 = arith.constant 41 : i32
    %add3A_50 = arith.constant 82 : i32
    %add3A_51 = arith.addi %mul3A_32, %add3A_50 : i32
    %mul3A_52 = arith.constant 2 : i32
    %mul3A_53 = arith.muli %add3A_51, %mul3A_52 : i32
    %mul3A_54 = arith.constant 2048 : i32
    %mul3A_55 = arith.muli %mul3A_53, %mul3A_54 : i32
    %dma_wait3A = tpu.memref_slice %arg2[%mul3A_55] : memref<679936xi32, #tpu.memory_space<hbm>> -> memref<4096xi32, #tpu.memory_space<hbm>>
    %dma_wait3A_56 = tpu.memref_slice %arg2[%mul3A_55] : memref<679936xi32, #tpu.memory_space<hbm>> -> memref<4096xi32, #tpu.memory_space<hbm>>
    tpu.wait_dma2 semaphore(%arg9 : memref<!tpu.dma_semaphore, #tpu.memory_space<semaphore_mem>>) src(%dma_wait3A_56 : memref<4096xi32, #tpu.memory_space<hbm>>) dst(%arg7 : memref<4096xi32, #tpu.memory_space<vmem>>)
    "tpu.region"() ({
      %run_scoped3A = tpu.sem_alloc : memref<!tpu.dma_semaphore, #tpu.memory_space<semaphore_mem>>
      %dma_start3A_57 = arith.constant 0 : i32
      %dma_start3A_58 = tpu.memref_slice %arg4[%add3A, %dma_start3A_57] : memref<32x10240xf32, #tpu.memory_space<hbm>> -> memref<1x10240xf32, #tpu.memory_space<hbm>>
      %dma_start3A_59 = tpu.memref_squeeze %dma_start3A_58 : memref<1x10240xf32, #tpu.memory_space<hbm>> -> memref<10240xf32, #tpu.memory_space<hbm>>
      %dma_start3A_60 = arith.constant 0 : i32
      %dma_start3A_61 = tpu.memref_slice %arg4[%add3A, %dma_start3A_60] : memref<32x10240xf32, #tpu.memory_space<hbm>> -> memref<1x10240xf32, #tpu.memory_space<hbm>>
      %dma_start3A_62 = tpu.memref_squeeze %dma_start3A_61 : memref<1x10240xf32, #tpu.memory_space<hbm>> -> memref<10240xf32, #tpu.memory_space<hbm>>
      tpu.enqueue_dma source(%arg6 : memref<10240xf32, #tpu.memory_space<vmem>>) target(%dma_start3A_62 : memref<10240xf32, #tpu.memory_space<hbm>>) target_semaphore(%run_scoped3A : memref<!tpu.dma_semaphore, #tpu.memory_space<semaphore_mem>>)
      %dma_wait3A_63 = arith.constant 0 : i32
      %dma_wait3A_64 = tpu.memref_slice %arg4[%add3A, %dma_wait3A_63] : memref<32x10240xf32, #tpu.memory_space<hbm>> -> memref<1x10240xf32, #tpu.memory_space<hbm>>
      %dma_wait3A_65 = tpu.memref_squeeze %dma_wait3A_64 : memref<1x10240xf32, #tpu.memory_space<hbm>> -> memref<10240xf32, #tpu.memory_space<hbm>>
      %dma_wait3A_66 = arith.constant 0 : i32
      %dma_wait3A_67 = tpu.memref_slice %arg4[%add3A, %dma_wait3A_66] : memref<32x10240xf32, #tpu.memory_space<hbm>> -> memref<1x10240xf32, #tpu.memory_space<hbm>>
      %dma_wait3A_68 = tpu.memref_squeeze %dma_wait3A_67 : memref<1x10240xf32, #tpu.memory_space<hbm>> -> memref<10240xf32, #tpu.memory_space<hbm>>
      tpu.wait_dma2 semaphore(%run_scoped3A : memref<!tpu.dma_semaphore, #tpu.memory_space<semaphore_mem>>) src(%arg6 : memref<10240xf32, #tpu.memory_space<vmem>>) dst(%dma_wait3A_68 : memref<10240xf32, #tpu.memory_space<hbm>>)
      tpu.yield
    }) : () -> ()
    return
  }
}

#map = affine_map<(d0, d1) -> (0)>
#map1 = affine_map<(d0, d1) -> (0, 0)>
module attributes {stable_mosaic.version = 14 : i64} {
  func.func @gat_pass(%arg0: i32, %arg1: i32, %arg2: memref<679936xi32, #tpu.memory_space<hbm>>, %arg3: memref<144x10240xf32, #tpu.memory_space<hbm>>, %arg4: memref<128x10240xf32, #tpu.memory_space<hbm>>, %arg5: memref<8x10240xf32, #tpu.memory_space<hbm>>, %arg6: memref<10240xf32, #tpu.memory_space<hbm>>, %arg7: memref<10240xf32, #tpu.memory_space<vmem>>, %arg8: memref<10240xf32, #tpu.memory_space<vmem>>, %arg9: memref<10240xf32, #tpu.memory_space<vmem>>, %arg10: memref<10240xf32, #tpu.memory_space<vmem>>, %arg11: memref<10240xf32, #tpu.memory_space<vmem>>, %arg12: memref<10240xf32, #tpu.memory_space<vmem>>, %arg13: memref<10240xf32, #tpu.memory_space<vmem>>, %arg14: memref<10240xf32, #tpu.memory_space<vmem>>, %arg15: memref<10240xf32, #tpu.memory_space<vmem>>, %arg16: memref<10240xf32, #tpu.memory_space<vmem>>, %arg17: memref<10240xf32, #tpu.memory_space<vmem>>, %arg18: memref<4096xi32, #tpu.memory_space<vmem>>, %arg19: memref<4096xi32, #tpu.memory_space<vmem>>, %arg20: memref<!tpu.dma_semaphore, #tpu.memory_space<semaphore_mem>>, %arg21: memref<!tpu.dma_semaphore, #tpu.memory_space<semaphore_mem>>) attributes {dimension_semantics = [#tpu.dimension_semantics<core_parallel>, #tpu.dimension_semantics<subcore_parallel>], iteration_bounds = array<i64: 2, 16>, scalar_prefetch = 0 : i64, scratch_operands = 15 : i64, tpu.core_type = #tpu.core_type<sc_vector_subcore>, window_params = [{transform_indices = #map}, {transform_indices = #map1}, {transform_indices = #map1}, {transform_indices = #map1}, {transform_indices = #map}]} {
    %mul3A = arith.constant 2 : i32
    %mul3A_0 = arith.muli %arg1, %mul3A : i32
    %add3A = arith.addi %mul3A_0, %arg0 : i32
    %jit3A = arith.constant 4 : i32
    %div3A = arith.divsi %add3A, %jit3A : i32
    %sign3A = arith.constant 0 : i32
    %sign3A_1 = arith.cmpi sgt, %add3A, %sign3A : i32
    %sign3A_2 = arith.extui %sign3A_1 : i1 to i32
    %sign3A_3 = arith.constant 0 : i32
    %sign3A_4 = arith.cmpi slt, %add3A, %sign3A_3 : i32
    %sign3A_5 = arith.extui %sign3A_4 : i1 to i32
    %sign3A_6 = arith.subi %sign3A_2, %sign3A_5 : i32
    %sign3A_7 = arith.constant 0 : i32
    %sign3A_8 = arith.cmpi sgt, %jit3A, %sign3A_7 : i32
    %sign3A_9 = arith.extui %sign3A_8 : i1 to i32
    %sign3A_10 = arith.constant 0 : i32
    %sign3A_11 = arith.cmpi slt, %jit3A, %sign3A_10 : i32
    %sign3A_12 = arith.extui %sign3A_11 : i1 to i32
    %sign3A_13 = arith.subi %sign3A_9, %sign3A_12 : i32
    %ne3A = arith.cmpi ne, %sign3A_6, %sign3A_13 : i32
    %rem3A = arith.remsi %add3A, %jit3A : i32
    %ne3A_14 = arith.constant 0 : i32
    %ne3A_15 = arith.cmpi ne, %rem3A, %ne3A_14 : i32
    %and3A = arith.andi %ne3A, %ne3A_15 : i1
    %sub3A = arith.constant 1 : i32
    %sub3A_16 = arith.subi %div3A, %sub3A : i32
    %select_n3A = arith.select %and3A, %sub3A_16, %div3A : i32
    %mul3A_17 = arith.constant 4 : i32
    %mul3A_18 = arith.muli %add3A, %mul3A_17 : i32
    %add3A_19 = arith.constant 0 : i32
    %add3A_20 = arith.addi %mul3A_18, %add3A_19 : i32
    "tpu.region"() ({
      %run_scoped3A = tpu.sem_alloc : memref<!tpu.dma_semaphore, #tpu.memory_space<semaphore_mem>>
      %dma_start3A_125 = arith.constant 0 : i32
      %dma_start3A_126 = tpu.memref_slice %arg3[%add3A_20, %dma_start3A_125] : memref<144x10240xf32, #tpu.memory_space<hbm>> -> memref<1x10240xf32, #tpu.memory_space<hbm>>
      %dma_start3A_127 = tpu.memref_squeeze %dma_start3A_126 : memref<1x10240xf32, #tpu.memory_space<hbm>> -> memref<10240xf32, #tpu.memory_space<hbm>>
      %dma_start3A_128 = arith.constant 0 : i32
      %dma_start3A_129 = tpu.memref_slice %arg3[%add3A_20, %dma_start3A_128] : memref<144x10240xf32, #tpu.memory_space<hbm>> -> memref<1x10240xf32, #tpu.memory_space<hbm>>
      %dma_start3A_130 = tpu.memref_squeeze %dma_start3A_129 : memref<1x10240xf32, #tpu.memory_space<hbm>> -> memref<10240xf32, #tpu.memory_space<hbm>>
      tpu.enqueue_dma source(%dma_start3A_130 : memref<10240xf32, #tpu.memory_space<hbm>>) target(%arg7 : memref<10240xf32, #tpu.memory_space<vmem>>) target_semaphore(%run_scoped3A : memref<!tpu.dma_semaphore, #tpu.memory_space<semaphore_mem>>)
      %dma_wait3A_131 = arith.constant 0 : i32
      %dma_wait3A_132 = tpu.memref_slice %arg3[%add3A_20, %dma_wait3A_131] : memref<144x10240xf32, #tpu.memory_space<hbm>> -> memref<1x10240xf32, #tpu.memory_space<hbm>>
      %dma_wait3A_133 = tpu.memref_squeeze %dma_wait3A_132 : memref<1x10240xf32, #tpu.memory_space<hbm>> -> memref<10240xf32, #tpu.memory_space<hbm>>
      %dma_wait3A_134 = arith.constant 0 : i32
      %dma_wait3A_135 = tpu.memref_slice %arg3[%add3A_20, %dma_wait3A_134] : memref<144x10240xf32, #tpu.memory_space<hbm>> -> memref<1x10240xf32, #tpu.memory_space<hbm>>
      %dma_wait3A_136 = tpu.memref_squeeze %dma_wait3A_135 : memref<1x10240xf32, #tpu.memory_space<hbm>> -> memref<10240xf32, #tpu.memory_space<hbm>>
      tpu.wait_dma2 semaphore(%run_scoped3A : memref<!tpu.dma_semaphore, #tpu.memory_space<semaphore_mem>>) src(%dma_wait3A_136 : memref<10240xf32, #tpu.memory_space<hbm>>) dst(%arg7 : memref<10240xf32, #tpu.memory_space<vmem>>)
      tpu.yield
    }) : () -> ()
    %mul3A_21 = arith.constant 4 : i32
    %mul3A_22 = arith.muli %add3A, %mul3A_21 : i32
    %add3A_23 = arith.constant 1 : i32
    %add3A_24 = arith.addi %mul3A_22, %add3A_23 : i32
    "tpu.region"() ({
      %run_scoped3A = tpu.sem_alloc : memref<!tpu.dma_semaphore, #tpu.memory_space<semaphore_mem>>
      %dma_start3A_125 = arith.constant 0 : i32
      %dma_start3A_126 = tpu.memref_slice %arg3[%add3A_24, %dma_start3A_125] : memref<144x10240xf32, #tpu.memory_space<hbm>> -> memref<1x10240xf32, #tpu.memory_space<hbm>>
      %dma_start3A_127 = tpu.memref_squeeze %dma_start3A_126 : memref<1x10240xf32, #tpu.memory_space<hbm>> -> memref<10240xf32, #tpu.memory_space<hbm>>
      %dma_start3A_128 = arith.constant 0 : i32
      %dma_start3A_129 = tpu.memref_slice %arg3[%add3A_24, %dma_start3A_128] : memref<144x10240xf32, #tpu.memory_space<hbm>> -> memref<1x10240xf32, #tpu.memory_space<hbm>>
      %dma_start3A_130 = tpu.memref_squeeze %dma_start3A_129 : memref<1x10240xf32, #tpu.memory_space<hbm>> -> memref<10240xf32, #tpu.memory_space<hbm>>
      tpu.enqueue_dma source(%dma_start3A_130 : memref<10240xf32, #tpu.memory_space<hbm>>) target(%arg8 : memref<10240xf32, #tpu.memory_space<vmem>>) target_semaphore(%run_scoped3A : memref<!tpu.dma_semaphore, #tpu.memory_space<semaphore_mem>>)
      %dma_wait3A_131 = arith.constant 0 : i32
      %dma_wait3A_132 = tpu.memref_slice %arg3[%add3A_24, %dma_wait3A_131] : memref<144x10240xf32, #tpu.memory_space<hbm>> -> memref<1x10240xf32, #tpu.memory_space<hbm>>
      %dma_wait3A_133 = tpu.memref_squeeze %dma_wait3A_132 : memref<1x10240xf32, #tpu.memory_space<hbm>> -> memref<10240xf32, #tpu.memory_space<hbm>>
      %dma_wait3A_134 = arith.constant 0 : i32
      %dma_wait3A_135 = tpu.memref_slice %arg3[%add3A_24, %dma_wait3A_134] : memref<144x10240xf32, #tpu.memory_space<hbm>> -> memref<1x10240xf32, #tpu.memory_space<hbm>>
      %dma_wait3A_136 = tpu.memref_squeeze %dma_wait3A_135 : memref<1x10240xf32, #tpu.memory_space<hbm>> -> memref<10240xf32, #tpu.memory_space<hbm>>
      tpu.wait_dma2 semaphore(%run_scoped3A : memref<!tpu.dma_semaphore, #tpu.memory_space<semaphore_mem>>) src(%dma_wait3A_136 : memref<10240xf32, #tpu.memory_space<hbm>>) dst(%arg8 : memref<10240xf32, #tpu.memory_space<vmem>>)
      tpu.yield
    }) : () -> ()
    %mul3A_25 = arith.constant 4 : i32
    %mul3A_26 = arith.muli %add3A, %mul3A_25 : i32
    %add3A_27 = arith.constant 2 : i32
    %add3A_28 = arith.addi %mul3A_26, %add3A_27 : i32
    "tpu.region"() ({
      %run_scoped3A = tpu.sem_alloc : memref<!tpu.dma_semaphore, #tpu.memory_space<semaphore_mem>>
      %dma_start3A_125 = arith.constant 0 : i32
      %dma_start3A_126 = tpu.memref_slice %arg3[%add3A_28, %dma_start3A_125] : memref<144x10240xf32, #tpu.memory_space<hbm>> -> memref<1x10240xf32, #tpu.memory_space<hbm>>
      %dma_start3A_127 = tpu.memref_squeeze %dma_start3A_126 : memref<1x10240xf32, #tpu.memory_space<hbm>> -> memref<10240xf32, #tpu.memory_space<hbm>>
      %dma_start3A_128 = arith.constant 0 : i32
      %dma_start3A_129 = tpu.memref_slice %arg3[%add3A_28, %dma_start3A_128] : memref<144x10240xf32, #tpu.memory_space<hbm>> -> memref<1x10240xf32, #tpu.memory_space<hbm>>
      %dma_start3A_130 = tpu.memref_squeeze %dma_start3A_129 : memref<1x10240xf32, #tpu.memory_space<hbm>> -> memref<10240xf32, #tpu.memory_space<hbm>>
      tpu.enqueue_dma source(%dma_start3A_130 : memref<10240xf32, #tpu.memory_space<hbm>>) target(%arg9 : memref<10240xf32, #tpu.memory_space<vmem>>) target_semaphore(%run_scoped3A : memref<!tpu.dma_semaphore, #tpu.memory_space<semaphore_mem>>)
      %dma_wait3A_131 = arith.constant 0 : i32
      %dma_wait3A_132 = tpu.memref_slice %arg3[%add3A_28, %dma_wait3A_131] : memref<144x10240xf32, #tpu.memory_space<hbm>> -> memref<1x10240xf32, #tpu.memory_space<hbm>>
      %dma_wait3A_133 = tpu.memref_squeeze %dma_wait3A_132 : memref<1x10240xf32, #tpu.memory_space<hbm>> -> memref<10240xf32, #tpu.memory_space<hbm>>
      %dma_wait3A_134 = arith.constant 0 : i32
      %dma_wait3A_135 = tpu.memref_slice %arg3[%add3A_28, %dma_wait3A_134] : memref<144x10240xf32, #tpu.memory_space<hbm>> -> memref<1x10240xf32, #tpu.memory_space<hbm>>
      %dma_wait3A_136 = tpu.memref_squeeze %dma_wait3A_135 : memref<1x10240xf32, #tpu.memory_space<hbm>> -> memref<10240xf32, #tpu.memory_space<hbm>>
      tpu.wait_dma2 semaphore(%run_scoped3A : memref<!tpu.dma_semaphore, #tpu.memory_space<semaphore_mem>>) src(%dma_wait3A_136 : memref<10240xf32, #tpu.memory_space<hbm>>) dst(%arg9 : memref<10240xf32, #tpu.memory_space<vmem>>)
      tpu.yield
    }) : () -> ()
    %mul3A_29 = arith.constant 4 : i32
    %mul3A_30 = arith.muli %add3A, %mul3A_29 : i32
    %add3A_31 = arith.constant 3 : i32
    %add3A_32 = arith.addi %mul3A_30, %add3A_31 : i32
    "tpu.region"() ({
      %run_scoped3A = tpu.sem_alloc : memref<!tpu.dma_semaphore, #tpu.memory_space<semaphore_mem>>
      %dma_start3A_125 = arith.constant 0 : i32
      %dma_start3A_126 = tpu.memref_slice %arg3[%add3A_32, %dma_start3A_125] : memref<144x10240xf32, #tpu.memory_space<hbm>> -> memref<1x10240xf32, #tpu.memory_space<hbm>>
      %dma_start3A_127 = tpu.memref_squeeze %dma_start3A_126 : memref<1x10240xf32, #tpu.memory_space<hbm>> -> memref<10240xf32, #tpu.memory_space<hbm>>
      %dma_start3A_128 = arith.constant 0 : i32
      %dma_start3A_129 = tpu.memref_slice %arg3[%add3A_32, %dma_start3A_128] : memref<144x10240xf32, #tpu.memory_space<hbm>> -> memref<1x10240xf32, #tpu.memory_space<hbm>>
      %dma_start3A_130 = tpu.memref_squeeze %dma_start3A_129 : memref<1x10240xf32, #tpu.memory_space<hbm>> -> memref<10240xf32, #tpu.memory_space<hbm>>
      tpu.enqueue_dma source(%dma_start3A_130 : memref<10240xf32, #tpu.memory_space<hbm>>) target(%arg10 : memref<10240xf32, #tpu.memory_space<vmem>>) target_semaphore(%run_scoped3A : memref<!tpu.dma_semaphore, #tpu.memory_space<semaphore_mem>>)
      %dma_wait3A_131 = arith.constant 0 : i32
      %dma_wait3A_132 = tpu.memref_slice %arg3[%add3A_32, %dma_wait3A_131] : memref<144x10240xf32, #tpu.memory_space<hbm>> -> memref<1x10240xf32, #tpu.memory_space<hbm>>
      %dma_wait3A_133 = tpu.memref_squeeze %dma_wait3A_132 : memref<1x10240xf32, #tpu.memory_space<hbm>> -> memref<10240xf32, #tpu.memory_space<hbm>>
      %dma_wait3A_134 = arith.constant 0 : i32
      %dma_wait3A_135 = tpu.memref_slice %arg3[%add3A_32, %dma_wait3A_134] : memref<144x10240xf32, #tpu.memory_space<hbm>> -> memref<1x10240xf32, #tpu.memory_space<hbm>>
      %dma_wait3A_136 = tpu.memref_squeeze %dma_wait3A_135 : memref<1x10240xf32, #tpu.memory_space<hbm>> -> memref<10240xf32, #tpu.memory_space<hbm>>
      tpu.wait_dma2 semaphore(%run_scoped3A : memref<!tpu.dma_semaphore, #tpu.memory_space<semaphore_mem>>) src(%dma_wait3A_136 : memref<10240xf32, #tpu.memory_space<hbm>>) dst(%arg10 : memref<10240xf32, #tpu.memory_space<vmem>>)
      tpu.yield
    }) : () -> ()
    %add3A_33 = arith.constant 128 : i32
    %add3A_34 = arith.addi %add3A_33, %select_n3A : i32
    "tpu.region"() ({
      %run_scoped3A = tpu.sem_alloc : memref<!tpu.dma_semaphore, #tpu.memory_space<semaphore_mem>>
      %dma_start3A_125 = arith.constant 0 : i32
      %dma_start3A_126 = tpu.memref_slice %arg3[%add3A_34, %dma_start3A_125] : memref<144x10240xf32, #tpu.memory_space<hbm>> -> memref<1x10240xf32, #tpu.memory_space<hbm>>
      %dma_start3A_127 = tpu.memref_squeeze %dma_start3A_126 : memref<1x10240xf32, #tpu.memory_space<hbm>> -> memref<10240xf32, #tpu.memory_space<hbm>>
      %dma_start3A_128 = arith.constant 0 : i32
      %dma_start3A_129 = tpu.memref_slice %arg3[%add3A_34, %dma_start3A_128] : memref<144x10240xf32, #tpu.memory_space<hbm>> -> memref<1x10240xf32, #tpu.memory_space<hbm>>
      %dma_start3A_130 = tpu.memref_squeeze %dma_start3A_129 : memref<1x10240xf32, #tpu.memory_space<hbm>> -> memref<10240xf32, #tpu.memory_space<hbm>>
      tpu.enqueue_dma source(%dma_start3A_130 : memref<10240xf32, #tpu.memory_space<hbm>>) target(%arg15 : memref<10240xf32, #tpu.memory_space<vmem>>) target_semaphore(%run_scoped3A : memref<!tpu.dma_semaphore, #tpu.memory_space<semaphore_mem>>)
      %dma_wait3A_131 = arith.constant 0 : i32
      %dma_wait3A_132 = tpu.memref_slice %arg3[%add3A_34, %dma_wait3A_131] : memref<144x10240xf32, #tpu.memory_space<hbm>> -> memref<1x10240xf32, #tpu.memory_space<hbm>>
      %dma_wait3A_133 = tpu.memref_squeeze %dma_wait3A_132 : memref<1x10240xf32, #tpu.memory_space<hbm>> -> memref<10240xf32, #tpu.memory_space<hbm>>
      %dma_wait3A_134 = arith.constant 0 : i32
      %dma_wait3A_135 = tpu.memref_slice %arg3[%add3A_34, %dma_wait3A_134] : memref<144x10240xf32, #tpu.memory_space<hbm>> -> memref<1x10240xf32, #tpu.memory_space<hbm>>
      %dma_wait3A_136 = tpu.memref_squeeze %dma_wait3A_135 : memref<1x10240xf32, #tpu.memory_space<hbm>> -> memref<10240xf32, #tpu.memory_space<hbm>>
      tpu.wait_dma2 semaphore(%run_scoped3A : memref<!tpu.dma_semaphore, #tpu.memory_space<semaphore_mem>>) src(%dma_wait3A_136 : memref<10240xf32, #tpu.memory_space<hbm>>) dst(%arg15 : memref<10240xf32, #tpu.memory_space<vmem>>)
      tpu.yield
    }) : () -> ()
    %add3A_35 = arith.constant 136 : i32
    %add3A_36 = arith.addi %add3A_35, %select_n3A : i32
    "tpu.region"() ({
      %run_scoped3A = tpu.sem_alloc : memref<!tpu.dma_semaphore, #tpu.memory_space<semaphore_mem>>
      %dma_start3A_125 = arith.constant 0 : i32
      %dma_start3A_126 = tpu.memref_slice %arg3[%add3A_36, %dma_start3A_125] : memref<144x10240xf32, #tpu.memory_space<hbm>> -> memref<1x10240xf32, #tpu.memory_space<hbm>>
      %dma_start3A_127 = tpu.memref_squeeze %dma_start3A_126 : memref<1x10240xf32, #tpu.memory_space<hbm>> -> memref<10240xf32, #tpu.memory_space<hbm>>
      %dma_start3A_128 = arith.constant 0 : i32
      %dma_start3A_129 = tpu.memref_slice %arg3[%add3A_36, %dma_start3A_128] : memref<144x10240xf32, #tpu.memory_space<hbm>> -> memref<1x10240xf32, #tpu.memory_space<hbm>>
      %dma_start3A_130 = tpu.memref_squeeze %dma_start3A_129 : memref<1x10240xf32, #tpu.memory_space<hbm>> -> memref<10240xf32, #tpu.memory_space<hbm>>
      tpu.enqueue_dma source(%dma_start3A_130 : memref<10240xf32, #tpu.memory_space<hbm>>) target(%arg16 : memref<10240xf32, #tpu.memory_space<vmem>>) target_semaphore(%run_scoped3A : memref<!tpu.dma_semaphore, #tpu.memory_space<semaphore_mem>>)
      %dma_wait3A_131 = arith.constant 0 : i32
      %dma_wait3A_132 = tpu.memref_slice %arg3[%add3A_36, %dma_wait3A_131] : memref<144x10240xf32, #tpu.memory_space<hbm>> -> memref<1x10240xf32, #tpu.memory_space<hbm>>
      %dma_wait3A_133 = tpu.memref_squeeze %dma_wait3A_132 : memref<1x10240xf32, #tpu.memory_space<hbm>> -> memref<10240xf32, #tpu.memory_space<hbm>>
      %dma_wait3A_134 = arith.constant 0 : i32
      %dma_wait3A_135 = tpu.memref_slice %arg3[%add3A_36, %dma_wait3A_134] : memref<144x10240xf32, #tpu.memory_space<hbm>> -> memref<1x10240xf32, #tpu.memory_space<hbm>>
      %dma_wait3A_136 = tpu.memref_squeeze %dma_wait3A_135 : memref<1x10240xf32, #tpu.memory_space<hbm>> -> memref<10240xf32, #tpu.memory_space<hbm>>
      tpu.wait_dma2 semaphore(%run_scoped3A : memref<!tpu.dma_semaphore, #tpu.memory_space<semaphore_mem>>) src(%dma_wait3A_136 : memref<10240xf32, #tpu.memory_space<hbm>>) dst(%arg16 : memref<10240xf32, #tpu.memory_space<vmem>>)
      tpu.yield
    }) : () -> ()
    %broadcast_in_dim3A = arith.constant 0.000000e+00 : f32
    %broadcast_in_dim3A_37 = vector.broadcast %broadcast_in_dim3A : f32 to vector<16xf32>
    %scan3A = arith.constant 0 : i32
    %scan3A_38 = arith.constant 0 : i32
    %scan3A_39 = arith.constant 640 : i32
    %scan3A_40 = arith.addi %scan3A_38, %scan3A_39 : i32
    %scan3A_41 = arith.constant 1 : i32
    scf.for %scan3A_125 = %scan3A_38 to %scan3A_40 step %scan3A_41  : i32 {
      %mul3A_126 = arith.constant 16 : i32
      %mul3A_127 = arith.muli %scan3A_125, %mul3A_126 : i32
      %swap3A = arith.index_cast %mul3A_127 : i32 to index
      %swap3A_128 = tpu.vector_load %arg11[%swap3A] {strides = array<i32>} : memref<10240xf32, #tpu.memory_space<vmem>>, vector<16xf32>,
      tpu.vector_store %arg11[%swap3A], %broadcast_in_dim3A_37 {strides = array<i32>} : memref<10240xf32, #tpu.memory_space<vmem>>, vector<16xf32>,
      %mul3A_129 = arith.constant 16 : i32
      %mul3A_130 = arith.muli %scan3A_125, %mul3A_129 : i32
      %swap3A_131 = arith.index_cast %mul3A_130 : i32 to index
      %swap3A_132 = tpu.vector_load %arg12[%swap3A_131] {strides = array<i32>} : memref<10240xf32, #tpu.memory_space<vmem>>, vector<16xf32>,
      tpu.vector_store %arg12[%swap3A_131], %broadcast_in_dim3A_37 {strides = array<i32>} : memref<10240xf32, #tpu.memory_space<vmem>>, vector<16xf32>,
      %mul3A_133 = arith.constant 16 : i32
      %mul3A_134 = arith.muli %scan3A_125, %mul3A_133 : i32
      %swap3A_135 = arith.index_cast %mul3A_134 : i32 to index
      %swap3A_136 = tpu.vector_load %arg13[%swap3A_135] {strides = array<i32>} : memref<10240xf32, #tpu.memory_space<vmem>>, vector<16xf32>,
      tpu.vector_store %arg13[%swap3A_135], %broadcast_in_dim3A_37 {strides = array<i32>} : memref<10240xf32, #tpu.memory_space<vmem>>, vector<16xf32>,
      %mul3A_137 = arith.constant 16 : i32
      %mul3A_138 = arith.muli %scan3A_125, %mul3A_137 : i32
      %swap3A_139 = arith.index_cast %mul3A_138 : i32 to index
      %swap3A_140 = tpu.vector_load %arg14[%swap3A_139] {strides = array<i32>} : memref<10240xf32, #tpu.memory_space<vmem>>, vector<16xf32>,
      tpu.vector_store %arg14[%swap3A_139], %broadcast_in_dim3A_37 {strides = array<i32>} : memref<10240xf32, #tpu.memory_space<vmem>>, vector<16xf32>,
      %mul3A_141 = arith.constant 16 : i32
      %mul3A_142 = arith.muli %scan3A_125, %mul3A_141 : i32
      %swap3A_143 = arith.index_cast %mul3A_142 : i32 to index
      %swap3A_144 = tpu.vector_load %arg17[%swap3A_143] {strides = array<i32>} : memref<10240xf32, #tpu.memory_space<vmem>>, vector<16xf32>,
      tpu.vector_store %arg17[%swap3A_143], %broadcast_in_dim3A_37 {strides = array<i32>} : memref<10240xf32, #tpu.memory_space<vmem>>, vector<16xf32>,
    }
    %scan3A_42 = arith.constant 640 : i32
    %jit3A_43 = arith.constant 4 : i32
    %eq3A = arith.constant 0 : i32
    %eq3A_44 = arith.cmpi eq, %jit3A_43, %eq3A : i32
    %jit3A_45 = arith.constant 1 : i32
    %select_n3A_46 = arith.select %eq3A_44, %jit3A_45, %jit3A_43 : i32
    %rem3A_47 = arith.remsi %add3A, %select_n3A_46 : i32
    %ne3A_48 = arith.constant 0 : i32
    %ne3A_49 = arith.cmpi ne, %rem3A_47, %ne3A_48 : i32
    %lt3A = arith.constant 0 : i32
    %lt3A_50 = arith.cmpi slt, %rem3A_47, %lt3A : i32
    %lt3A_51 = arith.constant 0 : i32
    %lt3A_52 = arith.cmpi slt, %select_n3A_46, %lt3A_51 : i32
    %ne3A_53 = arith.xori %lt3A_50, %lt3A_52 : i1
    %and3A_54 = arith.andi %ne3A_53, %ne3A_49 : i1
    %add3A_55 = arith.addi %rem3A_47, %select_n3A_46 : i32
    %select_n3A_56 = arith.select %and3A_54, %add3A_55, %rem3A_47 : i32
    %eq3A_57 = arith.constant 0 : i32
    %eq3A_58 = arith.cmpi eq, %select_n3A_56, %eq3A_57 : i32
    %lt3A_59 = arith.constant 4 : i32
    %lt3A_60 = arith.cmpi slt, %select_n3A, %lt3A_59 : i32
    %and3A_61 = arith.andi %eq3A_58, %lt3A_60 : i1
    %jit3A_62 = arith.constant 4 : i32
    %eq3A_63 = arith.constant 0 : i32
    %eq3A_64 = arith.cmpi eq, %jit3A_62, %eq3A_63 : i32
    %jit3A_65 = arith.constant 1 : i32
    %select_n3A_66 = arith.select %eq3A_64, %jit3A_65, %jit3A_62 : i32
    %rem3A_67 = arith.remsi %add3A, %select_n3A_66 : i32
    %ne3A_68 = arith.constant 0 : i32
    %ne3A_69 = arith.cmpi ne, %rem3A_67, %ne3A_68 : i32
    %lt3A_70 = arith.constant 0 : i32
    %lt3A_71 = arith.cmpi slt, %rem3A_67, %lt3A_70 : i32
    %lt3A_72 = arith.constant 0 : i32
    %lt3A_73 = arith.cmpi slt, %select_n3A_66, %lt3A_72 : i32
    %ne3A_74 = arith.xori %lt3A_71, %lt3A_73 : i1
    %and3A_75 = arith.andi %ne3A_74, %ne3A_69 : i1
    %add3A_76 = arith.addi %rem3A_67, %select_n3A_66 : i32
    %select_n3A_77 = arith.select %and3A_75, %add3A_76, %rem3A_67 : i32
    %eq3A_78 = arith.constant 1 : i32
    %eq3A_79 = arith.cmpi eq, %select_n3A_77, %eq3A_78 : i32
    %ge3A = arith.constant 4 : i32
    %ge3A_80 = arith.cmpi sge, %select_n3A, %ge3A : i32
    %and3A_81 = arith.andi %eq3A_79, %ge3A_80 : i1
    %or3A = arith.ori %and3A_61, %and3A_81 : i1
    %eq3A_82 = arith.constant 2 : i32
    %eq3A_83 = arith.cmpi eq, %add3A, %eq3A_82 : i32
    %or3A_84 = arith.ori %or3A, %eq3A_83 : i1
    %broadcast_in_dim3A_85 = vector.broadcast %or3A_84 : i1 to vector<16xi1>
    %eq3A_86 = arith.constant 2 : i32
    %eq3A_87 = arith.cmpi eq, %add3A, %eq3A_86 : i32
    %broadcast_in_dim3A_88 = vector.broadcast %eq3A_87 : i1 to vector<16xi1>
    %broadcast_in_dim3A_89 = arith.constant 1.000000e+00 : f32
    %broadcast_in_dim3A_90 = vector.broadcast %broadcast_in_dim3A_89 : f32 to vector<16xf32>
    %dma_start3A = arith.constant 0 : i32
    %dma_start3A_91 = tpu.memref_slice %arg2[%dma_start3A] : memref<679936xi32, #tpu.memory_space<hbm>> -> memref<4096xi32, #tpu.memory_space<hbm>>
    %dma_start3A_92 = arith.constant 0 : i32
    %dma_start3A_93 = tpu.memref_slice %arg2[%dma_start3A_92] : memref<679936xi32, #tpu.memory_space<hbm>> -> memref<4096xi32, #tpu.memory_space<hbm>>
    tpu.enqueue_dma source(%dma_start3A_93 : memref<4096xi32, #tpu.memory_space<hbm>>) target(%arg18 : memref<4096xi32, #tpu.memory_space<vmem>>) target_semaphore(%arg20 : memref<!tpu.dma_semaphore, #tpu.memory_space<semaphore_mem>>)
    %scan3A_94 = arith.constant 0 : i32
    %scan3A_95 = arith.constant 0 : i32
    %scan3A_96 = arith.constant 82 : i32
    %scan3A_97 = arith.addi %scan3A_95, %scan3A_96 : i32
    %scan3A_98 = arith.constant 1 : i32
    scf.for %scan3A_125 = %scan3A_95 to %scan3A_97 step %scan3A_98  : i32 {
      %mul3A_126 = arith.constant 2 : i32
      %mul3A_127 = arith.muli %mul3A_126, %scan3A_125 : i32
      %mul3A_128 = arith.constant 2 : i32
      %mul3A_129 = arith.muli %mul3A_127, %mul3A_128 : i32
      %mul3A_130 = arith.constant 2048 : i32
      %mul3A_131 = arith.muli %mul3A_129, %mul3A_130 : i32
      %dma_wait3A_132 = tpu.memref_slice %arg2[%mul3A_131] : memref<679936xi32, #tpu.memory_space<hbm>> -> memref<4096xi32, #tpu.memory_space<hbm>>
      %dma_wait3A_133 = tpu.memref_slice %arg2[%mul3A_131] : memref<679936xi32, #tpu.memory_space<hbm>> -> memref<4096xi32, #tpu.memory_space<hbm>>
      tpu.wait_dma2 semaphore(%arg20 : memref<!tpu.dma_semaphore, #tpu.memory_space<semaphore_mem>>) src(%dma_wait3A_133 : memref<4096xi32, #tpu.memory_space<hbm>>) dst(%arg18 : memref<4096xi32, #tpu.memory_space<vmem>>)
      %add3A_134 = arith.constant 1 : i32
      %add3A_135 = arith.addi %mul3A_127, %add3A_134 : i32
      %mul3A_136 = arith.constant 2 : i32
      %mul3A_137 = arith.muli %add3A_135, %mul3A_136 : i32
      %mul3A_138 = arith.constant 2048 : i32
      %mul3A_139 = arith.muli %mul3A_137, %mul3A_138 : i32
      %dma_start3A_140 = tpu.memref_slice %arg2[%mul3A_139] : memref<679936xi32, #tpu.memory_space<hbm>> -> memref<4096xi32, #tpu.memory_space<hbm>>
      %dma_start3A_141 = tpu.memref_slice %arg2[%mul3A_139] : memref<679936xi32, #tpu.memory_space<hbm>> -> memref<4096xi32, #tpu.memory_space<hbm>>
      tpu.enqueue_dma source(%dma_start3A_141 : memref<4096xi32, #tpu.memory_space<hbm>>) target(%arg19 : memref<4096xi32, #tpu.memory_space<vmem>>) target_semaphore(%arg21 : memref<!tpu.dma_semaphore, #tpu.memory_space<semaphore_mem>>)
      %parallel_loop3A = arith.constant 0 : i32
      %parallel_loop3A_142 = arith.constant 128 : i32
      %parallel_loop3A_143 = arith.constant 1 : i32
      scf.for %parallel_loop3A_163 = %parallel_loop3A to %parallel_loop3A_142 step %parallel_loop3A_143  : i32 {
        %parallel_loop3A_164 = arith.constant 16 : i32
        %parallel_loop3A_165 = arith.muli %parallel_loop3A_163, %parallel_loop3A_164 : i32
        %parallel_loop3A_166 = arith.index_cast %parallel_loop3A_165 : i32 to index
        %parallel_loop3A_167 = tpu.vector_load %arg18[%parallel_loop3A_166] {strides = array<i32>} : memref<4096xi32, #tpu.memory_space<vmem>>, vector<16xi32>,
        %parallel_loop3A_168 = arith.constant 16 : i32
        %parallel_loop3A_169 = arith.muli %parallel_loop3A_163, %parallel_loop3A_168 : i32
        %parallel_loop3A_170 = arith.constant 2048 : i32
        %parallel_loop3A_171 = arith.addi %parallel_loop3A_170, %parallel_loop3A_169 : i32
        %parallel_loop3A_172 = arith.index_cast %parallel_loop3A_171 : i32 to index
        %parallel_loop3A_173 = tpu.vector_load %arg18[%parallel_loop3A_172] {strides = array<i32>} : memref<4096xi32, #tpu.memory_space<vmem>>, vector<16xi32>,
        %parallel_loop3A_174 = tpu.vector_load_idx %arg15[%parallel_loop3A_167] : memref<10240xf32, #tpu.memory_space<vmem>>[vector<16xi32>], vector<16xf32>,
        %parallel_loop3A_175 = tpu.vector_load_idx %arg16[%parallel_loop3A_173] : memref<10240xf32, #tpu.memory_space<vmem>>[vector<16xi32>], vector<16xf32>,
        %parallel_loop3A_176 = arith.addf %parallel_loop3A_174, %parallel_loop3A_175 : vector<16xf32>
        %parallel_loop3A_177 = arith.constant 0.000000e+00 : f32
        %parallel_loop3A_178 = vector.broadcast %parallel_loop3A_177 : f32 to vector<16xf32>
        %parallel_loop3A_179 = arith.cmpf oge, %parallel_loop3A_176, %parallel_loop3A_178 : vector<16xf32>
        %parallel_loop3A_180 = arith.constant 2.000000e-01 : f32
        %parallel_loop3A_181 = vector.broadcast %parallel_loop3A_180 : f32 to vector<16xf32>
        %parallel_loop3A_182 = arith.mulf %parallel_loop3A_181, %parallel_loop3A_176 : vector<16xf32>
        %parallel_loop3A_183 = arith.select %parallel_loop3A_179, %parallel_loop3A_176, %parallel_loop3A_182 : vector<16xi1>, vector<16xf32>
        %parallel_loop3A_184 = math.exp %parallel_loop3A_183 : vector<16xf32>
        %parallel_loop3A_185 = tpu.vector_load_idx %arg7[%parallel_loop3A_167] : memref<10240xf32, #tpu.memory_space<vmem>>[vector<16xi32>], vector<16xf32>,
        %parallel_loop3A_186 = arith.mulf %parallel_loop3A_185, %parallel_loop3A_184 : vector<16xf32>
        tpu.vector_store_idx %arg11[%parallel_loop3A_173], %parallel_loop3A_186 {add = true} : memref<10240xf32, #tpu.memory_space<vmem>>[vector<16xi32>], vector<16xf32>,
        %parallel_loop3A_187 = tpu.vector_load_idx %arg8[%parallel_loop3A_167] : memref<10240xf32, #tpu.memory_space<vmem>>[vector<16xi32>], vector<16xf32>,
        %parallel_loop3A_188 = arith.mulf %parallel_loop3A_187, %parallel_loop3A_184 : vector<16xf32>
        tpu.vector_store_idx %arg12[%parallel_loop3A_173], %parallel_loop3A_188 {add = true} : memref<10240xf32, #tpu.memory_space<vmem>>[vector<16xi32>], vector<16xf32>,
        %parallel_loop3A_189 = tpu.vector_load_idx %arg9[%parallel_loop3A_167] : memref<10240xf32, #tpu.memory_space<vmem>>[vector<16xi32>], vector<16xf32>,
        %parallel_loop3A_190 = arith.mulf %parallel_loop3A_189, %parallel_loop3A_184 : vector<16xf32>
        tpu.vector_store_idx %arg13[%parallel_loop3A_173], %parallel_loop3A_190 {add = true} : memref<10240xf32, #tpu.memory_space<vmem>>[vector<16xi32>], vector<16xf32>,
        %parallel_loop3A_191 = tpu.vector_load_idx %arg10[%parallel_loop3A_167] : memref<10240xf32, #tpu.memory_space<vmem>>[vector<16xi32>], vector<16xf32>,
        %parallel_loop3A_192 = arith.mulf %parallel_loop3A_191, %parallel_loop3A_184 : vector<16xf32>
        tpu.vector_store_idx %arg14[%parallel_loop3A_173], %parallel_loop3A_192 {add = true} : memref<10240xf32, #tpu.memory_space<vmem>>[vector<16xi32>], vector<16xf32>,
        %parallel_loop3A_193 = arith.select %broadcast_in_dim3A_88, %broadcast_in_dim3A_90, %parallel_loop3A_184 : vector<16xi1>, vector<16xf32>
        tpu.vector_store_idx %arg17[%parallel_loop3A_173], %parallel_loop3A_193 masked %broadcast_in_dim3A_85 {add = true} : memref<10240xf32, #tpu.memory_space<vmem>>[vector<16xi32>], vector<16xf32>, vector<16xi1>
      } {sc.loop_unroll_factor = 4 : i64, sc.parallel_access}
      %add3A_144 = arith.constant 1 : i32
      %add3A_145 = arith.addi %mul3A_127, %add3A_144 : i32
      %mul3A_146 = arith.constant 2 : i32
      %mul3A_147 = arith.muli %add3A_145, %mul3A_146 : i32
      %mul3A_148 = arith.constant 2048 : i32
      %mul3A_149 = arith.muli %mul3A_147, %mul3A_148 : i32
      %dma_wait3A_150 = tpu.memref_slice %arg2[%mul3A_149] : memref<679936xi32, #tpu.memory_space<hbm>> -> memref<4096xi32, #tpu.memory_space<hbm>>
      %dma_wait3A_151 = tpu.memref_slice %arg2[%mul3A_149] : memref<679936xi32, #tpu.memory_space<hbm>> -> memref<4096xi32, #tpu.memory_space<hbm>>
      tpu.wait_dma2 semaphore(%arg21 : memref<!tpu.dma_semaphore, #tpu.memory_space<semaphore_mem>>) src(%dma_wait3A_151 : memref<4096xi32, #tpu.memory_space<hbm>>) dst(%arg19 : memref<4096xi32, #tpu.memory_space<vmem>>)
      %add3A_152 = arith.constant 2 : i32
      %add3A_153 = arith.addi %mul3A_127, %add3A_152 : i32
      %mul3A_154 = arith.constant 2 : i32
      %mul3A_155 = arith.muli %add3A_153, %mul3A_154 : i32
      %mul3A_156 = arith.constant 2048 : i32
      %mul3A_157 = arith.muli %mul3A_155, %mul3A_156 : i32
      %dma_start3A_158 = tpu.memref_slice %arg2[%mul3A_157] : memref<679936xi32, #tpu.memory_space<hbm>> -> memref<4096xi32, #tpu.memory_space<hbm>>
      %dma_start3A_159 = tpu.memref_slice %arg2[%mul3A_157] : memref<679936xi32, #tpu.memory_space<hbm>> -> memref<4096xi32, #tpu.memory_space<hbm>>
      tpu.enqueue_dma source(%dma_start3A_159 : memref<4096xi32, #tpu.memory_space<hbm>>) target(%arg18 : memref<4096xi32, #tpu.memory_space<vmem>>) target_semaphore(%arg20 : memref<!tpu.dma_semaphore, #tpu.memory_space<semaphore_mem>>)
      %parallel_loop3A_160 = arith.constant 0 : i32
      %parallel_loop3A_161 = arith.constant 128 : i32
      %parallel_loop3A_162 = arith.constant 1 : i32
      scf.for %parallel_loop3A_163 = %parallel_loop3A_160 to %parallel_loop3A_161 step %parallel_loop3A_162  : i32 {
        %parallel_loop3A_164 = arith.constant 16 : i32
        %parallel_loop3A_165 = arith.muli %parallel_loop3A_163, %parallel_loop3A_164 : i32
        %parallel_loop3A_166 = arith.index_cast %parallel_loop3A_165 : i32 to index
        %parallel_loop3A_167 = tpu.vector_load %arg19[%parallel_loop3A_166] {strides = array<i32>} : memref<4096xi32, #tpu.memory_space<vmem>>, vector<16xi32>,
        %parallel_loop3A_168 = arith.constant 16 : i32
        %parallel_loop3A_169 = arith.muli %parallel_loop3A_163, %parallel_loop3A_168 : i32
        %parallel_loop3A_170 = arith.constant 2048 : i32
        %parallel_loop3A_171 = arith.addi %parallel_loop3A_170, %parallel_loop3A_169 : i32
        %parallel_loop3A_172 = arith.index_cast %parallel_loop3A_171 : i32 to index
        %parallel_loop3A_173 = tpu.vector_load %arg19[%parallel_loop3A_172] {strides = array<i32>} : memref<4096xi32, #tpu.memory_space<vmem>>, vector<16xi32>,
        %parallel_loop3A_174 = tpu.vector_load_idx %arg15[%parallel_loop3A_167] : memref<10240xf32, #tpu.memory_space<vmem>>[vector<16xi32>], vector<16xf32>,
        %parallel_loop3A_175 = tpu.vector_load_idx %arg16[%parallel_loop3A_173] : memref<10240xf32, #tpu.memory_space<vmem>>[vector<16xi32>], vector<16xf32>,
        %parallel_loop3A_176 = arith.addf %parallel_loop3A_174, %parallel_loop3A_175 : vector<16xf32>
        %parallel_loop3A_177 = arith.constant 0.000000e+00 : f32
        %parallel_loop3A_178 = vector.broadcast %parallel_loop3A_177 : f32 to vector<16xf32>
        %parallel_loop3A_179 = arith.cmpf oge, %parallel_loop3A_176, %parallel_loop3A_178 : vector<16xf32>
        %parallel_loop3A_180 = arith.constant 2.000000e-01 : f32
        %parallel_loop3A_181 = vector.broadcast %parallel_loop3A_180 : f32 to vector<16xf32>
        %parallel_loop3A_182 = arith.mulf %parallel_loop3A_181, %parallel_loop3A_176 : vector<16xf32>
        %parallel_loop3A_183 = arith.select %parallel_loop3A_179, %parallel_loop3A_176, %parallel_loop3A_182 : vector<16xi1>, vector<16xf32>
        %parallel_loop3A_184 = math.exp %parallel_loop3A_183 : vector<16xf32>
        %parallel_loop3A_185 = tpu.vector_load_idx %arg7[%parallel_loop3A_167] : memref<10240xf32, #tpu.memory_space<vmem>>[vector<16xi32>], vector<16xf32>,
        %parallel_loop3A_186 = arith.mulf %parallel_loop3A_185, %parallel_loop3A_184 : vector<16xf32>
        tpu.vector_store_idx %arg11[%parallel_loop3A_173], %parallel_loop3A_186 {add = true} : memref<10240xf32, #tpu.memory_space<vmem>>[vector<16xi32>], vector<16xf32>,
        %parallel_loop3A_187 = tpu.vector_load_idx %arg8[%parallel_loop3A_167] : memref<10240xf32, #tpu.memory_space<vmem>>[vector<16xi32>], vector<16xf32>,
        %parallel_loop3A_188 = arith.mulf %parallel_loop3A_187, %parallel_loop3A_184 : vector<16xf32>
        tpu.vector_store_idx %arg12[%parallel_loop3A_173], %parallel_loop3A_188 {add = true} : memref<10240xf32, #tpu.memory_space<vmem>>[vector<16xi32>], vector<16xf32>,
        %parallel_loop3A_189 = tpu.vector_load_idx %arg9[%parallel_loop3A_167] : memref<10240xf32, #tpu.memory_space<vmem>>[vector<16xi32>], vector<16xf32>,
        %parallel_loop3A_190 = arith.mulf %parallel_loop3A_189, %parallel_loop3A_184 : vector<16xf32>
        tpu.vector_store_idx %arg13[%parallel_loop3A_173], %parallel_loop3A_190 {add = true} : memref<10240xf32, #tpu.memory_space<vmem>>[vector<16xi32>], vector<16xf32>,
        %parallel_loop3A_191 = tpu.vector_load_idx %arg10[%parallel_loop3A_167] : memref<10240xf32, #tpu.memory_space<vmem>>[vector<16xi32>], vector<16xf32>,
        %parallel_loop3A_192 = arith.mulf %parallel_loop3A_191, %parallel_loop3A_184 : vector<16xf32>
        tpu.vector_store_idx %arg14[%parallel_loop3A_173], %parallel_loop3A_192 {add = true} : memref<10240xf32, #tpu.memory_space<vmem>>[vector<16xi32>], vector<16xf32>,
        %parallel_loop3A_193 = arith.select %broadcast_in_dim3A_88, %broadcast_in_dim3A_90, %parallel_loop3A_184 : vector<16xi1>, vector<16xf32>
        tpu.vector_store_idx %arg17[%parallel_loop3A_173], %parallel_loop3A_193 masked %broadcast_in_dim3A_85 {add = true} : memref<10240xf32, #tpu.memory_space<vmem>>[vector<16xi32>], vector<16xf32>, vector<16xi1>
      } {sc.loop_unroll_factor = 4 : i64, sc.parallel_access}
    }
    %scan3A_99 = arith.constant 82 : i32
    %dma_wait3A = arith.constant 671744 : i32
    %dma_wait3A_100 = tpu.memref_slice %arg2[%dma_wait3A] : memref<679936xi32, #tpu.memory_space<hbm>> -> memref<4096xi32, #tpu.memory_space<hbm>>
    %dma_wait3A_101 = arith.constant 671744 : i32
    %dma_wait3A_102 = tpu.memref_slice %arg2[%dma_wait3A_101] : memref<679936xi32, #tpu.memory_space<hbm>> -> memref<4096xi32, #tpu.memory_space<hbm>>
    tpu.wait_dma2 semaphore(%arg20 : memref<!tpu.dma_semaphore, #tpu.memory_space<semaphore_mem>>) src(%dma_wait3A_102 : memref<4096xi32, #tpu.memory_space<hbm>>) dst(%arg18 : memref<4096xi32, #tpu.memory_space<vmem>>)
    %mul3A_103 = arith.constant 4 : i32
    %mul3A_104 = arith.muli %add3A, %mul3A_103 : i32
    %add3A_105 = arith.constant 0 : i32
    %add3A_106 = arith.addi %mul3A_104, %add3A_105 : i32
    "tpu.region"() ({
      %run_scoped3A = tpu.sem_alloc : memref<!tpu.dma_semaphore, #tpu.memory_space<semaphore_mem>>
      %dma_start3A_125 = arith.constant 0 : i32
      %dma_start3A_126 = tpu.memref_slice %arg4[%add3A_106, %dma_start3A_125] : memref<128x10240xf32, #tpu.memory_space<hbm>> -> memref<1x10240xf32, #tpu.memory_space<hbm>>
      %dma_start3A_127 = tpu.memref_squeeze %dma_start3A_126 : memref<1x10240xf32, #tpu.memory_space<hbm>> -> memref<10240xf32, #tpu.memory_space<hbm>>
      %dma_start3A_128 = arith.constant 0 : i32
      %dma_start3A_129 = tpu.memref_slice %arg4[%add3A_106, %dma_start3A_128] : memref<128x10240xf32, #tpu.memory_space<hbm>> -> memref<1x10240xf32, #tpu.memory_space<hbm>>
      %dma_start3A_130 = tpu.memref_squeeze %dma_start3A_129 : memref<1x10240xf32, #tpu.memory_space<hbm>> -> memref<10240xf32, #tpu.memory_space<hbm>>
      tpu.enqueue_dma source(%arg11 : memref<10240xf32, #tpu.memory_space<vmem>>) target(%dma_start3A_130 : memref<10240xf32, #tpu.memory_space<hbm>>) target_semaphore(%run_scoped3A : memref<!tpu.dma_semaphore, #tpu.memory_space<semaphore_mem>>)
      %dma_wait3A_131 = arith.constant 0 : i32
      %dma_wait3A_132 = tpu.memref_slice %arg4[%add3A_106, %dma_wait3A_131] : memref<128x10240xf32, #tpu.memory_space<hbm>> -> memref<1x10240xf32, #tpu.memory_space<hbm>>
      %dma_wait3A_133 = tpu.memref_squeeze %dma_wait3A_132 : memref<1x10240xf32, #tpu.memory_space<hbm>> -> memref<10240xf32, #tpu.memory_space<hbm>>
      %dma_wait3A_134 = arith.constant 0 : i32
      %dma_wait3A_135 = tpu.memref_slice %arg4[%add3A_106, %dma_wait3A_134] : memref<128x10240xf32, #tpu.memory_space<hbm>> -> memref<1x10240xf32, #tpu.memory_space<hbm>>
      %dma_wait3A_136 = tpu.memref_squeeze %dma_wait3A_135 : memref<1x10240xf32, #tpu.memory_space<hbm>> -> memref<10240xf32, #tpu.memory_space<hbm>>
      tpu.wait_dma2 semaphore(%run_scoped3A : memref<!tpu.dma_semaphore, #tpu.memory_space<semaphore_mem>>) src(%arg11 : memref<10240xf32, #tpu.memory_space<vmem>>) dst(%dma_wait3A_136 : memref<10240xf32, #tpu.memory_space<hbm>>)
      tpu.yield
    }) : () -> ()
    %mul3A_107 = arith.constant 4 : i32
    %mul3A_108 = arith.muli %add3A, %mul3A_107 : i32
    %add3A_109 = arith.constant 1 : i32
    %add3A_110 = arith.addi %mul3A_108, %add3A_109 : i32
    "tpu.region"() ({
      %run_scoped3A = tpu.sem_alloc : memref<!tpu.dma_semaphore, #tpu.memory_space<semaphore_mem>>
      %dma_start3A_125 = arith.constant 0 : i32
      %dma_start3A_126 = tpu.memref_slice %arg4[%add3A_110, %dma_start3A_125] : memref<128x10240xf32, #tpu.memory_space<hbm>> -> memref<1x10240xf32, #tpu.memory_space<hbm>>
      %dma_start3A_127 = tpu.memref_squeeze %dma_start3A_126 : memref<1x10240xf32, #tpu.memory_space<hbm>> -> memref<10240xf32, #tpu.memory_space<hbm>>
      %dma_start3A_128 = arith.constant 0 : i32
      %dma_start3A_129 = tpu.memref_slice %arg4[%add3A_110, %dma_start3A_128] : memref<128x10240xf32, #tpu.memory_space<hbm>> -> memref<1x10240xf32, #tpu.memory_space<hbm>>
      %dma_start3A_130 = tpu.memref_squeeze %dma_start3A_129 : memref<1x10240xf32, #tpu.memory_space<hbm>> -> memref<10240xf32, #tpu.memory_space<hbm>>
      tpu.enqueue_dma source(%arg12 : memref<10240xf32, #tpu.memory_space<vmem>>) target(%dma_start3A_130 : memref<10240xf32, #tpu.memory_space<hbm>>) target_semaphore(%run_scoped3A : memref<!tpu.dma_semaphore, #tpu.memory_space<semaphore_mem>>)
      %dma_wait3A_131 = arith.constant 0 : i32
      %dma_wait3A_132 = tpu.memref_slice %arg4[%add3A_110, %dma_wait3A_131] : memref<128x10240xf32, #tpu.memory_space<hbm>> -> memref<1x10240xf32, #tpu.memory_space<hbm>>
      %dma_wait3A_133 = tpu.memref_squeeze %dma_wait3A_132 : memref<1x10240xf32, #tpu.memory_space<hbm>> -> memref<10240xf32, #tpu.memory_space<hbm>>
      %dma_wait3A_134 = arith.constant 0 : i32
      %dma_wait3A_135 = tpu.memref_slice %arg4[%add3A_110, %dma_wait3A_134] : memref<128x10240xf32, #tpu.memory_space<hbm>> -> memref<1x10240xf32, #tpu.memory_space<hbm>>
      %dma_wait3A_136 = tpu.memref_squeeze %dma_wait3A_135 : memref<1x10240xf32, #tpu.memory_space<hbm>> -> memref<10240xf32, #tpu.memory_space<hbm>>
      tpu.wait_dma2 semaphore(%run_scoped3A : memref<!tpu.dma_semaphore, #tpu.memory_space<semaphore_mem>>) src(%arg12 : memref<10240xf32, #tpu.memory_space<vmem>>) dst(%dma_wait3A_136 : memref<10240xf32, #tpu.memory_space<hbm>>)
      tpu.yield
    }) : () -> ()
    %mul3A_111 = arith.constant 4 : i32
    %mul3A_112 = arith.muli %add3A, %mul3A_111 : i32
    %add3A_113 = arith.constant 2 : i32
    %add3A_114 = arith.addi %mul3A_112, %add3A_113 : i32
    "tpu.region"() ({
      %run_scoped3A = tpu.sem_alloc : memref<!tpu.dma_semaphore, #tpu.memory_space<semaphore_mem>>
      %dma_start3A_125 = arith.constant 0 : i32
      %dma_start3A_126 = tpu.memref_slice %arg4[%add3A_114, %dma_start3A_125] : memref<128x10240xf32, #tpu.memory_space<hbm>> -> memref<1x10240xf32, #tpu.memory_space<hbm>>
      %dma_start3A_127 = tpu.memref_squeeze %dma_start3A_126 : memref<1x10240xf32, #tpu.memory_space<hbm>> -> memref<10240xf32, #tpu.memory_space<hbm>>
      %dma_start3A_128 = arith.constant 0 : i32
      %dma_start3A_129 = tpu.memref_slice %arg4[%add3A_114, %dma_start3A_128] : memref<128x10240xf32, #tpu.memory_space<hbm>> -> memref<1x10240xf32, #tpu.memory_space<hbm>>
      %dma_start3A_130 = tpu.memref_squeeze %dma_start3A_129 : memref<1x10240xf32, #tpu.memory_space<hbm>> -> memref<10240xf32, #tpu.memory_space<hbm>>
      tpu.enqueue_dma source(%arg13 : memref<10240xf32, #tpu.memory_space<vmem>>) target(%dma_start3A_130 : memref<10240xf32, #tpu.memory_space<hbm>>) target_semaphore(%run_scoped3A : memref<!tpu.dma_semaphore, #tpu.memory_space<semaphore_mem>>)
      %dma_wait3A_131 = arith.constant 0 : i32
      %dma_wait3A_132 = tpu.memref_slice %arg4[%add3A_114, %dma_wait3A_131] : memref<128x10240xf32, #tpu.memory_space<hbm>> -> memref<1x10240xf32, #tpu.memory_space<hbm>>
      %dma_wait3A_133 = tpu.memref_squeeze %dma_wait3A_132 : memref<1x10240xf32, #tpu.memory_space<hbm>> -> memref<10240xf32, #tpu.memory_space<hbm>>
      %dma_wait3A_134 = arith.constant 0 : i32
      %dma_wait3A_135 = tpu.memref_slice %arg4[%add3A_114, %dma_wait3A_134] : memref<128x10240xf32, #tpu.memory_space<hbm>> -> memref<1x10240xf32, #tpu.memory_space<hbm>>
      %dma_wait3A_136 = tpu.memref_squeeze %dma_wait3A_135 : memref<1x10240xf32, #tpu.memory_space<hbm>> -> memref<10240xf32, #tpu.memory_space<hbm>>
      tpu.wait_dma2 semaphore(%run_scoped3A : memref<!tpu.dma_semaphore, #tpu.memory_space<semaphore_mem>>) src(%arg13 : memref<10240xf32, #tpu.memory_space<vmem>>) dst(%dma_wait3A_136 : memref<10240xf32, #tpu.memory_space<hbm>>)
      tpu.yield
    }) : () -> ()
    %mul3A_115 = arith.constant 4 : i32
    %mul3A_116 = arith.muli %add3A, %mul3A_115 : i32
    %add3A_117 = arith.constant 3 : i32
    %add3A_118 = arith.addi %mul3A_116, %add3A_117 : i32
    "tpu.region"() ({
      %run_scoped3A = tpu.sem_alloc : memref<!tpu.dma_semaphore, #tpu.memory_space<semaphore_mem>>
      %dma_start3A_125 = arith.constant 0 : i32
      %dma_start3A_126 = tpu.memref_slice %arg4[%add3A_118, %dma_start3A_125] : memref<128x10240xf32, #tpu.memory_space<hbm>> -> memref<1x10240xf32, #tpu.memory_space<hbm>>
      %dma_start3A_127 = tpu.memref_squeeze %dma_start3A_126 : memref<1x10240xf32, #tpu.memory_space<hbm>> -> memref<10240xf32, #tpu.memory_space<hbm>>
      %dma_start3A_128 = arith.constant 0 : i32
      %dma_start3A_129 = tpu.memref_slice %arg4[%add3A_118, %dma_start3A_128] : memref<128x10240xf32, #tpu.memory_space<hbm>> -> memref<1x10240xf32, #tpu.memory_space<hbm>>
      %dma_start3A_130 = tpu.memref_squeeze %dma_start3A_129 : memref<1x10240xf32, #tpu.memory_space<hbm>> -> memref<10240xf32, #tpu.memory_space<hbm>>
      tpu.enqueue_dma source(%arg14 : memref<10240xf32, #tpu.memory_space<vmem>>) target(%dma_start3A_130 : memref<10240xf32, #tpu.memory_space<hbm>>) target_semaphore(%run_scoped3A : memref<!tpu.dma_semaphore, #tpu.memory_space<semaphore_mem>>)
      %dma_wait3A_131 = arith.constant 0 : i32
      %dma_wait3A_132 = tpu.memref_slice %arg4[%add3A_118, %dma_wait3A_131] : memref<128x10240xf32, #tpu.memory_space<hbm>> -> memref<1x10240xf32, #tpu.memory_space<hbm>>
      %dma_wait3A_133 = tpu.memref_squeeze %dma_wait3A_132 : memref<1x10240xf32, #tpu.memory_space<hbm>> -> memref<10240xf32, #tpu.memory_space<hbm>>
      %dma_wait3A_134 = arith.constant 0 : i32
      %dma_wait3A_135 = tpu.memref_slice %arg4[%add3A_118, %dma_wait3A_134] : memref<128x10240xf32, #tpu.memory_space<hbm>> -> memref<1x10240xf32, #tpu.memory_space<hbm>>
      %dma_wait3A_136 = tpu.memref_squeeze %dma_wait3A_135 : memref<1x10240xf32, #tpu.memory_space<hbm>> -> memref<10240xf32, #tpu.memory_space<hbm>>
      tpu.wait_dma2 semaphore(%run_scoped3A : memref<!tpu.dma_semaphore, #tpu.memory_space<semaphore_mem>>) src(%arg14 : memref<10240xf32, #tpu.memory_space<vmem>>) dst(%dma_wait3A_136 : memref<10240xf32, #tpu.memory_space<hbm>>)
      tpu.yield
    }) : () -> ()
    %convert_element_type3A = arith.extui %or3A : i1 to i32
    %cond3A = arith.constant 0 : i32
    %cond3A_119 = arith.cmpi ne, %convert_element_type3A, %cond3A : i32
    scf.if %cond3A_119 {
      "tpu.region"() ({
        %run_scoped3A = tpu.sem_alloc : memref<!tpu.dma_semaphore, #tpu.memory_space<semaphore_mem>>
        %dma_start3A_125 = arith.constant 0 : i32
        %dma_start3A_126 = tpu.memref_slice %arg5[%select_n3A, %dma_start3A_125] : memref<8x10240xf32, #tpu.memory_space<hbm>> -> memref<1x10240xf32, #tpu.memory_space<hbm>>
        %dma_start3A_127 = tpu.memref_squeeze %dma_start3A_126 : memref<1x10240xf32, #tpu.memory_space<hbm>> -> memref<10240xf32, #tpu.memory_space<hbm>>
        %dma_start3A_128 = arith.constant 0 : i32
        %dma_start3A_129 = tpu.memref_slice %arg5[%select_n3A, %dma_start3A_128] : memref<8x10240xf32, #tpu.memory_space<hbm>> -> memref<1x10240xf32, #tpu.memory_space<hbm>>
        %dma_start3A_130 = tpu.memref_squeeze %dma_start3A_129 : memref<1x10240xf32, #tpu.memory_space<hbm>> -> memref<10240xf32, #tpu.memory_space<hbm>>
        tpu.enqueue_dma source(%arg17 : memref<10240xf32, #tpu.memory_space<vmem>>) target(%dma_start3A_130 : memref<10240xf32, #tpu.memory_space<hbm>>) target_semaphore(%run_scoped3A : memref<!tpu.dma_semaphore, #tpu.memory_space<semaphore_mem>>)
        %dma_wait3A_131 = arith.constant 0 : i32
        %dma_wait3A_132 = tpu.memref_slice %arg5[%select_n3A, %dma_wait3A_131] : memref<8x10240xf32, #tpu.memory_space<hbm>> -> memref<1x10240xf32, #tpu.memory_space<hbm>>
        %dma_wait3A_133 = tpu.memref_squeeze %dma_wait3A_132 : memref<1x10240xf32, #tpu.memory_space<hbm>> -> memref<10240xf32, #tpu.memory_space<hbm>>
        %dma_wait3A_134 = arith.constant 0 : i32
        %dma_wait3A_135 = tpu.memref_slice %arg5[%select_n3A, %dma_wait3A_134] : memref<8x10240xf32, #tpu.memory_space<hbm>> -> memref<1x10240xf32, #tpu.memory_space<hbm>>
        %dma_wait3A_136 = tpu.memref_squeeze %dma_wait3A_135 : memref<1x10240xf32, #tpu.memory_space<hbm>> -> memref<10240xf32, #tpu.memory_space<hbm>>
        tpu.wait_dma2 semaphore(%run_scoped3A : memref<!tpu.dma_semaphore, #tpu.memory_space<semaphore_mem>>) src(%arg17 : memref<10240xf32, #tpu.memory_space<vmem>>) dst(%dma_wait3A_136 : memref<10240xf32, #tpu.memory_space<hbm>>)
        tpu.yield
      }) : () -> ()
    } else {
    }
    %eq3A_120 = arith.constant 2 : i32
    %eq3A_121 = arith.cmpi eq, %add3A, %eq3A_120 : i32
    %convert_element_type3A_122 = arith.extui %eq3A_121 : i1 to i32
    %cond3A_123 = arith.constant 0 : i32
    %cond3A_124 = arith.cmpi ne, %convert_element_type3A_122, %cond3A_123 : i32
    scf.if %cond3A_124 {
      "tpu.region"() ({
        %run_scoped3A = tpu.sem_alloc : memref<!tpu.dma_semaphore, #tpu.memory_space<semaphore_mem>>
        tpu.enqueue_dma source(%arg17 : memref<10240xf32, #tpu.memory_space<vmem>>) target(%arg6 : memref<10240xf32, #tpu.memory_space<hbm>>) target_semaphore(%run_scoped3A : memref<!tpu.dma_semaphore, #tpu.memory_space<semaphore_mem>>)
        tpu.wait_dma2 semaphore(%run_scoped3A : memref<!tpu.dma_semaphore, #tpu.memory_space<semaphore_mem>>) src(%arg17 : memref<10240xf32, #tpu.memory_space<vmem>>) dst(%arg6 : memref<10240xf32, #tpu.memory_space<hbm>>)
        tpu.yield
      }) : () -> ()
    } else {
    }
    return
  }
}

#map = affine_map<(d0, d1) -> (0)>
#map1 = affine_map<(d0, d1) -> (0, 0)>
module attributes {stable_mosaic.version = 14 : i64} {
  func.func @gat_pass(%arg0: i32, %arg1: i32, %arg2: memref<679936xi32, #tpu.memory_space<hbm>>, %arg3: memref<80x10240xf32, #tpu.memory_space<hbm>>, %arg4: memref<64x10240xf32, #tpu.memory_space<hbm>>, %arg5: memref<8x10240xf32, #tpu.memory_space<hbm>>, %arg6: memref<10240xf32, #tpu.memory_space<vmem>>, %arg7: memref<10240xf32, #tpu.memory_space<vmem>>, %arg8: memref<10240xf32, #tpu.memory_space<vmem>>, %arg9: memref<10240xf32, #tpu.memory_space<vmem>>, %arg10: memref<10240xf32, #tpu.memory_space<vmem>>, %arg11: memref<10240xf32, #tpu.memory_space<vmem>>, %arg12: memref<10240xf32, #tpu.memory_space<vmem>>, %arg13: memref<4096xi32, #tpu.memory_space<vmem>>, %arg14: memref<4096xi32, #tpu.memory_space<vmem>>, %arg15: memref<!tpu.dma_semaphore, #tpu.memory_space<semaphore_mem>>, %arg16: memref<!tpu.dma_semaphore, #tpu.memory_space<semaphore_mem>>) attributes {dimension_semantics = [#tpu.dimension_semantics<core_parallel>, #tpu.dimension_semantics<subcore_parallel>], iteration_bounds = array<i64: 2, 16>, scalar_prefetch = 0 : i64, scratch_operands = 11 : i64, tpu.core_type = #tpu.core_type<sc_vector_subcore>, window_params = [{transform_indices = #map}, {transform_indices = #map1}, {transform_indices = #map1}, {transform_indices = #map1}]} {
    %mul3A = arith.constant 2 : i32
    %mul3A_0 = arith.muli %arg1, %mul3A : i32
    %add3A = arith.addi %mul3A_0, %arg0 : i32
    %jit3A = arith.constant 4 : i32
    %div3A = arith.divsi %add3A, %jit3A : i32
    %sign3A = arith.constant 0 : i32
    %sign3A_1 = arith.cmpi sgt, %add3A, %sign3A : i32
    %sign3A_2 = arith.extui %sign3A_1 : i1 to i32
    %sign3A_3 = arith.constant 0 : i32
    %sign3A_4 = arith.cmpi slt, %add3A, %sign3A_3 : i32
    %sign3A_5 = arith.extui %sign3A_4 : i1 to i32
    %sign3A_6 = arith.subi %sign3A_2, %sign3A_5 : i32
    %sign3A_7 = arith.constant 0 : i32
    %sign3A_8 = arith.cmpi sgt, %jit3A, %sign3A_7 : i32
    %sign3A_9 = arith.extui %sign3A_8 : i1 to i32
    %sign3A_10 = arith.constant 0 : i32
    %sign3A_11 = arith.cmpi slt, %jit3A, %sign3A_10 : i32
    %sign3A_12 = arith.extui %sign3A_11 : i1 to i32
    %sign3A_13 = arith.subi %sign3A_9, %sign3A_12 : i32
    %ne3A = arith.cmpi ne, %sign3A_6, %sign3A_13 : i32
    %rem3A = arith.remsi %add3A, %jit3A : i32
    %ne3A_14 = arith.constant 0 : i32
    %ne3A_15 = arith.cmpi ne, %rem3A, %ne3A_14 : i32
    %and3A = arith.andi %ne3A, %ne3A_15 : i1
    %sub3A = arith.constant 1 : i32
    %sub3A_16 = arith.subi %div3A, %sub3A : i32
    %select_n3A = arith.select %and3A, %sub3A_16, %div3A : i32
    %mul3A_17 = arith.constant 2 : i32
    %mul3A_18 = arith.muli %add3A, %mul3A_17 : i32
    %add3A_19 = arith.constant 0 : i32
    %add3A_20 = arith.addi %mul3A_18, %add3A_19 : i32
    "tpu.region"() ({
      %run_scoped3A = tpu.sem_alloc : memref<!tpu.dma_semaphore, #tpu.memory_space<semaphore_mem>>
      %dma_start3A_96 = arith.constant 0 : i32
      %dma_start3A_97 = tpu.memref_slice %arg3[%add3A_20, %dma_start3A_96] : memref<80x10240xf32, #tpu.memory_space<hbm>> -> memref<1x10240xf32, #tpu.memory_space<hbm>>
      %dma_start3A_98 = tpu.memref_squeeze %dma_start3A_97 : memref<1x10240xf32, #tpu.memory_space<hbm>> -> memref<10240xf32, #tpu.memory_space<hbm>>
      %dma_start3A_99 = arith.constant 0 : i32
      %dma_start3A_100 = tpu.memref_slice %arg3[%add3A_20, %dma_start3A_99] : memref<80x10240xf32, #tpu.memory_space<hbm>> -> memref<1x10240xf32, #tpu.memory_space<hbm>>
      %dma_start3A_101 = tpu.memref_squeeze %dma_start3A_100 : memref<1x10240xf32, #tpu.memory_space<hbm>> -> memref<10240xf32, #tpu.memory_space<hbm>>
      tpu.enqueue_dma source(%dma_start3A_101 : memref<10240xf32, #tpu.memory_space<hbm>>) target(%arg6 : memref<10240xf32, #tpu.memory_space<vmem>>) target_semaphore(%run_scoped3A : memref<!tpu.dma_semaphore, #tpu.memory_space<semaphore_mem>>)
      %dma_wait3A_102 = arith.constant 0 : i32
      %dma_wait3A_103 = tpu.memref_slice %arg3[%add3A_20, %dma_wait3A_102] : memref<80x10240xf32, #tpu.memory_space<hbm>> -> memref<1x10240xf32, #tpu.memory_space<hbm>>
      %dma_wait3A_104 = tpu.memref_squeeze %dma_wait3A_103 : memref<1x10240xf32, #tpu.memory_space<hbm>> -> memref<10240xf32, #tpu.memory_space<hbm>>
      %dma_wait3A_105 = arith.constant 0 : i32
      %dma_wait3A_106 = tpu.memref_slice %arg3[%add3A_20, %dma_wait3A_105] : memref<80x10240xf32, #tpu.memory_space<hbm>> -> memref<1x10240xf32, #tpu.memory_space<hbm>>
      %dma_wait3A_107 = tpu.memref_squeeze %dma_wait3A_106 : memref<1x10240xf32, #tpu.memory_space<hbm>> -> memref<10240xf32, #tpu.memory_space<hbm>>
      tpu.wait_dma2 semaphore(%run_scoped3A : memref<!tpu.dma_semaphore, #tpu.memory_space<semaphore_mem>>) src(%dma_wait3A_107 : memref<10240xf32, #tpu.memory_space<hbm>>) dst(%arg6 : memref<10240xf32, #tpu.memory_space<vmem>>)
      tpu.yield
    }) : () -> ()
    %mul3A_21 = arith.constant 2 : i32
    %mul3A_22 = arith.muli %add3A, %mul3A_21 : i32
    %add3A_23 = arith.constant 1 : i32
    %add3A_24 = arith.addi %mul3A_22, %add3A_23 : i32
    "tpu.region"() ({
      %run_scoped3A = tpu.sem_alloc : memref<!tpu.dma_semaphore, #tpu.memory_space<semaphore_mem>>
      %dma_start3A_96 = arith.constant 0 : i32
      %dma_start3A_97 = tpu.memref_slice %arg3[%add3A_24, %dma_start3A_96] : memref<80x10240xf32, #tpu.memory_space<hbm>> -> memref<1x10240xf32, #tpu.memory_space<hbm>>
      %dma_start3A_98 = tpu.memref_squeeze %dma_start3A_97 : memref<1x10240xf32, #tpu.memory_space<hbm>> -> memref<10240xf32, #tpu.memory_space<hbm>>
      %dma_start3A_99 = arith.constant 0 : i32
      %dma_start3A_100 = tpu.memref_slice %arg3[%add3A_24, %dma_start3A_99] : memref<80x10240xf32, #tpu.memory_space<hbm>> -> memref<1x10240xf32, #tpu.memory_space<hbm>>
      %dma_start3A_101 = tpu.memref_squeeze %dma_start3A_100 : memref<1x10240xf32, #tpu.memory_space<hbm>> -> memref<10240xf32, #tpu.memory_space<hbm>>
      tpu.enqueue_dma source(%dma_start3A_101 : memref<10240xf32, #tpu.memory_space<hbm>>) target(%arg7 : memref<10240xf32, #tpu.memory_space<vmem>>) target_semaphore(%run_scoped3A : memref<!tpu.dma_semaphore, #tpu.memory_space<semaphore_mem>>)
      %dma_wait3A_102 = arith.constant 0 : i32
      %dma_wait3A_103 = tpu.memref_slice %arg3[%add3A_24, %dma_wait3A_102] : memref<80x10240xf32, #tpu.memory_space<hbm>> -> memref<1x10240xf32, #tpu.memory_space<hbm>>
      %dma_wait3A_104 = tpu.memref_squeeze %dma_wait3A_103 : memref<1x10240xf32, #tpu.memory_space<hbm>> -> memref<10240xf32, #tpu.memory_space<hbm>>
      %dma_wait3A_105 = arith.constant 0 : i32
      %dma_wait3A_106 = tpu.memref_slice %arg3[%add3A_24, %dma_wait3A_105] : memref<80x10240xf32, #tpu.memory_space<hbm>> -> memref<1x10240xf32, #tpu.memory_space<hbm>>
      %dma_wait3A_107 = tpu.memref_squeeze %dma_wait3A_106 : memref<1x10240xf32, #tpu.memory_space<hbm>> -> memref<10240xf32, #tpu.memory_space<hbm>>
      tpu.wait_dma2 semaphore(%run_scoped3A : memref<!tpu.dma_semaphore, #tpu.memory_space<semaphore_mem>>) src(%dma_wait3A_107 : memref<10240xf32, #tpu.memory_space<hbm>>) dst(%arg7 : memref<10240xf32, #tpu.memory_space<vmem>>)
      tpu.yield
    }) : () -> ()
    %add3A_25 = arith.constant 64 : i32
    %add3A_26 = arith.addi %add3A_25, %select_n3A : i32
    "tpu.region"() ({
      %run_scoped3A = tpu.sem_alloc : memref<!tpu.dma_semaphore, #tpu.memory_space<semaphore_mem>>
      %dma_start3A_96 = arith.constant 0 : i32
      %dma_start3A_97 = tpu.memref_slice %arg3[%add3A_26, %dma_start3A_96] : memref<80x10240xf32, #tpu.memory_space<hbm>> -> memref<1x10240xf32, #tpu.memory_space<hbm>>
      %dma_start3A_98 = tpu.memref_squeeze %dma_start3A_97 : memref<1x10240xf32, #tpu.memory_space<hbm>> -> memref<10240xf32, #tpu.memory_space<hbm>>
      %dma_start3A_99 = arith.constant 0 : i32
      %dma_start3A_100 = tpu.memref_slice %arg3[%add3A_26, %dma_start3A_99] : memref<80x10240xf32, #tpu.memory_space<hbm>> -> memref<1x10240xf32, #tpu.memory_space<hbm>>
      %dma_start3A_101 = tpu.memref_squeeze %dma_start3A_100 : memref<1x10240xf32, #tpu.memory_space<hbm>> -> memref<10240xf32, #tpu.memory_space<hbm>>
      tpu.enqueue_dma source(%dma_start3A_101 : memref<10240xf32, #tpu.memory_space<hbm>>) target(%arg10 : memref<10240xf32, #tpu.memory_space<vmem>>) target_semaphore(%run_scoped3A : memref<!tpu.dma_semaphore, #tpu.memory_space<semaphore_mem>>)
      %dma_wait3A_102 = arith.constant 0 : i32
      %dma_wait3A_103 = tpu.memref_slice %arg3[%add3A_26, %dma_wait3A_102] : memref<80x10240xf32, #tpu.memory_space<hbm>> -> memref<1x10240xf32, #tpu.memory_space<hbm>>
      %dma_wait3A_104 = tpu.memref_squeeze %dma_wait3A_103 : memref<1x10240xf32, #tpu.memory_space<hbm>> -> memref<10240xf32, #tpu.memory_space<hbm>>
      %dma_wait3A_105 = arith.constant 0 : i32
      %dma_wait3A_106 = tpu.memref_slice %arg3[%add3A_26, %dma_wait3A_105] : memref<80x10240xf32, #tpu.memory_space<hbm>> -> memref<1x10240xf32, #tpu.memory_space<hbm>>
      %dma_wait3A_107 = tpu.memref_squeeze %dma_wait3A_106 : memref<1x10240xf32, #tpu.memory_space<hbm>> -> memref<10240xf32, #tpu.memory_space<hbm>>
      tpu.wait_dma2 semaphore(%run_scoped3A : memref<!tpu.dma_semaphore, #tpu.memory_space<semaphore_mem>>) src(%dma_wait3A_107 : memref<10240xf32, #tpu.memory_space<hbm>>) dst(%arg10 : memref<10240xf32, #tpu.memory_space<vmem>>)
      tpu.yield
    }) : () -> ()
    %add3A_27 = arith.constant 72 : i32
    %add3A_28 = arith.addi %add3A_27, %select_n3A : i32
    "tpu.region"() ({
      %run_scoped3A = tpu.sem_alloc : memref<!tpu.dma_semaphore, #tpu.memory_space<semaphore_mem>>
      %dma_start3A_96 = arith.constant 0 : i32
      %dma_start3A_97 = tpu.memref_slice %arg3[%add3A_28, %dma_start3A_96] : memref<80x10240xf32, #tpu.memory_space<hbm>> -> memref<1x10240xf32, #tpu.memory_space<hbm>>
      %dma_start3A_98 = tpu.memref_squeeze %dma_start3A_97 : memref<1x10240xf32, #tpu.memory_space<hbm>> -> memref<10240xf32, #tpu.memory_space<hbm>>
      %dma_start3A_99 = arith.constant 0 : i32
      %dma_start3A_100 = tpu.memref_slice %arg3[%add3A_28, %dma_start3A_99] : memref<80x10240xf32, #tpu.memory_space<hbm>> -> memref<1x10240xf32, #tpu.memory_space<hbm>>
      %dma_start3A_101 = tpu.memref_squeeze %dma_start3A_100 : memref<1x10240xf32, #tpu.memory_space<hbm>> -> memref<10240xf32, #tpu.memory_space<hbm>>
      tpu.enqueue_dma source(%dma_start3A_101 : memref<10240xf32, #tpu.memory_space<hbm>>) target(%arg11 : memref<10240xf32, #tpu.memory_space<vmem>>) target_semaphore(%run_scoped3A : memref<!tpu.dma_semaphore, #tpu.memory_space<semaphore_mem>>)
      %dma_wait3A_102 = arith.constant 0 : i32
      %dma_wait3A_103 = tpu.memref_slice %arg3[%add3A_28, %dma_wait3A_102] : memref<80x10240xf32, #tpu.memory_space<hbm>> -> memref<1x10240xf32, #tpu.memory_space<hbm>>
      %dma_wait3A_104 = tpu.memref_squeeze %dma_wait3A_103 : memref<1x10240xf32, #tpu.memory_space<hbm>> -> memref<10240xf32, #tpu.memory_space<hbm>>
      %dma_wait3A_105 = arith.constant 0 : i32
      %dma_wait3A_106 = tpu.memref_slice %arg3[%add3A_28, %dma_wait3A_105] : memref<80x10240xf32, #tpu.memory_space<hbm>> -> memref<1x10240xf32, #tpu.memory_space<hbm>>
      %dma_wait3A_107 = tpu.memref_squeeze %dma_wait3A_106 : memref<1x10240xf32, #tpu.memory_space<hbm>> -> memref<10240xf32, #tpu.memory_space<hbm>>
      tpu.wait_dma2 semaphore(%run_scoped3A : memref<!tpu.dma_semaphore, #tpu.memory_space<semaphore_mem>>) src(%dma_wait3A_107 : memref<10240xf32, #tpu.memory_space<hbm>>) dst(%arg11 : memref<10240xf32, #tpu.memory_space<vmem>>)
      tpu.yield
    }) : () -> ()
    %broadcast_in_dim3A = arith.constant 0.000000e+00 : f32
    %broadcast_in_dim3A_29 = vector.broadcast %broadcast_in_dim3A : f32 to vector<16xf32>
    %scan3A = arith.constant 0 : i32
    %scan3A_30 = arith.constant 0 : i32
    %scan3A_31 = arith.constant 640 : i32
    %scan3A_32 = arith.addi %scan3A_30, %scan3A_31 : i32
    %scan3A_33 = arith.constant 1 : i32
    scf.for %scan3A_96 = %scan3A_30 to %scan3A_32 step %scan3A_33  : i32 {
      %mul3A_97 = arith.constant 16 : i32
      %mul3A_98 = arith.muli %scan3A_96, %mul3A_97 : i32
      %swap3A = arith.index_cast %mul3A_98 : i32 to index
      %swap3A_99 = tpu.vector_load %arg8[%swap3A] {strides = array<i32>} : memref<10240xf32, #tpu.memory_space<vmem>>, vector<16xf32>,
      tpu.vector_store %arg8[%swap3A], %broadcast_in_dim3A_29 {strides = array<i32>} : memref<10240xf32, #tpu.memory_space<vmem>>, vector<16xf32>,
      %mul3A_100 = arith.constant 16 : i32
      %mul3A_101 = arith.muli %scan3A_96, %mul3A_100 : i32
      %swap3A_102 = arith.index_cast %mul3A_101 : i32 to index
      %swap3A_103 = tpu.vector_load %arg9[%swap3A_102] {strides = array<i32>} : memref<10240xf32, #tpu.memory_space<vmem>>, vector<16xf32>,
      tpu.vector_store %arg9[%swap3A_102], %broadcast_in_dim3A_29 {strides = array<i32>} : memref<10240xf32, #tpu.memory_space<vmem>>, vector<16xf32>,
      %mul3A_104 = arith.constant 16 : i32
      %mul3A_105 = arith.muli %scan3A_96, %mul3A_104 : i32
      %swap3A_106 = arith.index_cast %mul3A_105 : i32 to index
      %swap3A_107 = tpu.vector_load %arg12[%swap3A_106] {strides = array<i32>} : memref<10240xf32, #tpu.memory_space<vmem>>, vector<16xf32>,
      tpu.vector_store %arg12[%swap3A_106], %broadcast_in_dim3A_29 {strides = array<i32>} : memref<10240xf32, #tpu.memory_space<vmem>>, vector<16xf32>,
    }
    %scan3A_34 = arith.constant 640 : i32
    %jit3A_35 = arith.constant 4 : i32
    %eq3A = arith.constant 0 : i32
    %eq3A_36 = arith.cmpi eq, %jit3A_35, %eq3A : i32
    %jit3A_37 = arith.constant 1 : i32
    %select_n3A_38 = arith.select %eq3A_36, %jit3A_37, %jit3A_35 : i32
    %rem3A_39 = arith.remsi %add3A, %select_n3A_38 : i32
    %ne3A_40 = arith.constant 0 : i32
    %ne3A_41 = arith.cmpi ne, %rem3A_39, %ne3A_40 : i32
    %lt3A = arith.constant 0 : i32
    %lt3A_42 = arith.cmpi slt, %rem3A_39, %lt3A : i32
    %lt3A_43 = arith.constant 0 : i32
    %lt3A_44 = arith.cmpi slt, %select_n3A_38, %lt3A_43 : i32
    %ne3A_45 = arith.xori %lt3A_42, %lt3A_44 : i1
    %and3A_46 = arith.andi %ne3A_45, %ne3A_41 : i1
    %add3A_47 = arith.addi %rem3A_39, %select_n3A_38 : i32
    %select_n3A_48 = arith.select %and3A_46, %add3A_47, %rem3A_39 : i32
    %eq3A_49 = arith.constant 0 : i32
    %eq3A_50 = arith.cmpi eq, %select_n3A_48, %eq3A_49 : i32
    %lt3A_51 = arith.constant 4 : i32
    %lt3A_52 = arith.cmpi slt, %select_n3A, %lt3A_51 : i32
    %and3A_53 = arith.andi %eq3A_50, %lt3A_52 : i1
    %jit3A_54 = arith.constant 4 : i32
    %eq3A_55 = arith.constant 0 : i32
    %eq3A_56 = arith.cmpi eq, %jit3A_54, %eq3A_55 : i32
    %jit3A_57 = arith.constant 1 : i32
    %select_n3A_58 = arith.select %eq3A_56, %jit3A_57, %jit3A_54 : i32
    %rem3A_59 = arith.remsi %add3A, %select_n3A_58 : i32
    %ne3A_60 = arith.constant 0 : i32
    %ne3A_61 = arith.cmpi ne, %rem3A_59, %ne3A_60 : i32
    %lt3A_62 = arith.constant 0 : i32
    %lt3A_63 = arith.cmpi slt, %rem3A_59, %lt3A_62 : i32
    %lt3A_64 = arith.constant 0 : i32
    %lt3A_65 = arith.cmpi slt, %select_n3A_58, %lt3A_64 : i32
    %ne3A_66 = arith.xori %lt3A_63, %lt3A_65 : i1
    %and3A_67 = arith.andi %ne3A_66, %ne3A_61 : i1
    %add3A_68 = arith.addi %rem3A_59, %select_n3A_58 : i32
    %select_n3A_69 = arith.select %and3A_67, %add3A_68, %rem3A_59 : i32
    %eq3A_70 = arith.constant 1 : i32
    %eq3A_71 = arith.cmpi eq, %select_n3A_69, %eq3A_70 : i32
    %ge3A = arith.constant 4 : i32
    %ge3A_72 = arith.cmpi sge, %select_n3A, %ge3A : i32
    %and3A_73 = arith.andi %eq3A_71, %ge3A_72 : i1
    %or3A = arith.ori %and3A_53, %and3A_73 : i1
    %broadcast_in_dim3A_74 = vector.broadcast %or3A : i1 to vector<16xi1>
    %dma_start3A = arith.constant 0 : i32
    %dma_start3A_75 = tpu.memref_slice %arg2[%dma_start3A] : memref<679936xi32, #tpu.memory_space<hbm>> -> memref<4096xi32, #tpu.memory_space<hbm>>
    %dma_start3A_76 = arith.constant 0 : i32
    %dma_start3A_77 = tpu.memref_slice %arg2[%dma_start3A_76] : memref<679936xi32, #tpu.memory_space<hbm>> -> memref<4096xi32, #tpu.memory_space<hbm>>
    tpu.enqueue_dma source(%dma_start3A_77 : memref<4096xi32, #tpu.memory_space<hbm>>) target(%arg13 : memref<4096xi32, #tpu.memory_space<vmem>>) target_semaphore(%arg15 : memref<!tpu.dma_semaphore, #tpu.memory_space<semaphore_mem>>)
    %scan3A_78 = arith.constant 0 : i32
    %scan3A_79 = arith.constant 0 : i32
    %scan3A_80 = arith.constant 82 : i32
    %scan3A_81 = arith.addi %scan3A_79, %scan3A_80 : i32
    %scan3A_82 = arith.constant 1 : i32
    scf.for %scan3A_96 = %scan3A_79 to %scan3A_81 step %scan3A_82  : i32 {
      %mul3A_97 = arith.constant 2 : i32
      %mul3A_98 = arith.muli %mul3A_97, %scan3A_96 : i32
      %mul3A_99 = arith.constant 2 : i32
      %mul3A_100 = arith.muli %mul3A_98, %mul3A_99 : i32
      %mul3A_101 = arith.constant 2048 : i32
      %mul3A_102 = arith.muli %mul3A_100, %mul3A_101 : i32
      %dma_wait3A_103 = tpu.memref_slice %arg2[%mul3A_102] : memref<679936xi32, #tpu.memory_space<hbm>> -> memref<4096xi32, #tpu.memory_space<hbm>>
      %dma_wait3A_104 = tpu.memref_slice %arg2[%mul3A_102] : memref<679936xi32, #tpu.memory_space<hbm>> -> memref<4096xi32, #tpu.memory_space<hbm>>
      tpu.wait_dma2 semaphore(%arg15 : memref<!tpu.dma_semaphore, #tpu.memory_space<semaphore_mem>>) src(%dma_wait3A_104 : memref<4096xi32, #tpu.memory_space<hbm>>) dst(%arg13 : memref<4096xi32, #tpu.memory_space<vmem>>)
      %add3A_105 = arith.constant 1 : i32
      %add3A_106 = arith.addi %mul3A_98, %add3A_105 : i32
      %mul3A_107 = arith.constant 2 : i32
      %mul3A_108 = arith.muli %add3A_106, %mul3A_107 : i32
      %mul3A_109 = arith.constant 2048 : i32
      %mul3A_110 = arith.muli %mul3A_108, %mul3A_109 : i32
      %dma_start3A_111 = tpu.memref_slice %arg2[%mul3A_110] : memref<679936xi32, #tpu.memory_space<hbm>> -> memref<4096xi32, #tpu.memory_space<hbm>>
      %dma_start3A_112 = tpu.memref_slice %arg2[%mul3A_110] : memref<679936xi32, #tpu.memory_space<hbm>> -> memref<4096xi32, #tpu.memory_space<hbm>>
      tpu.enqueue_dma source(%dma_start3A_112 : memref<4096xi32, #tpu.memory_space<hbm>>) target(%arg14 : memref<4096xi32, #tpu.memory_space<vmem>>) target_semaphore(%arg16 : memref<!tpu.dma_semaphore, #tpu.memory_space<semaphore_mem>>)
      %parallel_loop3A = arith.constant 0 : i32
      %parallel_loop3A_113 = arith.constant 128 : i32
      %parallel_loop3A_114 = arith.constant 1 : i32
      scf.for %parallel_loop3A_134 = %parallel_loop3A to %parallel_loop3A_113 step %parallel_loop3A_114  : i32 {
        %parallel_loop3A_135 = arith.constant 16 : i32
        %parallel_loop3A_136 = arith.muli %parallel_loop3A_134, %parallel_loop3A_135 : i32
        %parallel_loop3A_137 = arith.index_cast %parallel_loop3A_136 : i32 to index
        %parallel_loop3A_138 = tpu.vector_load %arg13[%parallel_loop3A_137] {strides = array<i32>} : memref<4096xi32, #tpu.memory_space<vmem>>, vector<16xi32>,
        %parallel_loop3A_139 = arith.constant 16 : i32
        %parallel_loop3A_140 = arith.muli %parallel_loop3A_134, %parallel_loop3A_139 : i32
        %parallel_loop3A_141 = arith.constant 2048 : i32
        %parallel_loop3A_142 = arith.addi %parallel_loop3A_141, %parallel_loop3A_140 : i32
        %parallel_loop3A_143 = arith.index_cast %parallel_loop3A_142 : i32 to index
        %parallel_loop3A_144 = tpu.vector_load %arg13[%parallel_loop3A_143] {strides = array<i32>} : memref<4096xi32, #tpu.memory_space<vmem>>, vector<16xi32>,
        %parallel_loop3A_145 = tpu.vector_load_idx %arg10[%parallel_loop3A_138] : memref<10240xf32, #tpu.memory_space<vmem>>[vector<16xi32>], vector<16xf32>,
        %parallel_loop3A_146 = tpu.vector_load_idx %arg11[%parallel_loop3A_144] : memref<10240xf32, #tpu.memory_space<vmem>>[vector<16xi32>], vector<16xf32>,
        %parallel_loop3A_147 = arith.addf %parallel_loop3A_145, %parallel_loop3A_146 : vector<16xf32>
        %parallel_loop3A_148 = arith.constant 0.000000e+00 : f32
        %parallel_loop3A_149 = vector.broadcast %parallel_loop3A_148 : f32 to vector<16xf32>
        %parallel_loop3A_150 = arith.cmpf oge, %parallel_loop3A_147, %parallel_loop3A_149 : vector<16xf32>
        %parallel_loop3A_151 = arith.constant 2.000000e-01 : f32
        %parallel_loop3A_152 = vector.broadcast %parallel_loop3A_151 : f32 to vector<16xf32>
        %parallel_loop3A_153 = arith.mulf %parallel_loop3A_152, %parallel_loop3A_147 : vector<16xf32>
        %parallel_loop3A_154 = arith.select %parallel_loop3A_150, %parallel_loop3A_147, %parallel_loop3A_153 : vector<16xi1>, vector<16xf32>
        %parallel_loop3A_155 = math.exp %parallel_loop3A_154 : vector<16xf32>
        %parallel_loop3A_156 = tpu.vector_load_idx %arg6[%parallel_loop3A_138] : memref<10240xf32, #tpu.memory_space<vmem>>[vector<16xi32>], vector<16xf32>,
        %parallel_loop3A_157 = arith.mulf %parallel_loop3A_156, %parallel_loop3A_155 : vector<16xf32>
        tpu.vector_store_idx %arg8[%parallel_loop3A_144], %parallel_loop3A_157 {add = true} : memref<10240xf32, #tpu.memory_space<vmem>>[vector<16xi32>], vector<16xf32>,
        %parallel_loop3A_158 = tpu.vector_load_idx %arg7[%parallel_loop3A_138] : memref<10240xf32, #tpu.memory_space<vmem>>[vector<16xi32>], vector<16xf32>,
        %parallel_loop3A_159 = arith.mulf %parallel_loop3A_158, %parallel_loop3A_155 : vector<16xf32>
        tpu.vector_store_idx %arg9[%parallel_loop3A_144], %parallel_loop3A_159 {add = true} : memref<10240xf32, #tpu.memory_space<vmem>>[vector<16xi32>], vector<16xf32>,
        tpu.vector_store_idx %arg12[%parallel_loop3A_144], %parallel_loop3A_155 masked %broadcast_in_dim3A_74 {add = true} : memref<10240xf32, #tpu.memory_space<vmem>>[vector<16xi32>], vector<16xf32>, vector<16xi1>
      } {sc.loop_unroll_factor = 4 : i64, sc.parallel_access}
      %add3A_115 = arith.constant 1 : i32
      %add3A_116 = arith.addi %mul3A_98, %add3A_115 : i32
      %mul3A_117 = arith.constant 2 : i32
      %mul3A_118 = arith.muli %add3A_116, %mul3A_117 : i32
      %mul3A_119 = arith.constant 2048 : i32
      %mul3A_120 = arith.muli %mul3A_118, %mul3A_119 : i32
      %dma_wait3A_121 = tpu.memref_slice %arg2[%mul3A_120] : memref<679936xi32, #tpu.memory_space<hbm>> -> memref<4096xi32, #tpu.memory_space<hbm>>
      %dma_wait3A_122 = tpu.memref_slice %arg2[%mul3A_120] : memref<679936xi32, #tpu.memory_space<hbm>> -> memref<4096xi32, #tpu.memory_space<hbm>>
      tpu.wait_dma2 semaphore(%arg16 : memref<!tpu.dma_semaphore, #tpu.memory_space<semaphore_mem>>) src(%dma_wait3A_122 : memref<4096xi32, #tpu.memory_space<hbm>>) dst(%arg14 : memref<4096xi32, #tpu.memory_space<vmem>>)
      %add3A_123 = arith.constant 2 : i32
      %add3A_124 = arith.addi %mul3A_98, %add3A_123 : i32
      %mul3A_125 = arith.constant 2 : i32
      %mul3A_126 = arith.muli %add3A_124, %mul3A_125 : i32
      %mul3A_127 = arith.constant 2048 : i32
      %mul3A_128 = arith.muli %mul3A_126, %mul3A_127 : i32
      %dma_start3A_129 = tpu.memref_slice %arg2[%mul3A_128] : memref<679936xi32, #tpu.memory_space<hbm>> -> memref<4096xi32, #tpu.memory_space<hbm>>
      %dma_start3A_130 = tpu.memref_slice %arg2[%mul3A_128] : memref<679936xi32, #tpu.memory_space<hbm>> -> memref<4096xi32, #tpu.memory_space<hbm>>
      tpu.enqueue_dma source(%dma_start3A_130 : memref<4096xi32, #tpu.memory_space<hbm>>) target(%arg13 : memref<4096xi32, #tpu.memory_space<vmem>>) target_semaphore(%arg15 : memref<!tpu.dma_semaphore, #tpu.memory_space<semaphore_mem>>)
      %parallel_loop3A_131 = arith.constant 0 : i32
      %parallel_loop3A_132 = arith.constant 128 : i32
      %parallel_loop3A_133 = arith.constant 1 : i32
      scf.for %parallel_loop3A_134 = %parallel_loop3A_131 to %parallel_loop3A_132 step %parallel_loop3A_133  : i32 {
        %parallel_loop3A_135 = arith.constant 16 : i32
        %parallel_loop3A_136 = arith.muli %parallel_loop3A_134, %parallel_loop3A_135 : i32
        %parallel_loop3A_137 = arith.index_cast %parallel_loop3A_136 : i32 to index
        %parallel_loop3A_138 = tpu.vector_load %arg14[%parallel_loop3A_137] {strides = array<i32>} : memref<4096xi32, #tpu.memory_space<vmem>>, vector<16xi32>,
        %parallel_loop3A_139 = arith.constant 16 : i32
        %parallel_loop3A_140 = arith.muli %parallel_loop3A_134, %parallel_loop3A_139 : i32
        %parallel_loop3A_141 = arith.constant 2048 : i32
        %parallel_loop3A_142 = arith.addi %parallel_loop3A_141, %parallel_loop3A_140 : i32
        %parallel_loop3A_143 = arith.index_cast %parallel_loop3A_142 : i32 to index
        %parallel_loop3A_144 = tpu.vector_load %arg14[%parallel_loop3A_143] {strides = array<i32>} : memref<4096xi32, #tpu.memory_space<vmem>>, vector<16xi32>,
        %parallel_loop3A_145 = tpu.vector_load_idx %arg10[%parallel_loop3A_138] : memref<10240xf32, #tpu.memory_space<vmem>>[vector<16xi32>], vector<16xf32>,
        %parallel_loop3A_146 = tpu.vector_load_idx %arg11[%parallel_loop3A_144] : memref<10240xf32, #tpu.memory_space<vmem>>[vector<16xi32>], vector<16xf32>,
        %parallel_loop3A_147 = arith.addf %parallel_loop3A_145, %parallel_loop3A_146 : vector<16xf32>
        %parallel_loop3A_148 = arith.constant 0.000000e+00 : f32
        %parallel_loop3A_149 = vector.broadcast %parallel_loop3A_148 : f32 to vector<16xf32>
        %parallel_loop3A_150 = arith.cmpf oge, %parallel_loop3A_147, %parallel_loop3A_149 : vector<16xf32>
        %parallel_loop3A_151 = arith.constant 2.000000e-01 : f32
        %parallel_loop3A_152 = vector.broadcast %parallel_loop3A_151 : f32 to vector<16xf32>
        %parallel_loop3A_153 = arith.mulf %parallel_loop3A_152, %parallel_loop3A_147 : vector<16xf32>
        %parallel_loop3A_154 = arith.select %parallel_loop3A_150, %parallel_loop3A_147, %parallel_loop3A_153 : vector<16xi1>, vector<16xf32>
        %parallel_loop3A_155 = math.exp %parallel_loop3A_154 : vector<16xf32>
        %parallel_loop3A_156 = tpu.vector_load_idx %arg6[%parallel_loop3A_138] : memref<10240xf32, #tpu.memory_space<vmem>>[vector<16xi32>], vector<16xf32>,
        %parallel_loop3A_157 = arith.mulf %parallel_loop3A_156, %parallel_loop3A_155 : vector<16xf32>
        tpu.vector_store_idx %arg8[%parallel_loop3A_144], %parallel_loop3A_157 {add = true} : memref<10240xf32, #tpu.memory_space<vmem>>[vector<16xi32>], vector<16xf32>,
        %parallel_loop3A_158 = tpu.vector_load_idx %arg7[%parallel_loop3A_138] : memref<10240xf32, #tpu.memory_space<vmem>>[vector<16xi32>], vector<16xf32>,
        %parallel_loop3A_159 = arith.mulf %parallel_loop3A_158, %parallel_loop3A_155 : vector<16xf32>
        tpu.vector_store_idx %arg9[%parallel_loop3A_144], %parallel_loop3A_159 {add = true} : memref<10240xf32, #tpu.memory_space<vmem>>[vector<16xi32>], vector<16xf32>,
        tpu.vector_store_idx %arg12[%parallel_loop3A_144], %parallel_loop3A_155 masked %broadcast_in_dim3A_74 {add = true} : memref<10240xf32, #tpu.memory_space<vmem>>[vector<16xi32>], vector<16xf32>, vector<16xi1>
      } {sc.loop_unroll_factor = 4 : i64, sc.parallel_access}
    }
    %scan3A_83 = arith.constant 82 : i32
    %dma_wait3A = arith.constant 671744 : i32
    %dma_wait3A_84 = tpu.memref_slice %arg2[%dma_wait3A] : memref<679936xi32, #tpu.memory_space<hbm>> -> memref<4096xi32, #tpu.memory_space<hbm>>
    %dma_wait3A_85 = arith.constant 671744 : i32
    %dma_wait3A_86 = tpu.memref_slice %arg2[%dma_wait3A_85] : memref<679936xi32, #tpu.memory_space<hbm>> -> memref<4096xi32, #tpu.memory_space<hbm>>
    tpu.wait_dma2 semaphore(%arg15 : memref<!tpu.dma_semaphore, #tpu.memory_space<semaphore_mem>>) src(%dma_wait3A_86 : memref<4096xi32, #tpu.memory_space<hbm>>) dst(%arg13 : memref<4096xi32, #tpu.memory_space<vmem>>)
    %mul3A_87 = arith.constant 2 : i32
    %mul3A_88 = arith.muli %add3A, %mul3A_87 : i32
    %add3A_89 = arith.constant 0 : i32
    %add3A_90 = arith.addi %mul3A_88, %add3A_89 : i32
    "tpu.region"() ({
      %run_scoped3A = tpu.sem_alloc : memref<!tpu.dma_semaphore, #tpu.memory_space<semaphore_mem>>
      %dma_start3A_96 = arith.constant 0 : i32
      %dma_start3A_97 = tpu.memref_slice %arg4[%add3A_90, %dma_start3A_96] : memref<64x10240xf32, #tpu.memory_space<hbm>> -> memref<1x10240xf32, #tpu.memory_space<hbm>>
      %dma_start3A_98 = tpu.memref_squeeze %dma_start3A_97 : memref<1x10240xf32, #tpu.memory_space<hbm>> -> memref<10240xf32, #tpu.memory_space<hbm>>
      %dma_start3A_99 = arith.constant 0 : i32
      %dma_start3A_100 = tpu.memref_slice %arg4[%add3A_90, %dma_start3A_99] : memref<64x10240xf32, #tpu.memory_space<hbm>> -> memref<1x10240xf32, #tpu.memory_space<hbm>>
      %dma_start3A_101 = tpu.memref_squeeze %dma_start3A_100 : memref<1x10240xf32, #tpu.memory_space<hbm>> -> memref<10240xf32, #tpu.memory_space<hbm>>
      tpu.enqueue_dma source(%arg8 : memref<10240xf32, #tpu.memory_space<vmem>>) target(%dma_start3A_101 : memref<10240xf32, #tpu.memory_space<hbm>>) target_semaphore(%run_scoped3A : memref<!tpu.dma_semaphore, #tpu.memory_space<semaphore_mem>>)
      %dma_wait3A_102 = arith.constant 0 : i32
      %dma_wait3A_103 = tpu.memref_slice %arg4[%add3A_90, %dma_wait3A_102] : memref<64x10240xf32, #tpu.memory_space<hbm>> -> memref<1x10240xf32, #tpu.memory_space<hbm>>
      %dma_wait3A_104 = tpu.memref_squeeze %dma_wait3A_103 : memref<1x10240xf32, #tpu.memory_space<hbm>> -> memref<10240xf32, #tpu.memory_space<hbm>>
      %dma_wait3A_105 = arith.constant 0 : i32
      %dma_wait3A_106 = tpu.memref_slice %arg4[%add3A_90, %dma_wait3A_105] : memref<64x10240xf32, #tpu.memory_space<hbm>> -> memref<1x10240xf32, #tpu.memory_space<hbm>>
      %dma_wait3A_107 = tpu.memref_squeeze %dma_wait3A_106 : memref<1x10240xf32, #tpu.memory_space<hbm>> -> memref<10240xf32, #tpu.memory_space<hbm>>
      tpu.wait_dma2 semaphore(%run_scoped3A : memref<!tpu.dma_semaphore, #tpu.memory_space<semaphore_mem>>) src(%arg8 : memref<10240xf32, #tpu.memory_space<vmem>>) dst(%dma_wait3A_107 : memref<10240xf32, #tpu.memory_space<hbm>>)
      tpu.yield
    }) : () -> ()
    %mul3A_91 = arith.constant 2 : i32
    %mul3A_92 = arith.muli %add3A, %mul3A_91 : i32
    %add3A_93 = arith.constant 1 : i32
    %add3A_94 = arith.addi %mul3A_92, %add3A_93 : i32
    "tpu.region"() ({
      %run_scoped3A = tpu.sem_alloc : memref<!tpu.dma_semaphore, #tpu.memory_space<semaphore_mem>>
      %dma_start3A_96 = arith.constant 0 : i32
      %dma_start3A_97 = tpu.memref_slice %arg4[%add3A_94, %dma_start3A_96] : memref<64x10240xf32, #tpu.memory_space<hbm>> -> memref<1x10240xf32, #tpu.memory_space<hbm>>
      %dma_start3A_98 = tpu.memref_squeeze %dma_start3A_97 : memref<1x10240xf32, #tpu.memory_space<hbm>> -> memref<10240xf32, #tpu.memory_space<hbm>>
      %dma_start3A_99 = arith.constant 0 : i32
      %dma_start3A_100 = tpu.memref_slice %arg4[%add3A_94, %dma_start3A_99] : memref<64x10240xf32, #tpu.memory_space<hbm>> -> memref<1x10240xf32, #tpu.memory_space<hbm>>
      %dma_start3A_101 = tpu.memref_squeeze %dma_start3A_100 : memref<1x10240xf32, #tpu.memory_space<hbm>> -> memref<10240xf32, #tpu.memory_space<hbm>>
      tpu.enqueue_dma source(%arg9 : memref<10240xf32, #tpu.memory_space<vmem>>) target(%dma_start3A_101 : memref<10240xf32, #tpu.memory_space<hbm>>) target_semaphore(%run_scoped3A : memref<!tpu.dma_semaphore, #tpu.memory_space<semaphore_mem>>)
      %dma_wait3A_102 = arith.constant 0 : i32
      %dma_wait3A_103 = tpu.memref_slice %arg4[%add3A_94, %dma_wait3A_102] : memref<64x10240xf32, #tpu.memory_space<hbm>> -> memref<1x10240xf32, #tpu.memory_space<hbm>>
      %dma_wait3A_104 = tpu.memref_squeeze %dma_wait3A_103 : memref<1x10240xf32, #tpu.memory_space<hbm>> -> memref<10240xf32, #tpu.memory_space<hbm>>
      %dma_wait3A_105 = arith.constant 0 : i32
      %dma_wait3A_106 = tpu.memref_slice %arg4[%add3A_94, %dma_wait3A_105] : memref<64x10240xf32, #tpu.memory_space<hbm>> -> memref<1x10240xf32, #tpu.memory_space<hbm>>
      %dma_wait3A_107 = tpu.memref_squeeze %dma_wait3A_106 : memref<1x10240xf32, #tpu.memory_space<hbm>> -> memref<10240xf32, #tpu.memory_space<hbm>>
      tpu.wait_dma2 semaphore(%run_scoped3A : memref<!tpu.dma_semaphore, #tpu.memory_space<semaphore_mem>>) src(%arg9 : memref<10240xf32, #tpu.memory_space<vmem>>) dst(%dma_wait3A_107 : memref<10240xf32, #tpu.memory_space<hbm>>)
      tpu.yield
    }) : () -> ()
    %convert_element_type3A = arith.extui %or3A : i1 to i32
    %cond3A = arith.constant 0 : i32
    %cond3A_95 = arith.cmpi ne, %convert_element_type3A, %cond3A : i32
    scf.if %cond3A_95 {
      "tpu.region"() ({
        %run_scoped3A = tpu.sem_alloc : memref<!tpu.dma_semaphore, #tpu.memory_space<semaphore_mem>>
        %dma_start3A_96 = arith.constant 0 : i32
        %dma_start3A_97 = tpu.memref_slice %arg5[%select_n3A, %dma_start3A_96] : memref<8x10240xf32, #tpu.memory_space<hbm>> -> memref<1x10240xf32, #tpu.memory_space<hbm>>
        %dma_start3A_98 = tpu.memref_squeeze %dma_start3A_97 : memref<1x10240xf32, #tpu.memory_space<hbm>> -> memref<10240xf32, #tpu.memory_space<hbm>>
        %dma_start3A_99 = arith.constant 0 : i32
        %dma_start3A_100 = tpu.memref_slice %arg5[%select_n3A, %dma_start3A_99] : memref<8x10240xf32, #tpu.memory_space<hbm>> -> memref<1x10240xf32, #tpu.memory_space<hbm>>
        %dma_start3A_101 = tpu.memref_squeeze %dma_start3A_100 : memref<1x10240xf32, #tpu.memory_space<hbm>> -> memref<10240xf32, #tpu.memory_space<hbm>>
        tpu.enqueue_dma source(%arg12 : memref<10240xf32, #tpu.memory_space<vmem>>) target(%dma_start3A_101 : memref<10240xf32, #tpu.memory_space<hbm>>) target_semaphore(%run_scoped3A : memref<!tpu.dma_semaphore, #tpu.memory_space<semaphore_mem>>)
        %dma_wait3A_102 = arith.constant 0 : i32
        %dma_wait3A_103 = tpu.memref_slice %arg5[%select_n3A, %dma_wait3A_102] : memref<8x10240xf32, #tpu.memory_space<hbm>> -> memref<1x10240xf32, #tpu.memory_space<hbm>>
        %dma_wait3A_104 = tpu.memref_squeeze %dma_wait3A_103 : memref<1x10240xf32, #tpu.memory_space<hbm>> -> memref<10240xf32, #tpu.memory_space<hbm>>
        %dma_wait3A_105 = arith.constant 0 : i32
        %dma_wait3A_106 = tpu.memref_slice %arg5[%select_n3A, %dma_wait3A_105] : memref<8x10240xf32, #tpu.memory_space<hbm>> -> memref<1x10240xf32, #tpu.memory_space<hbm>>
        %dma_wait3A_107 = tpu.memref_squeeze %dma_wait3A_106 : memref<1x10240xf32, #tpu.memory_space<hbm>> -> memref<10240xf32, #tpu.memory_space<hbm>>
        tpu.wait_dma2 semaphore(%run_scoped3A : memref<!tpu.dma_semaphore, #tpu.memory_space<semaphore_mem>>) src(%arg12 : memref<10240xf32, #tpu.memory_space<vmem>>) dst(%dma_wait3A_107 : memref<10240xf32, #tpu.memory_space<hbm>>)
        tpu.yield
      }) : () -> ()
    } else {
    }
    return
  }
}

module attributes {stable_mosaic.version = 14 : i64} {
  func.func @_mm_kernel(%arg0: i32, %arg1: memref<144x128xf32, #tpu.memory_space<vmem>>, %arg2: memref<128x10240xf32, #tpu.memory_space<vmem>>, %arg3: memref<144x10240xf32, #tpu.memory_space<vmem>>) attributes {dimension_semantics = [#tpu.dimension_semantics<arbitrary>], iteration_bounds = array<i64: 1>, scalar_prefetch = 0 : i64, scratch_operands = 0 : i64, tpu.core_type = #tpu.core_type<tc>, window_params = [{pipeline_mode = #tpu.pipeline_mode<synchronous>, transform_indices = @transform_0, window_bounds = array<i64: 144, 128>}, {transform_indices = @transform_1, window_bounds = array<i64: 128, 10240>}, {transform_indices = @transform_2, window_bounds = array<i64: 144, 10240>}]} {
    %get3A = arith.constant 0 : index
    %get3A_0 = arith.constant 0 : index
    %get3A_1 = vector.load %arg1[%get3A, %get3A_0] : memref<144x128xf32, #tpu.memory_space<vmem>>, vector<144x128xf32>
    %get3A_2 = arith.constant 0 : index
    %get3A_3 = arith.constant 0 : index
    %get3A_4 = vector.load %arg2[%get3A_2, %get3A_3] : memref<128x10240xf32, #tpu.memory_space<vmem>>, vector<128x10240xf32>
    %dot_general3A = arith.constant dense<0.000000e+00> : vector<144x10240xf32>
    %dot_general3A_5 = tpu.matmul %get3A_1, %get3A_4, %dot_general3A {dimension_numbers = #tpu.dot_dimension_numbers<[1], [0], [0], [1], [0, 0, 1, 1], [], []>, transpose_lhs_hint = false} : vector<144x128xf32>, vector<128x10240xf32>, vector<144x10240xf32> -> vector<144x10240xf32>
    %swap3A = arith.constant 0 : index
    %swap3A_6 = arith.constant 0 : index
    %swap3A_7 = vector.load %arg3[%swap3A, %swap3A_6] : memref<144x10240xf32, #tpu.memory_space<vmem>>, vector<144x10240xf32>
    tpu.vector_store %arg3[%swap3A, %swap3A_6], %dot_general3A_5 {strides = array<i32>} : memref<144x10240xf32, #tpu.memory_space<vmem>>, vector<144x10240xf32>,
    return
  }
  func.func @transform_0(%arg0: i32) -> (i32, i32) {
    %c0_i32 = arith.constant 0 : i32
    %c0_i32_0 = arith.constant 0 : i32
    %c0_i32_1 = arith.constant 0 : i32
    return %c0_i32, %c0_i32_0 : i32, i32
  }
  func.func @transform_1(%arg0: i32) -> (i32, i32) {
    %c0_i32 = arith.constant 0 : i32
    %c0_i32_0 = arith.constant 0 : i32
    return %c0_i32, %arg0 : i32, i32
  }
  func.func @transform_2(%arg0: i32) -> (i32, i32) {
    %c0_i32 = arith.constant 0 : i32
    %c0_i32_0 = arith.constant 0 : i32
    return %c0_i32, %arg0 : i32, i32
  }
}

module attributes {stable_mosaic.version = 14 : i64} {
  func.func @_boundary_kernel(%arg0: i32, %arg1: memref<128x10240xf32, #tpu.memory_space<vmem>>, %arg2: memref<8x10240xf32, #tpu.memory_space<vmem>>, %arg3: memref<128x1xf32, #tpu.memory_space<vmem>>, %arg4: memref<80x128xf32, #tpu.memory_space<vmem>>, %arg5: memref<80x10240xf32, #tpu.memory_space<vmem>>) attributes {dimension_semantics = [#tpu.dimension_semantics<arbitrary>], iteration_bounds = array<i64: 1>, scalar_prefetch = 0 : i64, scratch_operands = 0 : i64, tpu.core_type = #tpu.core_type<tc>, window_params = [{transform_indices = @transform_0, window_bounds = array<i64: 128, 10240>}, {transform_indices = @transform_1, window_bounds = array<i64: 8, 10240>}, {pipeline_mode = #tpu.pipeline_mode<synchronous>, transform_indices = @transform_2, window_bounds = array<i64: 128, 1>}, {pipeline_mode = #tpu.pipeline_mode<synchronous>, transform_indices = @transform_3, window_bounds = array<i64: 80, 128>}, {transform_indices = @transform_4, window_bounds = array<i64: 80, 10240>}]} {
    %get3A = arith.constant 0 : index
    %get3A_0 = arith.constant 0 : index
    %get3A_1 = vector.load %arg1[%get3A, %get3A_0] : memref<128x10240xf32, #tpu.memory_space<vmem>>, vector<128x10240xf32>
    %get3A_2 = arith.constant 0 : index
    %get3A_3 = arith.constant 0 : index
    %get3A_4 = vector.load %arg2[%get3A_2, %get3A_3] : memref<8x10240xf32, #tpu.memory_space<vmem>>, vector<8x10240xf32>
    %slice3A = vector.extract_strided_slice %get3A_1 {offsets = [0, 0], sizes = [16, 10240], strides = [1, 1]} : vector<128x10240xf32> to vector<16x10240xf32>
    %slice3A_5 = vector.extract_strided_slice %get3A_4 {offsets = [0, 0], sizes = [1, 10240], strides = [1, 1]} : vector<8x10240xf32> to vector<1x10240xf32>
    %add3A = arith.constant 1.000000e-16 : f32
    %add3A_6 = vector.broadcast %add3A : f32 to vector<1x10240xf32>
    %add3A_7 = arith.addf %slice3A_5, %add3A_6 : vector<1x10240xf32>
    %div3A = vector.broadcast %add3A_7 : vector<1x10240xf32> to vector<16x10240xf32>
    %div3A_8 = arith.divf %slice3A, %div3A : vector<16x10240xf32>
    %slice3A_9 = vector.extract_strided_slice %get3A_1 {offsets = [16, 0], sizes = [16, 10240], strides = [1, 1]} : vector<128x10240xf32> to vector<16x10240xf32>
    %slice3A_10 = vector.extract_strided_slice %get3A_4 {offsets = [1, 0], sizes = [1, 10240], strides = [1, 1]} : vector<8x10240xf32> to vector<1x10240xf32>
    %add3A_11 = arith.constant 1.000000e-16 : f32
    %add3A_12 = vector.broadcast %add3A_11 : f32 to vector<1x10240xf32>
    %add3A_13 = arith.addf %slice3A_10, %add3A_12 : vector<1x10240xf32>
    %div3A_14 = vector.broadcast %add3A_13 : vector<1x10240xf32> to vector<16x10240xf32>
    %div3A_15 = arith.divf %slice3A_9, %div3A_14 : vector<16x10240xf32>
    %slice3A_16 = vector.extract_strided_slice %get3A_1 {offsets = [32, 0], sizes = [16, 10240], strides = [1, 1]} : vector<128x10240xf32> to vector<16x10240xf32>
    %slice3A_17 = vector.extract_strided_slice %get3A_4 {offsets = [2, 0], sizes = [1, 10240], strides = [1, 1]} : vector<8x10240xf32> to vector<1x10240xf32>
    %add3A_18 = arith.constant 1.000000e-16 : f32
    %add3A_19 = vector.broadcast %add3A_18 : f32 to vector<1x10240xf32>
    %add3A_20 = arith.addf %slice3A_17, %add3A_19 : vector<1x10240xf32>
    %div3A_21 = vector.broadcast %add3A_20 : vector<1x10240xf32> to vector<16x10240xf32>
    %div3A_22 = arith.divf %slice3A_16, %div3A_21 : vector<16x10240xf32>
    %slice3A_23 = vector.extract_strided_slice %get3A_1 {offsets = [48, 0], sizes = [16, 10240], strides = [1, 1]} : vector<128x10240xf32> to vector<16x10240xf32>
    %slice3A_24 = vector.extract_strided_slice %get3A_4 {offsets = [3, 0], sizes = [1, 10240], strides = [1, 1]} : vector<8x10240xf32> to vector<1x10240xf32>
    %add3A_25 = arith.constant 1.000000e-16 : f32
    %add3A_26 = vector.broadcast %add3A_25 : f32 to vector<1x10240xf32>
    %add3A_27 = arith.addf %slice3A_24, %add3A_26 : vector<1x10240xf32>
    %div3A_28 = vector.broadcast %add3A_27 : vector<1x10240xf32> to vector<16x10240xf32>
    %div3A_29 = arith.divf %slice3A_23, %div3A_28 : vector<16x10240xf32>
    %slice3A_30 = vector.extract_strided_slice %get3A_1 {offsets = [64, 0], sizes = [16, 10240], strides = [1, 1]} : vector<128x10240xf32> to vector<16x10240xf32>
    %slice3A_31 = vector.extract_strided_slice %get3A_4 {offsets = [4, 0], sizes = [1, 10240], strides = [1, 1]} : vector<8x10240xf32> to vector<1x10240xf32>
    %add3A_32 = arith.constant 1.000000e-16 : f32
    %add3A_33 = vector.broadcast %add3A_32 : f32 to vector<1x10240xf32>
    %add3A_34 = arith.addf %slice3A_31, %add3A_33 : vector<1x10240xf32>
    %div3A_35 = vector.broadcast %add3A_34 : vector<1x10240xf32> to vector<16x10240xf32>
    %div3A_36 = arith.divf %slice3A_30, %div3A_35 : vector<16x10240xf32>
    %slice3A_37 = vector.extract_strided_slice %get3A_1 {offsets = [80, 0], sizes = [16, 10240], strides = [1, 1]} : vector<128x10240xf32> to vector<16x10240xf32>
    %slice3A_38 = vector.extract_strided_slice %get3A_4 {offsets = [5, 0], sizes = [1, 10240], strides = [1, 1]} : vector<8x10240xf32> to vector<1x10240xf32>
    %add3A_39 = arith.constant 1.000000e-16 : f32
    %add3A_40 = vector.broadcast %add3A_39 : f32 to vector<1x10240xf32>
    %add3A_41 = arith.addf %slice3A_38, %add3A_40 : vector<1x10240xf32>
    %div3A_42 = vector.broadcast %add3A_41 : vector<1x10240xf32> to vector<16x10240xf32>
    %div3A_43 = arith.divf %slice3A_37, %div3A_42 : vector<16x10240xf32>
    %slice3A_44 = vector.extract_strided_slice %get3A_1 {offsets = [96, 0], sizes = [16, 10240], strides = [1, 1]} : vector<128x10240xf32> to vector<16x10240xf32>
    %slice3A_45 = vector.extract_strided_slice %get3A_4 {offsets = [6, 0], sizes = [1, 10240], strides = [1, 1]} : vector<8x10240xf32> to vector<1x10240xf32>
    %add3A_46 = arith.constant 1.000000e-16 : f32
    %add3A_47 = vector.broadcast %add3A_46 : f32 to vector<1x10240xf32>
    %add3A_48 = arith.addf %slice3A_45, %add3A_47 : vector<1x10240xf32>
    %div3A_49 = vector.broadcast %add3A_48 : vector<1x10240xf32> to vector<16x10240xf32>
    %div3A_50 = arith.divf %slice3A_44, %div3A_49 : vector<16x10240xf32>
    %slice3A_51 = vector.extract_strided_slice %get3A_1 {offsets = [112, 0], sizes = [16, 10240], strides = [1, 1]} : vector<128x10240xf32> to vector<16x10240xf32>
    %slice3A_52 = vector.extract_strided_slice %get3A_4 {offsets = [7, 0], sizes = [1, 10240], strides = [1, 1]} : vector<8x10240xf32> to vector<1x10240xf32>
    %add3A_53 = arith.constant 1.000000e-16 : f32
    %add3A_54 = vector.broadcast %add3A_53 : f32 to vector<1x10240xf32>
    %add3A_55 = arith.addf %slice3A_52, %add3A_54 : vector<1x10240xf32>
    %div3A_56 = vector.broadcast %add3A_55 : vector<1x10240xf32> to vector<16x10240xf32>
    %div3A_57 = arith.divf %slice3A_51, %div3A_56 : vector<16x10240xf32>
    %concatenate3A = tpu.concatenate %div3A_8, %div3A_15, %div3A_22, %div3A_29, %div3A_36, %div3A_43, %div3A_50, %div3A_57 in 0 : vector<16x10240xf32>, vector<16x10240xf32>, vector<16x10240xf32>, vector<16x10240xf32>, vector<16x10240xf32>, vector<16x10240xf32>, vector<16x10240xf32>, vector<16x10240xf32> -> vector<128x10240xf32>
    %get3A_58 = arith.constant 0 : index
    %get3A_59 = arith.constant 0 : index
    %get3A_60 = vector.load %arg3[%get3A_58, %get3A_59] : memref<128x1xf32, #tpu.memory_space<vmem>>, vector<128x1xf32>
    %add3A_61 = vector.broadcast %get3A_60 : vector<128x1xf32> to vector<128x10240xf32>
    %add3A_62 = arith.addf %concatenate3A, %add3A_61 : vector<128x10240xf32>
    %max3A = arith.constant 0.000000e+00 : f32
    %max3A_63 = vector.broadcast %max3A : f32 to vector<128x10240xf32>
    %max3A_64 = arith.maximumf %add3A_62, %max3A_63 : vector<128x10240xf32>
    %get3A_65 = arith.constant 0 : index
    %get3A_66 = arith.constant 0 : index
    %get3A_67 = vector.load %arg4[%get3A_65, %get3A_66] : memref<80x128xf32, #tpu.memory_space<vmem>>, vector<80x128xf32>
    %dot_general3A = arith.constant dense<0.000000e+00> : vector<80x10240xf32>
    %dot_general3A_68 = tpu.matmul %get3A_67, %max3A_64, %dot_general3A {dimension_numbers = #tpu.dot_dimension_numbers<[1], [0], [0], [1], [0, 0, 1, 1], [], []>, transpose_lhs_hint = false} : vector<80x128xf32>, vector<128x10240xf32>, vector<80x10240xf32> -> vector<80x10240xf32>
    %swap3A = arith.constant 0 : index
    %swap3A_69 = arith.constant 0 : index
    %swap3A_70 = vector.load %arg5[%swap3A, %swap3A_69] : memref<80x10240xf32, #tpu.memory_space<vmem>>, vector<80x10240xf32>
    tpu.vector_store %arg5[%swap3A, %swap3A_69], %dot_general3A_68 {strides = array<i32>} : memref<80x10240xf32, #tpu.memory_space<vmem>>, vector<80x10240xf32>,
    return
  }
  func.func @transform_0(%arg0: i32) -> (i32, i32) {
    %c0_i32 = arith.constant 0 : i32
    %c0_i32_0 = arith.constant 0 : i32
    return %c0_i32, %arg0 : i32, i32
  }
  func.func @transform_1(%arg0: i32) -> (i32, i32) {
    %c0_i32 = arith.constant 0 : i32
    %c0_i32_0 = arith.constant 0 : i32
    return %c0_i32, %arg0 : i32, i32
  }
  func.func @transform_2(%arg0: i32) -> (i32, i32) {
    %c0_i32 = arith.constant 0 : i32
    %c0_i32_0 = arith.constant 0 : i32
    %c0_i32_1 = arith.constant 0 : i32
    return %c0_i32, %c0_i32_0 : i32, i32
  }
  func.func @transform_3(%arg0: i32) -> (i32, i32) {
    %c0_i32 = arith.constant 0 : i32
    %c0_i32_0 = arith.constant 0 : i32
    %c0_i32_1 = arith.constant 0 : i32
    return %c0_i32, %c0_i32_0 : i32, i32
  }
  func.func @transform_4(%arg0: i32) -> (i32, i32) {
    %c0_i32 = arith.constant 0 : i32
    %c0_i32_0 = arith.constant 0 : i32
    return %c0_i32, %arg0 : i32, i32
  }
}

module attributes {stable_mosaic.version = 14 : i64} {
  func.func @_gcn_boundary_kernel(%arg0: i32, %arg1: memref<64x10240xf32, #tpu.memory_space<vmem>>, %arg2: memref<8x10240xf32, #tpu.memory_space<vmem>>, %arg3: memref<64x1xf32, #tpu.memory_space<vmem>>, %arg4: memref<16x64xf32, #tpu.memory_space<vmem>>, %arg5: memref<1x10240xf32, #tpu.memory_space<vmem>>, %arg6: memref<16x10240xf32, #tpu.memory_space<vmem>>, %arg7: memref<1x10240xf32, #tpu.memory_space<vmem>>) attributes {dimension_semantics = [#tpu.dimension_semantics<arbitrary>], iteration_bounds = array<i64: 1>, scalar_prefetch = 0 : i64, scratch_operands = 0 : i64, tpu.core_type = #tpu.core_type<tc>, window_params = [{transform_indices = @transform_0, window_bounds = array<i64: 64, 10240>}, {transform_indices = @transform_1, window_bounds = array<i64: 8, 10240>}, {pipeline_mode = #tpu.pipeline_mode<synchronous>, transform_indices = @transform_2, window_bounds = array<i64: 64, 1>}, {pipeline_mode = #tpu.pipeline_mode<synchronous>, transform_indices = @transform_3, window_bounds = array<i64: 16, 64>}, {transform_indices = @transform_4, window_bounds = array<i64: 1, 10240>}, {transform_indices = @transform_5, window_bounds = array<i64: 16, 10240>}, {transform_indices = @transform_6, window_bounds = array<i64: 1, 10240>}]} {
    %get3A = arith.constant 0 : index
    %get3A_0 = arith.constant 0 : index
    %get3A_1 = vector.load %arg1[%get3A, %get3A_0] : memref<64x10240xf32, #tpu.memory_space<vmem>>, vector<64x10240xf32>
    %get3A_2 = arith.constant 0 : index
    %get3A_3 = arith.constant 0 : index
    %get3A_4 = vector.load %arg2[%get3A_2, %get3A_3] : memref<8x10240xf32, #tpu.memory_space<vmem>>, vector<8x10240xf32>
    %slice3A = vector.extract_strided_slice %get3A_1 {offsets = [0, 0], sizes = [8, 10240], strides = [1, 1]} : vector<64x10240xf32> to vector<8x10240xf32>
    %slice3A_5 = vector.extract_strided_slice %get3A_4 {offsets = [0, 0], sizes = [1, 10240], strides = [1, 1]} : vector<8x10240xf32> to vector<1x10240xf32>
    %add3A = arith.constant 1.000000e-16 : f32
    %add3A_6 = vector.broadcast %add3A : f32 to vector<1x10240xf32>
    %add3A_7 = arith.addf %slice3A_5, %add3A_6 : vector<1x10240xf32>
    %div3A = vector.broadcast %add3A_7 : vector<1x10240xf32> to vector<8x10240xf32>
    %div3A_8 = arith.divf %slice3A, %div3A : vector<8x10240xf32>
    %slice3A_9 = vector.extract_strided_slice %get3A_1 {offsets = [8, 0], sizes = [8, 10240], strides = [1, 1]} : vector<64x10240xf32> to vector<8x10240xf32>
    %slice3A_10 = vector.extract_strided_slice %get3A_4 {offsets = [1, 0], sizes = [1, 10240], strides = [1, 1]} : vector<8x10240xf32> to vector<1x10240xf32>
    %add3A_11 = arith.constant 1.000000e-16 : f32
    %add3A_12 = vector.broadcast %add3A_11 : f32 to vector<1x10240xf32>
    %add3A_13 = arith.addf %slice3A_10, %add3A_12 : vector<1x10240xf32>
    %div3A_14 = vector.broadcast %add3A_13 : vector<1x10240xf32> to vector<8x10240xf32>
    %div3A_15 = arith.divf %slice3A_9, %div3A_14 : vector<8x10240xf32>
    %slice3A_16 = vector.extract_strided_slice %get3A_1 {offsets = [16, 0], sizes = [8, 10240], strides = [1, 1]} : vector<64x10240xf32> to vector<8x10240xf32>
    %slice3A_17 = vector.extract_strided_slice %get3A_4 {offsets = [2, 0], sizes = [1, 10240], strides = [1, 1]} : vector<8x10240xf32> to vector<1x10240xf32>
    %add3A_18 = arith.constant 1.000000e-16 : f32
    %add3A_19 = vector.broadcast %add3A_18 : f32 to vector<1x10240xf32>
    %add3A_20 = arith.addf %slice3A_17, %add3A_19 : vector<1x10240xf32>
    %div3A_21 = vector.broadcast %add3A_20 : vector<1x10240xf32> to vector<8x10240xf32>
    %div3A_22 = arith.divf %slice3A_16, %div3A_21 : vector<8x10240xf32>
    %slice3A_23 = vector.extract_strided_slice %get3A_1 {offsets = [24, 0], sizes = [8, 10240], strides = [1, 1]} : vector<64x10240xf32> to vector<8x10240xf32>
    %slice3A_24 = vector.extract_strided_slice %get3A_4 {offsets = [3, 0], sizes = [1, 10240], strides = [1, 1]} : vector<8x10240xf32> to vector<1x10240xf32>
    %add3A_25 = arith.constant 1.000000e-16 : f32
    %add3A_26 = vector.broadcast %add3A_25 : f32 to vector<1x10240xf32>
    %add3A_27 = arith.addf %slice3A_24, %add3A_26 : vector<1x10240xf32>
    %div3A_28 = vector.broadcast %add3A_27 : vector<1x10240xf32> to vector<8x10240xf32>
    %div3A_29 = arith.divf %slice3A_23, %div3A_28 : vector<8x10240xf32>
    %slice3A_30 = vector.extract_strided_slice %get3A_1 {offsets = [32, 0], sizes = [8, 10240], strides = [1, 1]} : vector<64x10240xf32> to vector<8x10240xf32>
    %slice3A_31 = vector.extract_strided_slice %get3A_4 {offsets = [4, 0], sizes = [1, 10240], strides = [1, 1]} : vector<8x10240xf32> to vector<1x10240xf32>
    %add3A_32 = arith.constant 1.000000e-16 : f32
    %add3A_33 = vector.broadcast %add3A_32 : f32 to vector<1x10240xf32>
    %add3A_34 = arith.addf %slice3A_31, %add3A_33 : vector<1x10240xf32>
    %div3A_35 = vector.broadcast %add3A_34 : vector<1x10240xf32> to vector<8x10240xf32>
    %div3A_36 = arith.divf %slice3A_30, %div3A_35 : vector<8x10240xf32>
    %slice3A_37 = vector.extract_strided_slice %get3A_1 {offsets = [40, 0], sizes = [8, 10240], strides = [1, 1]} : vector<64x10240xf32> to vector<8x10240xf32>
    %slice3A_38 = vector.extract_strided_slice %get3A_4 {offsets = [5, 0], sizes = [1, 10240], strides = [1, 1]} : vector<8x10240xf32> to vector<1x10240xf32>
    %add3A_39 = arith.constant 1.000000e-16 : f32
    %add3A_40 = vector.broadcast %add3A_39 : f32 to vector<1x10240xf32>
    %add3A_41 = arith.addf %slice3A_38, %add3A_40 : vector<1x10240xf32>
    %div3A_42 = vector.broadcast %add3A_41 : vector<1x10240xf32> to vector<8x10240xf32>
    %div3A_43 = arith.divf %slice3A_37, %div3A_42 : vector<8x10240xf32>
    %slice3A_44 = vector.extract_strided_slice %get3A_1 {offsets = [48, 0], sizes = [8, 10240], strides = [1, 1]} : vector<64x10240xf32> to vector<8x10240xf32>
    %slice3A_45 = vector.extract_strided_slice %get3A_4 {offsets = [6, 0], sizes = [1, 10240], strides = [1, 1]} : vector<8x10240xf32> to vector<1x10240xf32>
    %add3A_46 = arith.constant 1.000000e-16 : f32
    %add3A_47 = vector.broadcast %add3A_46 : f32 to vector<1x10240xf32>
    %add3A_48 = arith.addf %slice3A_45, %add3A_47 : vector<1x10240xf32>
    %div3A_49 = vector.broadcast %add3A_48 : vector<1x10240xf32> to vector<8x10240xf32>
    %div3A_50 = arith.divf %slice3A_44, %div3A_49 : vector<8x10240xf32>
    %slice3A_51 = vector.extract_strided_slice %get3A_1 {offsets = [56, 0], sizes = [8, 10240], strides = [1, 1]} : vector<64x10240xf32> to vector<8x10240xf32>
    %slice3A_52 = vector.extract_strided_slice %get3A_4 {offsets = [7, 0], sizes = [1, 10240], strides = [1, 1]} : vector<8x10240xf32> to vector<1x10240xf32>
    %add3A_53 = arith.constant 1.000000e-16 : f32
    %add3A_54 = vector.broadcast %add3A_53 : f32 to vector<1x10240xf32>
    %add3A_55 = arith.addf %slice3A_52, %add3A_54 : vector<1x10240xf32>
    %div3A_56 = vector.broadcast %add3A_55 : vector<1x10240xf32> to vector<8x10240xf32>
    %div3A_57 = arith.divf %slice3A_51, %div3A_56 : vector<8x10240xf32>
    %concatenate3A = tpu.concatenate %div3A_8, %div3A_15, %div3A_22, %div3A_29, %div3A_36, %div3A_43, %div3A_50, %div3A_57 in 0 : vector<8x10240xf32>, vector<8x10240xf32>, vector<8x10240xf32>, vector<8x10240xf32>, vector<8x10240xf32>, vector<8x10240xf32>, vector<8x10240xf32>, vector<8x10240xf32> -> vector<64x10240xf32>
    %get3A_58 = arith.constant 0 : index
    %get3A_59 = arith.constant 0 : index
    %get3A_60 = vector.load %arg3[%get3A_58, %get3A_59] : memref<64x1xf32, #tpu.memory_space<vmem>>, vector<64x1xf32>
    %add3A_61 = vector.broadcast %get3A_60 : vector<64x1xf32> to vector<64x10240xf32>
    %add3A_62 = arith.addf %concatenate3A, %add3A_61 : vector<64x10240xf32>
    %max3A = arith.constant 0.000000e+00 : f32
    %max3A_63 = vector.broadcast %max3A : f32 to vector<64x10240xf32>
    %max3A_64 = arith.maximumf %add3A_62, %max3A_63 : vector<64x10240xf32>
    %get3A_65 = arith.constant 0 : index
    %get3A_66 = arith.constant 0 : index
    %get3A_67 = vector.load %arg4[%get3A_65, %get3A_66] : memref<16x64xf32, #tpu.memory_space<vmem>>, vector<16x64xf32>
    %dot_general3A = arith.constant dense<0.000000e+00> : vector<16x10240xf32>
    %dot_general3A_68 = tpu.matmul %get3A_67, %max3A_64, %dot_general3A {dimension_numbers = #tpu.dot_dimension_numbers<[1], [0], [0], [1], [0, 0, 1, 1], [], []>, transpose_lhs_hint = false} : vector<16x64xf32>, vector<64x10240xf32>, vector<16x10240xf32> -> vector<16x10240xf32>
    %get3A_69 = arith.constant 0 : index
    %get3A_70 = arith.constant 0 : index
    %get3A_71 = vector.load %arg5[%get3A_69, %get3A_70] : memref<1x10240xf32, #tpu.memory_space<vmem>>, vector<1x10240xf32>
    %gt3A = arith.constant 0.000000e+00 : f32
    %gt3A_72 = vector.broadcast %gt3A : f32 to vector<1x10240xf32>
    %gt3A_73 = arith.cmpf ogt, %get3A_71, %gt3A_72 : vector<1x10240xf32>
    %rsqrt3A = math.rsqrt %get3A_71 : vector<1x10240xf32>
    %jit3A = arith.constant 0.000000e+00 : f32
    %broadcast_in_dim3A = vector.broadcast %jit3A : f32 to vector<1x10240xf32>
    %select_n3A = arith.select %gt3A_73, %rsqrt3A, %broadcast_in_dim3A : vector<1x10240xi1>, vector<1x10240xf32>
    %mul3A = vector.broadcast %select_n3A : vector<1x10240xf32> to vector<16x10240xf32>
    %mul3A_74 = arith.mulf %dot_general3A_68, %mul3A : vector<16x10240xf32>
    %swap3A = arith.constant 0 : index
    %swap3A_75 = arith.constant 0 : index
    %swap3A_76 = vector.load %arg6[%swap3A, %swap3A_75] : memref<16x10240xf32, #tpu.memory_space<vmem>>, vector<16x10240xf32>
    tpu.vector_store %arg6[%swap3A, %swap3A_75], %mul3A_74 {strides = array<i32>} : memref<16x10240xf32, #tpu.memory_space<vmem>>, vector<16x10240xf32>,
    %swap3A_77 = arith.constant 0 : index
    %swap3A_78 = arith.constant 0 : index
    %swap3A_79 = vector.load %arg7[%swap3A_77, %swap3A_78] : memref<1x10240xf32, #tpu.memory_space<vmem>>, vector<1x10240xf32>
    tpu.vector_store %arg7[%swap3A_77, %swap3A_78], %select_n3A {strides = array<i32>} : memref<1x10240xf32, #tpu.memory_space<vmem>>, vector<1x10240xf32>,
    return
  }
  func.func @transform_0(%arg0: i32) -> (i32, i32) {
    %c0_i32 = arith.constant 0 : i32
    %c0_i32_0 = arith.constant 0 : i32
    return %c0_i32, %arg0 : i32, i32
  }
  func.func @transform_1(%arg0: i32) -> (i32, i32) {
    %c0_i32 = arith.constant 0 : i32
    %c0_i32_0 = arith.constant 0 : i32
    return %c0_i32, %arg0 : i32, i32
  }
  func.func @transform_2(%arg0: i32) -> (i32, i32) {
    %c0_i32 = arith.constant 0 : i32
    %c0_i32_0 = arith.constant 0 : i32
    %c0_i32_1 = arith.constant 0 : i32
    return %c0_i32, %c0_i32_0 : i32, i32
  }
  func.func @transform_3(%arg0: i32) -> (i32, i32) {
    %c0_i32 = arith.constant 0 : i32
    %c0_i32_0 = arith.constant 0 : i32
    %c0_i32_1 = arith.constant 0 : i32
    return %c0_i32, %c0_i32_0 : i32, i32
  }
  func.func @transform_4(%arg0: i32) -> (i32, i32) {
    %c0_i32 = arith.constant 0 : i32
    %c0_i32_0 = arith.constant 0 : i32
    return %c0_i32, %arg0 : i32, i32
  }
  func.func @transform_5(%arg0: i32) -> (i32, i32) {
    %c0_i32 = arith.constant 0 : i32
    %c0_i32_0 = arith.constant 0 : i32
    return %c0_i32, %arg0 : i32, i32
  }
  func.func @transform_6(%arg0: i32) -> (i32, i32) {
    %c0_i32 = arith.constant 0 : i32
    %c0_i32_0 = arith.constant 0 : i32
    return %c0_i32, %arg0 : i32, i32
  }
}

module attributes {stable_mosaic.version = 14 : i64} {
  func.func @_final_kernel(%arg0: i32, %arg1: memref<32x10240xf32, #tpu.memory_space<vmem>>, %arg2: memref<1x10240xf32, #tpu.memory_space<vmem>>, %arg3: memref<1x16xf32, #tpu.memory_space<vmem>>, %arg4: memref<10240x16xf32, #tpu.memory_space<vmem>>) attributes {dimension_semantics = [#tpu.dimension_semantics<arbitrary>], iteration_bounds = array<i64: 1>, scalar_prefetch = 0 : i64, scratch_operands = 0 : i64, tpu.core_type = #tpu.core_type<tc>, window_params = [{transform_indices = @transform_0, window_bounds = array<i64: 32, 10240>}, {transform_indices = @transform_1, window_bounds = array<i64: 1, 10240>}, {pipeline_mode = #tpu.pipeline_mode<synchronous>, transform_indices = @transform_2, window_bounds = array<i64: 1, 16>}, {transform_indices = @transform_3, window_bounds = array<i64: 10240, 16>}]} {
    %get3A = arith.constant 0 : index
    %get3A_0 = arith.constant 0 : index
    %get3A_1 = vector.load %arg1[%get3A, %get3A_0] : memref<32x10240xf32, #tpu.memory_space<vmem>>, vector<16x10240xf32>
    %get3A_2 = arith.constant 16 : index
    %get3A_3 = arith.constant 0 : index
    %get3A_4 = vector.load %arg1[%get3A_2, %get3A_3] : memref<32x10240xf32, #tpu.memory_space<vmem>>, vector<16x10240xf32>
    %add3A = arith.addf %get3A_1, %get3A_4 : vector<16x10240xf32>
    %get3A_5 = arith.constant 0 : index
    %get3A_6 = arith.constant 0 : index
    %get3A_7 = vector.load %arg2[%get3A_5, %get3A_6] : memref<1x10240xf32, #tpu.memory_space<vmem>>, vector<1x10240xf32>
    %mul3A = vector.broadcast %get3A_7 : vector<1x10240xf32> to vector<16x10240xf32>
    %mul3A_8 = arith.mulf %add3A, %mul3A : vector<16x10240xf32>
    %transpose3A = tpu.transpose %mul3A_8, [1, 0] : vector<16x10240xf32> -> vector<10240x16xf32>
    %get3A_9 = arith.constant 0 : index
    %get3A_10 = arith.constant 0 : index
    %get3A_11 = vector.load %arg3[%get3A_9, %get3A_10] : memref<1x16xf32, #tpu.memory_space<vmem>>, vector<1x16xf32>
    %add3A_12 = vector.broadcast %get3A_11 : vector<1x16xf32> to vector<10240x16xf32>
    %add3A_13 = arith.addf %transpose3A, %add3A_12 : vector<10240x16xf32>
    %swap3A = arith.constant 0 : index
    %swap3A_14 = arith.constant 0 : index
    %swap3A_15 = vector.load %arg4[%swap3A, %swap3A_14] : memref<10240x16xf32, #tpu.memory_space<vmem>>, vector<10240x16xf32>
    tpu.vector_store %arg4[%swap3A, %swap3A_14], %add3A_13 {strides = array<i32>} : memref<10240x16xf32, #tpu.memory_space<vmem>>, vector<10240x16xf32>,
    return
  }
  func.func @transform_0(%arg0: i32) -> (i32, i32) {
    %c0_i32 = arith.constant 0 : i32
    %c0_i32_0 = arith.constant 0 : i32
    return %c0_i32, %arg0 : i32, i32
  }
  func.func @transform_1(%arg0: i32) -> (i32, i32) {
    %c0_i32 = arith.constant 0 : i32
    %c0_i32_0 = arith.constant 0 : i32
    return %c0_i32, %arg0 : i32, i32
  }
  func.func @transform_2(%arg0: i32) -> (i32, i32) {
    %c0_i32 = arith.constant 0 : i32
    %c0_i32_0 = arith.constant 0 : i32
    %c0_i32_1 = arith.constant 0 : i32
    return %c0_i32, %c0_i32_0 : i32, i32
  }
  func.func @transform_3(%arg0: i32) -> (i32, i32) {
    %c0_i32 = arith.constant 0 : i32
    %c0_i32_0 = arith.constant 0 : i32
    return %arg0, %c0_i32 : i32, i32
  }
}

</mosaic_0001>

<sc_bundles>
// kernel: kernel.12.cloned.1.call-start
scs
__scs_entry_jumppad:
0x0: {  	(pc) =	sbr.rel $0x88, $3  }
0x1: {  	(tag) =	ssettag $0x0;
	lr =	simm.s32 $0x1  }
0x2: {  	[smem:$0x3F95] =	sst lr;
	_ =	strace $0xD0000000  }
0x3: {  	_ = 	snop  }
0x4: {  	_ = 	snop  }
0x5: {  	_ = 	snop  }
0x6: {  	_ = 	snop  }
0x7: {  	_ = 	snop  }
__scs_overlays_trampoline_lowered:
0x8: {  	[smem:$0x3FA4] =	sst s0  }
0x9: {  	[smem:$0x3FA5] =	sst s1  }
0xa: {  	[smem:$0x3FA6] =	sst s2  }
0xb: {  	[smem:$0x3FA7] =	sst s3  }
0xc: {  	[smem:$0x3FA8] =	sst s4  }
0xd: {  	[smem:$0x3FA9] =	sst s5  }
0xe: {  	[smem:$0x3FAA] =	sst s6  }
0xf: {  	[smem:$0x3FAB] =	sst s7  }
0x10: {  	[smem:$0x3FAC] =	sst s8  }
0x11: {  	[smem:$0x3FAD] =	sst s9;
	s0 =	simm.s32 @!p0 $0x0  }
0x12: {  	s1 =	sld [smem:$0x3F93];
	s0 =	simm.s32 @p0 $0x1  }
0x13: {  	[smem:$0x3FAE] =	sst s0;
	s0 =	simm.s32 @!p1 $0x0  }
0x14: {  	s2 =	sld [smem:$0x3F92];
	s0 =	simm.s32 @p1 $0x1  }
0x15: {  	[smem:$0x3FAF] =	sst s0;
	s0 =	simm.s32 @!p2 $0x0  }
0x16: {  	s3 =	sld [smem:$0x3FDB];
	s0 =	simm.s32 @p2 $0x1  }
0x17: {  	s4 =	simm.s32 $0x1BF5;
	[smem:$0x3FB1] =	sst s0  }
0x18: {  	s0 =	sld [smem:$0x3F94];
	_ =	swait.ge [sflag:s4], $0x0  }
0x19: {  	s7 =	sld [smem:$0x3F95]  }
0x1a: {  	s8 =	sadd.s32 $0xFFFFE003, lr  }
0x1b: {  	s9 =	sadd.s32 $0xFFFFFEF7, lr;
	s5 =	simm.s32 $0xFFFFFFFF;
	p2 =	slt.u32 s8, $0xFFFFF086  }
0x1c: {  	p1 =	slt.u32 s9, $0xF7A;
	s5 =	simm.s32 @!p2 $0x0  }
0x1d: {  	s5 =	simm.s32 @p1 $0x1;
	p0 =	seq.s32 s7, s2  }
0x1e: {  	s7 =	smul.u32 @!p0 $0xF7A, s2;
	p2 =	seq.s32 @!p0 s5, $0x0  }
0x1f: {  	s9 =	smul.u32 $0xF7A, s1;
	s8 =	simm.s32 @!p0 $0x1BF5;
	p2 =	por !p2, p0  }
0x20: {  	[sflag:s8] =	ssyncset.s32 @!p0 $0xFFFFF086;
	s6 =	sadd.s32 @!p0 s3, s7;
	s7 =	simm.s32 @!p0 $0x108  }
0x21: {  	s3 =	sadd.s32 s3, s9;
	s6 =	sadd.s32 @!p0 $0x88, s6;
	s7 =	simm.s32 @p2 $0x1082  }
0x22: {  	[simem:s7], [sflag:s8] =	dma.local @!p0 [hbm:s6], $0xF7A  }
0x23: {  	s9 =	sor.u32 $0xD0000000, s2;
	s6 =	simm.s32 $0x108;
	_ =	swait.ge @!p0 [sflag:s8], $0x0  }
0x24: {  	s3 =	sadd.s32 $0x88, s3;
	s6 =	simm.s32 @!p1 $0x1082;
	[sflag:s4] =	ssyncset.s32 $0xFFFFF086  }
0x25: {  	[simem:s6], [sflag:s4] =	dma.local [hbm:s3], $0xF7A  }
0x26: {  	[smem:$0x3F95] =	sst s1;
	(tag) =	ssettag s2;
	_ =	strace s9  }
0x27: {  	s1 =	sld [smem:$0x3FA5]  }
0x28: {  	s2 =	sld [smem:$0x3FA6]  }
0x29: {  	s4 =	sld [smem:$0x3FA8]  }
0x2a: {  	p0 =	seq.s32 s5, $0x0;
	s5 =	sld [smem:$0x3FA9]  }
0x2b: {  	s6 =	sld [smem:$0x3FAA]  }
0x2c: {  	s7 =	sld [smem:$0x3FAB]  }
0x2d: {  	s3 =	simm.s32 $0x108;
	s8 =	sld [smem:$0x3FAC]  }
0x2e: {  	s3 =	simm.s32 @!p0 $0x1082;
	s9 =	sld [smem:$0x3FAD]  }
0x2f: {  	lr =	sadd.s32 s0, s3;
	s0 =	sld [smem:$0x3FA4]  }
0x30: {  	s3 =	sld [smem:$0x3FA7]  }
0x31: {  	[smem:$0x3FB0] =	sst s10  }
0x32: {  	s10 =	sld [smem:$0x3FAE];
	_ =	sdelay $0x3  }
0x33: {  	p0 =	seq.s32 s10, $0x1;
	s10 =	sld [smem:$0x3FB0];
	_ =	sdelay $0x3  }
0x34: {  	[smem:$0x3FB0] =	sst s10  }
0x35: {  	s10 =	sld [smem:$0x3FAF];
	_ =	sdelay $0x3  }
0x36: {  	p1 =	seq.s32 s10, $0x1;
	s10 =	sld [smem:$0x3FB0];
	_ =	sdelay $0x3  }
0x37: {  	[smem:$0x3FB0] =	sst s10  }
0x38: {  	s10 =	sld [smem:$0x3FB1]  }
0x39: {  	_ = 	snop;
	(pc) =	sbr.ind lr, $3  }
0x3a: {  	_ = 	snop  }
0x3b: {  	_ = 	snop  }
0x3c: {  	p2 =	seq.s32 s10, $0x1;
	s10 =	sld [smem:$0x3FB0]  }
0x3d: {  	_ =	shalt  }
0x3e: {  	_ =	shalt  }
0x3f: {  	_ =	shalt  }
0x40: {  	_ =	shalt  }
0x41: {  	_ =	shalt  }
0x42: {  	_ =	shalt  }
0x43: {  	_ =	shalt  }
0x44: {  	_ =	shalt  }
0x45: {  	_ =	shalt  }
0x46: {  	_ =	shalt  }
0x47: {  	_ =	shalt  }
0x48: {  	_ =	shalt  }
0x49: {  	_ =	shalt  }
0x4a: {  	_ =	shalt  }
0x4b: {  	_ =	shalt  }
0x4c: {  	_ =	shalt  }
0x4d: {  	_ =	shalt  }
0x4e: {  	_ =	shalt  }
0x4f: {  	_ =	shalt  }
0x50: {  	_ =	shalt  }
0x51: {  	_ =	shalt  }
0x52: {  	_ =	shalt  }
0x53: {  	_ =	shalt  }
0x54: {  	_ =	shalt  }
0x55: {  	_ =	shalt  }
0x56: {  	_ =	shalt  }
0x57: {  	_ =	shalt  }
0x58: {  	_ =	shalt  }
0x59: {  	_ =	shalt  }
0x5a: {  	_ =	shalt  }
0x5b: {  	_ =	shalt  }
0x5c: {  	_ =	shalt  }
0x5d: {  	_ =	shalt  }
0x5e: {  	_ =	shalt  }
0x5f: {  	_ =	shalt  }
0x60: {  	_ =	shalt  }
0x61: {  	_ =	shalt  }
0x62: {  	_ =	shalt  }
0x63: {  	_ =	shalt  }
0x64: {  	_ =	shalt  }
0x65: {  	_ =	shalt  }
0x66: {  	_ =	shalt  }
0x67: {  	_ =	shalt  }
0x68: {  	_ =	shalt  }
0x69: {  	_ =	shalt  }
0x6a: {  	_ =	shalt  }
0x6b: {  	_ =	shalt  }
0x6c: {  	_ =	shalt  }
0x6d: {  	_ =	shalt  }
0x6e: {  	_ =	shalt  }
0x6f: {  	_ =	shalt  }
0x70: {  	_ =	shalt  }
0x71: {  	_ =	shalt  }
0x72: {  	_ =	shalt  }
0x73: {  	_ =	shalt  }
0x74: {  	_ =	shalt  }
0x75: {  	_ =	shalt  }
0x76: {  	_ =	shalt  }
0x77: {  	_ =	shalt  }
0x78: {  	_ =	shalt  }
0x79: {  	_ =	shalt  }
0x7a: {  	_ =	shalt  }
0x7b: {  	_ =	shalt  }
0x7c: {  	_ =	shalt  }
0x7d: {  	_ =	shalt  }
0x7e: {  	_ =	shalt  }
0x7f: {  	_ =	shalt  }
0x80: {  	_ =	shalt  }
0x81: {  	_ =	shalt  }
0x82: {  	_ =	shalt  }
0x83: {  	_ =	shalt  }
0x84: {  	_ =	shalt  }
0x85: {  	_ =	shalt  }
0x86: {  	_ =	shalt  }
0x87: {  	_ =	shalt  }
.Lfunc_end0:
.L_simem_size_0:
called_computation.1_lowered:
.L_overlay_start_0:
0x88: {  	s2 =	sld [smem:$0x3FD9]  }
0x89: {  	s3 =	sld [smem:$0x3FFE];
	_ =	sdelay $0x1  }
0x8a: {  	s1 =	srdreg.scid  }
0x8b: {  	s0 =	sand.u32 $0x1, s1  }
0x8c: {  	s17 =	sshll.u32 s0, $0xA;
	s2 =	sadd.s32 s3, s2  }
0x8d: {  	s2 =	sadd.s32 s2, s17  }
0x8e: {  	[smem:$0x3FBC] =	sst s2  }
0x8f: {  	_ = 	snop  }
0x90: {  	s2 =	sld [smem:$0x3FD0];
	(tm) =	ssettm $0x1  }
0x91: {  	s18 =	sld [smem:$0x3FFB];
	_ =	sdelay $0x3  }
0x92: {  	_ =	strace s18  }
0x93: {  	s3 =	sld [smem:$0x3FFC];
	_ =	sdelay $0x3  }
0x94: {  	_ =	strace s3  }
0x95: {  	s3 =	sld [smem:$0x3FFD];
	_ =	sdelay $0x3  }
0x96: {  	_ =	strace s3  }
0x97: {  	_ =	strace $0x8FFFFFFF  }
0x98: {  	s19 =	sld [smem:$0x3FDB];
	_ =	sdelay $0x1  }
0x99: {  	s4 =	simm.s32 $_scs_section_size  }
0x9a: {  	s5 =	simm.s32 $_size__tile_overlayer_lowered;
	s6 =	simm.s32 $_tile_overlayer_lowered  }
0x9b: {  	s22 =	simm.s32 $0x1BFF;
	s21 =	sshll.u32 s6, $0x1;
	s3 =	sadd.s32 s4, s19  }
0x9c: {  	s7 =	simm.s32 $0x0;
	s20 =	sshll.u32 s5, $0x1;
	s5 =	sadd.s32 s21, s3  }
0x9d: {  	[timem:s7], [sflag:s22] =	dma.local [hbm:s5], s20  }
0x9e: {  	_ =	swait.ge [sflag:s22], s20  }
0x9f: {  	s4 =	ssub.s32 $0x0, s20;
	[sflag:s22] =	ssyncset.done $0x0  }
0xa0: {  	[sflag:s22] =	ssyncadd.s32 s4;
	_ =	sdelay $0x1  }
0xa1: {  	s23 =	simm.s32 $0x1B8B  }
0xa2: {  	_ =	swait.ge [sflag:s23], $0x1  }
0xa3: {  	[sflag:s23] =	ssyncset.done $0x0  }
0xa4: {  	s25 =	simm.s32 $0x1B8E;
	s24 =	sld [smem:$0x3FFE];
	[sflag:s23] =	ssyncadd.s32 $0xFFFFFFFF  }
0xa5: {  	s26 =	simm.s32 $execute0_lowered;
	[smem:$0x3FD2] =	sst s25  }
0xa6: {  	s5 =	sshll.u32 s26, $0x1;
	_ =	strace $0x80000049;
	[dreg:$0x1] =	wrdreg $0xFFFFFFFF  }
0xa7: {  	s28 =	simm.s32 $_size_execute0_lowered;
	s3 =	sadd.s32 s3, s5;
	[dreg:$0x0] =	wrdreg $0x0  }
0xa8: {  	s5 =	sshll.u32 s28, $0x1;
	[dreg:$0x2] =	wrdreg s3  }
0xa9: {  	[dreg:$0x3] =	wrdreg s5  }
0xaa: {  	[dreg:$0x4] =	wrdreg $0xC0  }
0xab: {  	_ =	task [dreg:s7], $0x5FFFF  }
0xac: {  	[dreg:$0x1] =	wrdreg $0xFFFFFFFF  }
0xad: {  	[dreg:$0x0] =	wrdreg $0x60  }
0xae: {  	[dreg:$0x2] =	wrdreg s24  }
0xaf: {  	[dreg:$0x3] =	wrdreg s2  }
0xb0: {  	[dreg:$0x4] =	wrdreg $0x9  }
0xb1: {  	_ =	task.clear_ibuf [dreg:s7], $0x5FFFF;
	_ =	strace $0x90000049  }
0xb2: {  	s29 =	simm.s32 $0x9;
	_ =	strace $0x8000004B  }
0xb3: {  	_ =	swait.ge [sflag:s29], $0x1  }
0xb4: {  	[sflag:s29] =	ssyncadd.s32 $0xFFFFFFFF  }
0xb5: {  	_ =	strace $0x9000004B  }
0xb6: {  	_ =	sfence  }
0xb7: {  	s30 =	sld [smem:$0x0];
	_ =	sdelay $0x2  }
0xb8: {  	s31 =	sshll.u32 s1, $0xD;
	s1 =	sshrl.u32 s1, $0x2  }
0xb9: {  	s3 =	sand.u32 $0x4000, s31;
	s1 =	sadd.s32 s1, s30  }
0xba: {  	s0 =	sor.u32 s3, s0;
	s1 =	sshll.u32 s1, $0x11  }
0xbb: {  	s0 =	sor.u32 s1, s0  }
0xbc: {  	s0 =	sadd.s32 $0x8F2B, s0  }
0xbd: {  	[sflag:s0] =	ssyncadd.remote.s32 $0x1  }
0xbe: {  	_ =	sfence.sel $0xFFFF  }
0xbf: {  	[dreg:$0x0] =	wrdreg $0xFFFFFFFF;
	(pc) =	sbr.abs _section_cstart, $3  }
0xc0: {  	[dreg:$0x1] =	wrdreg $0xFFFFFFFF  }
0xc1: {  	_ =	task.clear_ibuf [dreg:s7], $0x2FFFF;
	_ =	strace $0x9FFFFFFF  }
0xc2: {  	(tm) =	ssettm $0x7FFFFFFF  }
0xc3: {  	_ =	shalt  }
tec
execute0_lowered:
.L_overlay_start_1:
0x0: {  	(tag) =	ssettag $0x1  }
0x1: {  	s0 =	rddreg [dreg:$0x0]  }
0x2: {  	s1 =	rddreg [dreg:$0x1]  }
0x3: {  	s2 =	simm.s32 $0x0;
	s3 =	srdreg.scid;
	s14 =	stileid.u32  }
0x4: {  	s15 =	simm.s32 $0x400;
	s16 =	simm.s32 $0x3;
	s17 =	simm.s32 $0x2800  }
0x5: {  	s18 =	simm.s32 $0xA000;
	s19 =	simm.s32 $0xC800;
	s20 =	simm.s32 $0x11800  }
0x6: {  	s21 =	simm.s32 $0x1;
	s22 =	simm.s32 $0x12800;
	s23 =	simm.s32 $0x5000  }
0x7: {  	s24 =	simm.s32 $0x7800;
	s28 =	simm.s32 $0x0;
	s29 =	simm.s32 $0x0  }
0x8: {  	[smem:$0x7FF] =	sst s2;
	s3 =	sand.u32 $0x1, s3;
	s4 =	sshll.u32 s14, $0x1  }
0x9: {  	s5 =	sshrl.u32 s14, $0x1;
	s6 =	sadd.s32 $0x3C00, s0;
	s8 =	sadd.s32 $0x18800, s0  }
0xa: {  	s11 =	sadd.s32 $0x31800, s0;
	p1 =	slt.u32 s14, $0x8;
	p2 =	sgt.u32 s14, $0x7  }
0xb: {  	s14 =	simm.s32 $0x80;
	_ =	strace $0x8000004A;
	s4 =	sor.u32 s3, s4  }
0xc: {  	[dreg:$0x3] =	wrdreg s6;
	s25 =	smul.u32 $0x14000, s5;
	s3 =	ssub.s32 $0x2, s3  }
0xd: {  	s13 =	sshll.u32 s5, $0x4;
	s7 =	sshll.u32 s4, $0x8;
	s9 =	sshrl.u32 s3, $0x1  }
0xe: {  	s26 =	sand.u32 $0x3, s4;
	s31 =	sadd.s32 s13, s8;
	s7 =	sand.u32 $0x300, s7  }
0xf: {  	s3 =	ssub.s32 s3, s9;
	p0 =	seq.s32 s26, $0x0;
	p6 =	seq.s32 s26, $0x1  }
0x10: {  	s9 =	sadd.s32 $0x4000, s0;
	s26 =	simm.s32 $0x2;
	s6 =	sor.u32 s25, s7  }
0x11: {  	p0 =	por !p1, !p0;
	p1 =	por !p2, !p6;
	s7 =	sadd.s32 $0x16800, s31  }
0x12: {  	s25 =	simm.s32 $0xF000;
	s10 =	sshrl.u32 s6, $0x3;
	s6 =	sadd.s32 $0x14000, s31  }
0x13: {  	p0 =	por !p0, !p0;
	p1 =	por !p1, !p1;
	s30 =	sadd.s32 s8, s10  }
0x14: {  	s12 =	sor.u32 $0x10, s10;
	p0 =	por p0, p1;
	s10 =	sadd.s32 s11, s10  }
0x15: {  	vm0 =	vmxor vm0, vm0;
	[dreg:$0x4] =	wrdreg s30;
	s5 =	sadd.s32 s8, s12;
	s8 =	sadd.s32 $0x3E00, s0  }
0x16: {  	v0 =	vimm.f32 $0.0e+00;
	s11 =	sadd.s32 s11, s12;
	s12 =	sadd.s32 s1, s13;
	s13 =	smax.u32 s3, $0x1;
	vm0 =	vmneg @p0 vm0  }
.LBB2_1:
0x17: {  	s0 =	rddreg [dreg:$0x4]  }
0x18: {  	[tilespmem:s2], [sflag:$0x3] =	stream.strided.gather [hbm4b:s0+s14], $0x2800, s15, s14, $0x38;
	[tilespmem:$0x13800] =	vst v63  }
0x19: {  	_ =	swait.ge [sflag:s16], $0x2800  }
0x1a: {  	[sflag:s16] =	ssyncset.done $0x0  }
0x1b: {  	[sflag:s16] =	ssyncadd.s32 $0xFFFFD800  }
0x1c: {  	[tilespmem:s17], [sflag:$0x3] =	stream.strided.gather [hbm4b:s5+s14], $0x2800, s15, s14, $0x38;
	[tilespmem:$0x13800] =	vst v63  }
0x1d: {  	_ =	swait.ge [sflag:s16], $0x2800  }
0x1e: {  	[sflag:s16] =	ssyncset.done $0x0  }
0x1f: {  	[sflag:s16] =	ssyncadd.s32 $0xFFFFD800  }
0x20: {  	[tilespmem:s18], [sflag:$0x3] =	stream.strided.gather [hbm4b:s6+s14], $0x2800, s15, s14, $0x38;
	[tilespmem:$0x13800] =	vst v63  }
0x21: {  	_ =	swait.ge [sflag:s16], $0x2800  }
0x22: {  	[sflag:s16] =	ssyncset.done $0x0  }
0x23: {  	[sflag:s16] =	ssyncadd.s32 $0xFFFFD800  }
0x24: {  	[tilespmem:s19], [sflag:$0x3] =	stream.strided.gather [hbm4b:s7+s14], $0x2800, s15, s14, $0x38;
	[tilespmem:$0x13800] =	vst v63  }
0x25: {  	_ =	swait.ge [sflag:s16], $0x2800  }
0x26: {  	[sflag:s16] =	ssyncset.done $0x0  }
0x27: {  	s1 =	simm.s32 $0x0;
	s0 =	simm.s32 $0x40;
	[sflag:s16] =	ssyncadd.s32 $0xFFFFD800  }
.LBB2_2:
0x28: {  	p1 =	sne.s32 s0, $0x9FC0;
	[tilespmem:s1+$0xF000] =	vst v0;
	s3 =	smov.u32 s0;
	s0 =	sadd.s32 $0x40, s0  }
.Ltmp0:
0x29: {  	[tilespmem:s1+$0x5000] =	vst v0;
	(pc) =	sbr.rel @p1 .LBB2_2-.Ltmp0, $2  }
0x2a: {  	[tilespmem:s1+$0x7800] =	vst v0;
	_ =	sdelay $0x2  }
0x2b: {  	s1 =	sshra.s32 s3, $0x2  }
0x2c: {  	[tilespmem:s1+$0xF000] =	vst v0  }
0x2d: {  	[tilespmem:s1+$0x5000] =	vst v0  }
0x2e: {  	[tilespmem:s1+$0x7800] =	vst v0;
	s0 =	rddreg [dreg:$0x3];
	s30 =	simm.s32 $0x0  }
0x2f: {  	[tilespmem:s20], [sflag:$0x1] =	stream.linear.gather [hbm4b:s0+s29], $0x1000, $0x38;
	[tilespmem:$0x13800] =	vst v63  }
.LBB2_4:
0x30: {  	_ =	swait.ge [sflag:s21], $0x1000  }
0x31: {  	s31 =	sshll.u32 s30, $0xA;
	[sflag:s21] =	ssyncset.done $0x0  }
0x32: {  	s3 =	simm.s32 $0x11800;
	s0 =	sadd.s32 s31, s8;
	[sflag:s21] =	ssyncadd.s32 $0xFFFFF000  }
0x33: {  	[tilespmem:s22], [sflag:$0x2] =	stream.linear.gather [hbm4b:s0+s29], $0x1000, $0x38;
	[tilespmem:$0x13800] =	vst v63  }
0x34: {  	s1 =	sand.u32 $0x7C0, s29;
	v3 =	vld [tilespmem:s3+$0x0]  }
0x35: {  	v13 =	vld [tilespmem:s1+$0x12000];
	_ =	sdelay $0x6  }
0x36: {  	v1 =	vld.idx.msk [tilespmem:v3+s18+$0x0], $0xffff  }
0x37: {  	v2 =	vld.idx.msk [tilespmem:v13+s19+$0x0], $0xffff;
	_ =	sdelay $0x2  }
0x38: {  	v14 =	vld [tilespmem:s3+$0x10];
	_ =	sdelay $0x1  }
0x39: {  	v1 =	vadd.f32 v2, v1  }
0x3a: {  	v20 =	vld [tilespmem:s3+$0x810]  }
0x3b: {  	v15 =	vld [tilespmem:s3+$0x20];
	v2 =	vmul.f32 $2.000000030e-01, v1  }
0x3c: {  	vm1 =	vge.f32 v1, $0.0e+00  }
0x3d: {  	s4 =	simm.s32 $0x11840;
	v16 =	vld [tilespmem:s3+$0x30];
	v2 =	vsel vm1, v1, v2  }
0x3e: {  	v10 =	vld [tilespmem:s4+$0x0];
	v2 =	vmul.f32 $1.442695020e+00, v2  }
0x3f: {  	v4 =	vld.idx.msk [tilespmem:v14+s18+$0x0], $0xffff  }
0x40: {  	v1 =	vld [tilespmem:s3+$0x820];
	(erf) = vpow2.f32 v2  }
0x41: {  	v2 =	vld [tilespmem:s3+$0x830]  }
0x42: {  	v5 =	vld.idx.msk [tilespmem:v20+s19+$0x0], $0xffff  }
0x43: {  	v6 =	vld.idx.msk [tilespmem:v15+s18+$0x0], $0xffff  }
0x44: {  	v7 =	vld.idx.msk [tilespmem:v3+s2+$0x0], $0xffff  }
0x45: {  	s0 =	simm.s32 $0x40;
	v9 =	vld.idx.msk [tilespmem:v16+s18+$0x0], $0xffff  }
0x46: {  	v11 =	vld.idx.msk [tilespmem:v14+s2+$0x0], $0xffff;
	s3 =	sand.u32 $0x7C0, s0  }
0x47: {  	v4 =	vadd.f32 v5, v4;
	v5 =	vld [tilespmem:s3+$0x12000]  }
0x48: {  	v8 =	vld.idx.msk [tilespmem:v1+s19+$0x0], $0xffff  }
0x49: {  	v18 =	vld.idx.msk [tilespmem:v2+s19+$0x0], $0xffff;
	v17 =	vpop (erf)  }
0x4a: {  	v12 =	vld.idx.msk [tilespmem:v15+s2+$0x0], $0xffff;
	v7 =	vmul.f32 v17, v7  }
0x4b: {  	v57 =	vld.idx.msk [tilespmem:v10+s18+$0x0], $0xffff  }
0x4c: {  	[tilespmem:v13+s23+$0x0] =	vst.idx.add.f32.msk $0xffff, v7  }
0x4d: {  	v8 =	vadd.f32 v8, v6;
	v19 =	vld.idx.msk [tilespmem:v3+s17+$0x0], $0xffff  }
0x4e: {  	v7 =	vmul.f32 $2.000000030e-01, v4;
	v9 =	vadd.f32 v18, v9;
	v3 =	vld [tilespmem:s4+$0x810]  }
0x4f: {  	vm1 =	vge.f32 v4, $0.0e+00;
	v58 =	vld.idx.msk [tilespmem:v5+s19+$0x0], $0xffff;
	v18 =	vmul.f32 $2.000000030e-01, v8  }
0x50: {  	v6 =	vld [tilespmem:s4+$0x10];
	vm2 =	vge.f32 v8, $0.0e+00;
	v4 =	vsel vm1, v4, v7;
	v21 =	vmul.f32 $2.000000030e-01, v9  }
0x51: {  	v7 =	vld [tilespmem:s4+$0x20];
	v22 =	vmul.f32 $1.442695020e+00, v4;
	v8 =	vsel vm2, v8, v18;
	vm1 =	vge.f32 v9, $0.0e+00  }
0x52: {  	v4 =	vld [tilespmem:s4+$0x820];
	v8 =	vmul.f32 $1.442695020e+00, v8;
	v18 =	vsel vm1, v9, v21  }
0x53: {  	v9 =	vld [tilespmem:s4+$0x30];
	(erf) = vpow2.f32 v22;
	v18 =	vmul.f32 $1.442695020e+00, v18  }
0x54: {  	(erf) = vpow2.f32 v8;
	v8 =	vld [tilespmem:s4+$0x830]  }
0x55: {  	(erf) = vpow2.f32 v18;
	v18 =	vmul.f32 v17, v19;
	v19 =	vld.idx.msk [tilespmem:v16+s2+$0x0], $0xffff  }
0x56: {  	v23 =	vld.idx.msk [tilespmem:v3+s19+$0x0], $0xffff  }
0x57: {  	[tilespmem:v13+s24+$0x0] =	vst.idx.add.f32.msk $0xffff, v18  }
0x58: {  	v18 =	vld.idx.msk [tilespmem:v6+s18+$0x0], $0xffff  }
0x59: {  	v21 =	vadd.f32 v58, v57;
	v59 =	vld.idx.msk [tilespmem:v7+s18+$0x0], $0xffff  }
0x5a: {  	v24 =	vld.idx.msk [tilespmem:v4+s19+$0x0], $0xffff  }
0x5b: {  	v25 =	vmul.f32 $2.000000030e-01, v21  }
0x5c: {  	vm1 =	vge.f32 v21, $0.0e+00;
	[tilespmem:v13+s25+$0x0] =	vst.idx.add.f32.msk vm0, v17;
	v26 =	vpop (erf)  }
0x5d: {  	v21 =	vsel vm1, v21, v25;
	v27 =	vld.idx.msk [tilespmem:v9+s18+$0x0], $0xffff;
	v28 =	vmul.f32 v26, v11;
	v11 =	vpop (erf)  }
0x5e: {  	v13 =	vmul.f32 $1.442695020e+00, v21;
	v29 =	vld.idx.msk [tilespmem:v8+s19+$0x0], $0xffff;
	v18 =	vadd.f32 v23, v18;
	v60 =	vmul.f32 v11, v12;
	v12 =	vpop (erf)  }
0x5f: {  	v17 =	vmul.f32 v12, v19;
	v19 =	vadd.f32 v24, v59  }
0x60: {  	[tilespmem:v20+s23+$0x0] =	vst.idx.add.f32.msk $0xffff, v28;
	(erf) = vpow2.f32 v13;
	v13 =	vmul.f32 $2.000000030e-01, v18  }
0x61: {  	vm1 =	vge.f32 v18, $0.0e+00;
	[tilespmem:v2+s23+$0x0] =	vst.idx.add.f32.msk $0xffff, v17;
	v17 =	vmul.f32 $2.000000030e-01, v19  }
0x62: {  	v14 =	vld.idx.msk [tilespmem:v14+s17+$0x0], $0xffff;
	v13 =	vsel vm1, v18, v13;
	vm1 =	vge.f32 v19, $0.0e+00  }
0x63: {  	v61 =	vadd.f32 v29, v27;
	v13 =	vmul.f32 $1.442695020e+00, v13;
	v62 =	vld.idx.msk [tilespmem:v16+s17+$0x0], $0xffff;
	v16 =	vsel vm1, v19, v17  }
0x64: {  	[tilespmem:v1+s23+$0x0] =	vst.idx.add.f32.msk $0xffff, v60;
	v63 =	vmul.f32 $1.442695020e+00, v16  }
0x65: {  	v18 =	vld.idx.msk [tilespmem:v15+s17+$0x0], $0xffff;
	v15 =	vmul.f32 $2.000000030e-01, v61;
	(erf) = vpow2.f32 v13  }
0x66: {  	v19 =	vld.idx.msk [tilespmem:v10+s2+$0x0], $0xffff;
	vm1 =	vge.f32 v61, $0.0e+00;
	(erf) = vpow2.f32 v63  }
0x67: {  	v17 =	vld.idx.msk [tilespmem:v6+s2+$0x0], $0xffff;
	v13 =	vsel vm1, v61, v15  }
0x68: {  	v16 =	vld.idx.msk [tilespmem:v7+s2+$0x0], $0xffff;
	v14 =	vmul.f32 v26, v14;
	v21 =	vmul.f32 $1.442695020e+00, v13  }
0x69: {  	v15 =	vld.idx.msk [tilespmem:v9+s2+$0x0], $0xffff  }
0x6a: {  	v13 =	vmul.f32 v11, v18;
	[tilespmem:v20+s24+$0x0] =	vst.idx.add.f32.msk $0xffff, v14;
	v18 =	vpop (erf);
	(erf) = vpow2.f32 v21  }
0x6b: {  	s1 =	simm.s32 $0x4;
	s3 =	simm.s32 $0x11880;
	v14 =	vmul.f32 v12, v62;
	[tilespmem:v20+s25+$0x0] =	vst.idx.add.f32.msk vm0, v26;
	v19 =	vmul.f32 v18, v19  }
.LBB2_5:
0x6c: {  	v20 =	vld [tilespmem:s3+$0x0]  }
0x6d: {  	[tilespmem:v5+s23+$0x0] =	vst.idx.add.f32.msk $0xffff, v19  }
0x6e: {  	s0 =	sadd.s32 $0x40, s0;
	v19 =	vld.idx.msk [tilespmem:v10+s17+$0x0], $0xffff;
	v21 =	vpop (erf)  }
0x6f: {  	s4 =	sand.u32 $0x7C0, s0;
	v22 =	vld [tilespmem:s3+$0x10];
	v23 =	vmul.f32 v21, v17;
	v24 =	vpop (erf)  }
0x70: {  	s1 =	sadd.s32 $0x4, s1;
	v17 =	vld [tilespmem:s4+$0x12000];
	v25 =	vmul.f32 v24, v16  }
0x71: {  	p1 =	slt.u32 s1, $0x7C;
	v26 =	vld [tilespmem:s3+$0x810];
	v10 =	vmov v20  }
0x72: {  	v27 =	vld [tilespmem:s3+$0x20]  }
0x73: {  	v28 =	vld [tilespmem:s3+$0x820];
	v29 =	vpop (erf)  }
0x74: {  	v16 =	vmul.f32 v18, v19;
	v30 =	vld [tilespmem:s3+$0x30];
	v19 =	vmul.f32 v29, v15  }
0x75: {  	v15 =	vld.idx.msk [tilespmem:v20+s18+$0x0], $0xffff  }
0x76: {  	[tilespmem:v5+s24+$0x0] =	vst.idx.add.f32.msk $0xffff, v16  }
0x77: {  	[tilespmem:v5+s25+$0x0] =	vst.idx.add.f32.msk vm0, v18;
	v5 =	vmov v17  }
0x78: {  	v16 =	vld.idx.msk [tilespmem:v17+s19+$0x0], $0xffff  }
0x79: {  	v18 =	vld [tilespmem:s3+$0x830]  }
0x7a: {  	v20 =	vld.idx.msk [tilespmem:v22+s18+$0x0], $0xffff  }
0x7b: {  	v31 =	vld.idx.msk [tilespmem:v26+s19+$0x0], $0xffff  }
0x7c: {  	v32 =	vld.idx.msk [tilespmem:v27+s18+$0x0], $0xffff  }
0x7d: {  	v33 =	vld.idx.msk [tilespmem:v28+s19+$0x0], $0xffff  }
0x7e: {  	v15 =	vadd.f32 v16, v15;
	v34 =	vld.idx.msk [tilespmem:v30+s18+$0x0], $0xffff  }
0x7f: {  	v17 =	vld.idx.msk [tilespmem:v22+s2+$0x0], $0xffff  }
0x80: {  	v35 =	vmul.f32 $2.000000030e-01, v15;
	v16 =	vld.idx.msk [tilespmem:v27+s2+$0x0], $0xffff  }
0x81: {  	vm1 =	vge.f32 v15, $0.0e+00;
	v20 =	vadd.f32 v31, v20;
	v31 =	vld.idx.msk [tilespmem:v18+s19+$0x0], $0xffff  }
0x82: {  	v35 =	vsel vm1, v15, v35;
	v15 =	vld.idx.msk [tilespmem:v30+s2+$0x0], $0xffff  }
0x83: {  	v35 =	vmul.f32 $1.442695020e+00, v35;
	v36 =	vmul.f32 $2.000000030e-01, v20;
	v32 =	vadd.f32 v33, v32;
	[tilespmem:v3+s23+$0x0] =	vst.idx.add.f32.msk $0xffff, v23  }
0x84: {  	vm1 =	vge.f32 v20, $0.0e+00;
	[tilespmem:v4+s23+$0x0] =	vst.idx.add.f32.msk $0xffff, v25  }
0x85: {  	vm2 =	vge.f32 v32, $0.0e+00;
	v23 =	vmul.f32 $2.000000030e-01, v32;
	(erf) = vpow2.f32 v35;
	[tilespmem:v8+s23+$0x0] =	vst.idx.add.f32.msk $0xffff, v19  }
0x86: {  	v19 =	vsel vm1, v20, v36;
	v20 =	vld.idx.msk [tilespmem:v6+s17+$0x0], $0xffff;
	v6 =	vmov v22  }
0x87: {  	v19 =	vmul.f32 $1.442695020e+00, v19;
	v22 =	vsel vm2, v32, v23;
	v23 =	vadd.f32 v31, v34;
	v25 =	vld.idx.msk [tilespmem:v7+s17+$0x0], $0xffff;
	v7 =	vmovc v27  }
0x88: {  	v22 =	vmul.f32 $1.442695020e+00, v22;
	v27 =	vld.idx.msk [tilespmem:v9+s17+$0x0], $0xffff;
	v9 =	vmov v30  }
0x89: {  	vm1 =	vge.f32 v23, $0.0e+00;
	v31 =	vmul.f32 $2.000000030e-01, v23;
	v30 =	vld.idx.msk [tilespmem:v10+s2+$0x0], $0xffff;
	(erf) = vpow2.f32 v19  }
0x8a: {  	(erf) = vpow2.f32 v22;
	[tilespmem:v1+s24+$0x0] =	vst.idx.add.f32.msk $0xffff, v13  }
.Ltmp1:
0x8b: {  	v13 =	vsel vm1, v23, v31;
	[tilespmem:v1+s25+$0x0] =	vst.idx.add.f32.msk vm0, v11;
	v11 =	vmovc v24;
	v1 =	vmov v4;
	v4 =	vmov v28;
	(pc) =	sbr.rel @p1 .LBB2_5-.Ltmp1, $4  }
0x8c: {  	v19 =	vmul.f32 $1.442695020e+00, v13;
	v20 =	vmul.f32 v21, v20;
	[tilespmem:v2+s24+$0x0] =	vst.idx.add.f32.msk $0xffff, v14  }
0x8d: {  	v13 =	vmul.f32 v11, v25;
	[tilespmem:v2+s25+$0x0] =	vst.idx.add.f32.msk vm0, v12;
	v12 =	vmovc v29;
	v2 =	vmov v8;
	v8 =	vmov v18  }
0x8e: {  	v18 =	vpop (erf);
	(erf) = vpow2.f32 v19;
	[tilespmem:v3+s24+$0x0] =	vst.idx.add.f32.msk $0xffff, v20;
	v14 =	vmul.f32 v12, v27  }
0x8f: {  	s3 =	sadd.s32 $0x40, s3;
	v19 =	vmul.f32 v18, v30;
	[tilespmem:v3+s25+$0x0] =	vst.idx.add.f32.msk vm0, v21;
	v3 =	vmov v26  }
0x90: {  	_ =	sdelay $0x3  }
0x91: {  	[tilespmem:v5+s23+$0x0] =	vst.idx.add.f32.msk $0xffff, v19  }
0x92: {  	v10 =	vld.idx.msk [tilespmem:v10+s17+$0x0], $0xffff;
	_ =	sdelay $0x2  }
0x93: {  	v19 =	vpop (erf)  }
0x94: {  	v17 =	vmul.f32 v19, v17  }
0x95: {  	v10 =	vmul.f32 v18, v10  }
0x96: {  	v20 =	vpop (erf);
	[tilespmem:v3+s23+$0x0] =	vst.idx.add.f32.msk $0xffff, v17  }
0x97: {  	[tilespmem:v5+s24+$0x0] =	vst.idx.add.f32.msk $0xffff, v10;
	v10 =	vmul.f32 v20, v16;
	v16 =	vpop (erf)  }
0x98: {  	[tilespmem:v5+s25+$0x0] =	vst.idx.add.f32.msk vm0, v18;
	v5 =	vmul.f32 v16, v15  }
0x99: {  	[tilespmem:v4+s23+$0x0] =	vst.idx.add.f32.msk $0xffff, v10  }
0x9a: {  	[tilespmem:v8+s23+$0x0] =	vst.idx.add.f32.msk $0xffff, v5  }
0x9b: {  	v5 =	vld.idx.msk [tilespmem:v6+s17+$0x0], $0xffff  }
0x9c: {  	v6 =	vld.idx.msk [tilespmem:v7+s17+$0x0], $0xffff  }
0x9d: {  	[tilespmem:v1+s24+$0x0] =	vst.idx.add.f32.msk $0xffff, v13  }
0x9e: {  	[tilespmem:v2+s24+$0x0] =	vst.idx.add.f32.msk $0xffff, v14  }
0x9f: {  	v7 =	vld.idx.msk [tilespmem:v9+s17+$0x0], $0xffff  }
0xa0: {  	[tilespmem:v1+s25+$0x0] =	vst.idx.add.f32.msk vm0, v11;
	v1 =	vmul.f32 v19, v5  }
0xa1: {  	[tilespmem:v2+s25+$0x0] =	vst.idx.add.f32.msk vm0, v12;
	v2 =	vmul.f32 v20, v6  }
0xa2: {  	[tilespmem:v3+s24+$0x0] =	vst.idx.add.f32.msk $0xffff, v1  }
0xa3: {  	[tilespmem:v4+s24+$0x0] =	vst.idx.add.f32.msk $0xffff, v2  }
0xa4: {  	v1 =	vmul.f32 v16, v7;
	[tilespmem:v3+s25+$0x0] =	vst.idx.add.f32.msk vm0, v19  }
0xa5: {  	[tilespmem:v4+s25+$0x0] =	vst.idx.add.f32.msk vm0, v20  }
0xa6: {  	[tilespmem:v8+s24+$0x0] =	vst.idx.add.f32.msk $0xffff, v1  }
0xa7: {  	[tilespmem:v8+s25+$0x0] =	vst.idx.add.f32.msk vm0, v16  }
0xa8: {  	_ =	swait.ge [sflag:s26], $0x1000  }
0xa9: {  	s0 =	sadd.s32 s31, s9;
	[sflag:s26] =	ssyncset.done $0x0  }
0xaa: {  	s1 =	simm.s32 $0x0;
	s4 =	simm.s32 $0x12800;
	[sflag:s26] =	ssyncadd.s32 $0xFFFFF000  }
0xab: {  	[tilespmem:s20], [sflag:$0x1] =	stream.linear.gather [hbm4b:s0+s1], $0x1000, $0x38;
	[tilespmem:$0x13800] =	vst v63  }
0xac: {  	s1 =	sand.u32 $0x7C0, s1;
	v3 =	vld [tilespmem:s4+$0x0]  }
0xad: {  	v13 =	vld [tilespmem:s1+$0x13000];
	_ =	sdelay $0x6  }
0xae: {  	v1 =	vld.idx.msk [tilespmem:v3+s18+$0x0], $0xffff  }
0xaf: {  	v2 =	vld.idx.msk [tilespmem:v13+s19+$0x0], $0xffff;
	_ =	sdelay $0x2  }
0xb0: {  	v14 =	vld [tilespmem:s4+$0x10];
	_ =	sdelay $0x1  }
0xb1: {  	v1 =	vadd.f32 v2, v1  }
0xb2: {  	v20 =	vld [tilespmem:s4+$0x810]  }
0xb3: {  	v15 =	vld [tilespmem:s4+$0x20];
	v2 =	vmul.f32 $2.000000030e-01, v1  }
0xb4: {  	vm1 =	vge.f32 v1, $0.0e+00  }
0xb5: {  	s31 =	simm.s32 $0x12840;
	v16 =	vld [tilespmem:s4+$0x30];
	v2 =	vsel vm1, v1, v2  }
0xb6: {  	v10 =	vld [tilespmem:s31+$0x0];
	v2 =	vmul.f32 $1.442695020e+00, v2  }
0xb7: {  	v4 =	vld.idx.msk [tilespmem:v14+s18+$0x0], $0xffff  }
0xb8: {  	v1 =	vld [tilespmem:s4+$0x820];
	(erf) = vpow2.f32 v2  }
0xb9: {  	v2 =	vld [tilespmem:s4+$0x830]  }
0xba: {  	v5 =	vld.idx.msk [tilespmem:v20+s19+$0x0], $0xffff  }
0xbb: {  	v6 =	vld.idx.msk [tilespmem:v15+s18+$0x0], $0xffff  }
0xbc: {  	v7 =	vld.idx.msk [tilespmem:v3+s2+$0x0], $0xffff  }
0xbd: {  	s0 =	simm.s32 $0x40;
	v9 =	vld.idx.msk [tilespmem:v16+s18+$0x0], $0xffff  }
0xbe: {  	s3 =	sand.u32 $0x7C0, s0;
	v11 =	vld.idx.msk [tilespmem:v14+s2+$0x0], $0xffff  }
0xbf: {  	v4 =	vadd.f32 v5, v4;
	v5 =	vld [tilespmem:s3+$0x13000]  }
0xc0: {  	v8 =	vld.idx.msk [tilespmem:v1+s19+$0x0], $0xffff  }
0xc1: {  	v18 =	vld.idx.msk [tilespmem:v2+s19+$0x0], $0xffff;
	v17 =	vpop (erf)  }
0xc2: {  	v12 =	vld.idx.msk [tilespmem:v15+s2+$0x0], $0xffff;
	v7 =	vmul.f32 v17, v7  }
0xc3: {  	v57 =	vld.idx.msk [tilespmem:v10+s18+$0x0], $0xffff  }
0xc4: {  	[tilespmem:v13+s23+$0x0] =	vst.idx.add.f32.msk $0xffff, v7  }
0xc5: {  	v7 =	vadd.f32 v8, v6;
	v19 =	vld.idx.msk [tilespmem:v3+s17+$0x0], $0xffff  }
0xc6: {  	v8 =	vmul.f32 $2.000000030e-01, v4;
	v9 =	vadd.f32 v18, v9;
	v3 =	vld [tilespmem:s31+$0x810]  }
0xc7: {  	vm1 =	vge.f32 v4, $0.0e+00;
	v58 =	vld.idx.msk [tilespmem:v5+s19+$0x0], $0xffff;
	v18 =	vmul.f32 $2.000000030e-01, v7  }
0xc8: {  	v6 =	vld [tilespmem:s31+$0x10];
	vm2 =	vge.f32 v7, $0.0e+00;
	v4 =	vsel vm1, v4, v8;
	v21 =	vmul.f32 $2.000000030e-01, v9  }
0xc9: {  	v8 =	vld [tilespmem:s31+$0x20];
	v22 =	vmul.f32 $1.442695020e+00, v4;
	vm1 =	vge.f32 v9, $0.0e+00;
	v7 =	vsel vm2, v7, v18  }
0xca: {  	v4 =	vld [tilespmem:s31+$0x820];
	v7 =	vmul.f32 $1.442695020e+00, v7;
	v18 =	vsel vm1, v9, v21  }
0xcb: {  	v9 =	vld [tilespmem:s31+$0x30];
	(erf) = vpow2.f32 v22;
	v18 =	vmul.f32 $1.442695020e+00, v18  }
0xcc: {  	(erf) = vpow2.f32 v7;
	v7 =	vld [tilespmem:s31+$0x830]  }
0xcd: {  	(erf) = vpow2.f32 v18;
	v18 =	vmul.f32 v17, v19;
	v19 =	vld.idx.msk [tilespmem:v16+s2+$0x0], $0xffff  }
0xce: {  	v23 =	vld.idx.msk [tilespmem:v3+s19+$0x0], $0xffff  }
0xcf: {  	[tilespmem:v13+s24+$0x0] =	vst.idx.add.f32.msk $0xffff, v18  }
0xd0: {  	v18 =	vld.idx.msk [tilespmem:v6+s18+$0x0], $0xffff  }
0xd1: {  	v21 =	vadd.f32 v58, v57;
	v59 =	vld.idx.msk [tilespmem:v8+s18+$0x0], $0xffff  }
0xd2: {  	v24 =	vld.idx.msk [tilespmem:v4+s19+$0x0], $0xffff  }
0xd3: {  	v25 =	vmul.f32 $2.000000030e-01, v21  }
0xd4: {  	vm1 =	vge.f32 v21, $0.0e+00;
	[tilespmem:v13+s25+$0x0] =	vst.idx.add.f32.msk vm0, v17;
	v26 =	vpop (erf)  }
0xd5: {  	v21 =	vsel vm1, v21, v25;
	v27 =	vld.idx.msk [tilespmem:v9+s18+$0x0], $0xffff;
	v28 =	vmul.f32 v26, v11;
	v11 =	vpop (erf)  }
0xd6: {  	v13 =	vmul.f32 $1.442695020e+00, v21;
	v29 =	vld.idx.msk [tilespmem:v7+s19+$0x0], $0xffff;
	v18 =	vadd.f32 v23, v18;
	v60 =	vmul.f32 v11, v12;
	v12 =	vpop (erf)  }
0xd7: {  	v17 =	vmul.f32 v12, v19;
	v19 =	vadd.f32 v24, v59  }
0xd8: {  	[tilespmem:v20+s23+$0x0] =	vst.idx.add.f32.msk $0xffff, v28;
	(erf) = vpow2.f32 v13;
	v13 =	vmul.f32 $2.000000030e-01, v18  }
0xd9: {  	vm1 =	vge.f32 v18, $0.0e+00;
	[tilespmem:v2+s23+$0x0] =	vst.idx.add.f32.msk $0xffff, v17;
	v17 =	vmul.f32 $2.000000030e-01, v19  }
0xda: {  	v14 =	vld.idx.msk [tilespmem:v14+s17+$0x0], $0xffff;
	v13 =	vsel vm1, v18, v13;
	vm1 =	vge.f32 v19, $0.0e+00  }
0xdb: {  	v61 =	vadd.f32 v29, v27;
	v13 =	vmul.f32 $1.442695020e+00, v13;
	v62 =	vld.idx.msk [tilespmem:v16+s17+$0x0], $0xffff;
	v16 =	vsel vm1, v19, v17  }
0xdc: {  	[tilespmem:v1+s23+$0x0] =	vst.idx.add.f32.msk $0xffff, v60;
	v63 =	vmul.f32 $1.442695020e+00, v16  }
0xdd: {  	v18 =	vld.idx.msk [tilespmem:v15+s17+$0x0], $0xffff;
	v15 =	vmul.f32 $2.000000030e-01, v61;
	(erf) = vpow2.f32 v13  }
0xde: {  	v19 =	vld.idx.msk [tilespmem:v10+s2+$0x0], $0xffff;
	vm1 =	vge.f32 v61, $0.0e+00;
	(erf) = vpow2.f32 v63  }
0xdf: {  	v17 =	vld.idx.msk [tilespmem:v6+s2+$0x0], $0xffff;
	v13 =	vsel vm1, v61, v15  }
0xe0: {  	v16 =	vld.idx.msk [tilespmem:v8+s2+$0x0], $0xffff;
	v14 =	vmul.f32 v26, v14;
	v21 =	vmul.f32 $1.442695020e+00, v13  }
0xe1: {  	v15 =	vld.idx.msk [tilespmem:v9+s2+$0x0], $0xffff  }
0xe2: {  	v13 =	vmul.f32 v11, v18;
	[tilespmem:v20+s24+$0x0] =	vst.idx.add.f32.msk $0xffff, v14;
	v18 =	vpop (erf);
	(erf) = vpow2.f32 v21  }
0xe3: {  	s1 =	simm.s32 $0x4;
	s3 =	simm.s32 $0x12880;
	v14 =	vmul.f32 v12, v62;
	[tilespmem:v20+s25+$0x0] =	vst.idx.add.f32.msk vm0, v26;
	v19 =	vmul.f32 v18, v19  }
.LBB2_7:
0xe4: {  	v20 =	vld [tilespmem:s3+$0x0]  }
0xe5: {  	[tilespmem:v5+s23+$0x0] =	vst.idx.add.f32.msk $0xffff, v19  }
0xe6: {  	s0 =	sadd.s32 $0x40, s0;
	v19 =	vld.idx.msk [tilespmem:v10+s17+$0x0], $0xffff;
	v21 =	vpop (erf)  }
0xe7: {  	s4 =	sand.u32 $0x7C0, s0;
	v22 =	vld [tilespmem:s3+$0x10];
	v23 =	vmul.f32 v21, v17;
	v24 =	vpop (erf)  }
0xe8: {  	s1 =	sadd.s32 $0x4, s1;
	v17 =	vld [tilespmem:s4+$0x13000];
	v25 =	vmul.f32 v24, v16  }
0xe9: {  	p1 =	slt.u32 s1, $0x7C;
	v26 =	vld [tilespmem:s3+$0x810];
	v10 =	vmov v20  }
0xea: {  	v27 =	vld [tilespmem:s3+$0x20]  }
0xeb: {  	v28 =	vld [tilespmem:s3+$0x820];
	v29 =	vpop (erf)  }
0xec: {  	v16 =	vmul.f32 v18, v19;
	v30 =	vld [tilespmem:s3+$0x30];
	v19 =	vmul.f32 v29, v15  }
0xed: {  	v15 =	vld.idx.msk [tilespmem:v20+s18+$0x0], $0xffff  }
0xee: {  	[tilespmem:v5+s24+$0x0] =	vst.idx.add.f32.msk $0xffff, v16  }
0xef: {  	[tilespmem:v5+s25+$0x0] =	vst.idx.add.f32.msk vm0, v18;
	v5 =	vmov v17  }
0xf0: {  	v16 =	vld.idx.msk [tilespmem:v17+s19+$0x0], $0xffff  }
0xf1: {  	v18 =	vld [tilespmem:s3+$0x830]  }
0xf2: {  	v20 =	vld.idx.msk [tilespmem:v22+s18+$0x0], $0xffff  }
0xf3: {  	v31 =	vld.idx.msk [tilespmem:v26+s19+$0x0], $0xffff  }
0xf4: {  	v32 =	vld.idx.msk [tilespmem:v27+s18+$0x0], $0xffff  }
0xf5: {  	v33 =	vld.idx.msk [tilespmem:v28+s19+$0x0], $0xffff  }
0xf6: {  	v15 =	vadd.f32 v16, v15;
	v34 =	vld.idx.msk [tilespmem:v30+s18+$0x0], $0xffff  }
0xf7: {  	v17 =	vld.idx.msk [tilespmem:v22+s2+$0x0], $0xffff  }
0xf8: {  	v35 =	vmul.f32 $2.000000030e-01, v15;
	v16 =	vld.idx.msk [tilespmem:v27+s2+$0x0], $0xffff  }
0xf9: {  	vm1 =	vge.f32 v15, $0.0e+00;
	v20 =	vadd.f32 v31, v20;
	v31 =	vld.idx.msk [tilespmem:v18+s19+$0x0], $0xffff  }
0xfa: {  	v35 =	vsel vm1, v15, v35;
	v15 =	vld.idx.msk [tilespmem:v30+s2+$0x0], $0xffff  }
0xfb: {  	v35 =	vmul.f32 $1.442695020e+00, v35;
	v36 =	vmul.f32 $2.000000030e-01, v20;
	v32 =	vadd.f32 v33, v32;
	[tilespmem:v3+s23+$0x0] =	vst.idx.add.f32.msk $0xffff, v23  }
0xfc: {  	vm1 =	vge.f32 v20, $0.0e+00;
	[tilespmem:v4+s23+$0x0] =	vst.idx.add.f32.msk $0xffff, v25  }
0xfd: {  	vm2 =	vge.f32 v32, $0.0e+00;
	v23 =	vmul.f32 $2.000000030e-01, v32;
	(erf) = vpow2.f32 v35;
	[tilespmem:v7+s23+$0x0] =	vst.idx.add.f32.msk $0xffff, v19  }
0xfe: {  	v19 =	vsel vm1, v20, v36;
	v20 =	vld.idx.msk [tilespmem:v6+s17+$0x0], $0xffff;
	v6 =	vmov v22  }
0xff: {  	v19 =	vmul.f32 $1.442695020e+00, v19;
	v22 =	vsel vm2, v32, v23;
	v23 =	vadd.f32 v31, v34;
	v25 =	vld.idx.msk [tilespmem:v8+s17+$0x0], $0xffff;
	v8 =	vmovc v27  }
0x100: {  	v22 =	vmul.f32 $1.442695020e+00, v22;
	v27 =	vld.idx.msk [tilespmem:v9+s17+$0x0], $0xffff;
	v9 =	vmov v30  }
0x101: {  	vm1 =	vge.f32 v23, $0.0e+00;
	v31 =	vmul.f32 $2.000000030e-01, v23;
	v30 =	vld.idx.msk [tilespmem:v10+s2+$0x0], $0xffff;
	(erf) = vpow2.f32 v19  }
0x102: {  	(erf) = vpow2.f32 v22;
	[tilespmem:v1+s24+$0x0] =	vst.idx.add.f32.msk $0xffff, v13  }
.Ltmp2:
0x103: {  	v13 =	vsel vm1, v23, v31;
	[tilespmem:v1+s25+$0x0] =	vst.idx.add.f32.msk vm0, v11;
	v11 =	vmovc v24;
	v1 =	vmov v4;
	v4 =	vmov v28;
	(pc) =	sbr.rel @p1 .LBB2_7-.Ltmp2, $4  }
0x104: {  	v19 =	vmul.f32 $1.442695020e+00, v13;
	v20 =	vmul.f32 v21, v20;
	[tilespmem:v2+s24+$0x0] =	vst.idx.add.f32.msk $0xffff, v14  }
0x105: {  	v13 =	vmul.f32 v11, v25;
	[tilespmem:v2+s25+$0x0] =	vst.idx.add.f32.msk vm0, v12;
	v12 =	vmovc v29;
	v2 =	vmov v7;
	v7 =	vmov v18  }
0x106: {  	v18 =	vpop (erf);
	(erf) = vpow2.f32 v19;
	[tilespmem:v3+s24+$0x0] =	vst.idx.add.f32.msk $0xffff, v20;
	v14 =	vmul.f32 v12, v27  }
0x107: {  	s3 =	sadd.s32 $0x40, s3;
	v19 =	vmul.f32 v18, v30;
	[tilespmem:v3+s25+$0x0] =	vst.idx.add.f32.msk vm0, v21;
	v3 =	vmov v26  }
0x108: {  	_ =	sdelay $0x3  }
0x109: {  	[tilespmem:v1+s24+$0x0] =	vst.idx.add.f32.msk $0xffff, v13  }
0x10a: {  	[tilespmem:v2+s24+$0x0] =	vst.idx.add.f32.msk $0xffff, v14  }
0x10b: {  	[tilespmem:v5+s23+$0x0] =	vst.idx.add.f32.msk $0xffff, v19  }
0x10c: {  	[tilespmem:v1+s25+$0x0] =	vst.idx.add.f32.msk vm0, v11;
	v57 =	vpop (erf)  }
0x10d: {  	[tilespmem:v2+s25+$0x0] =	vst.idx.add.f32.msk vm0, v12;
	v17 =	vmul.f32 v57, v17  }
0x10e: {  	v10 =	vld.idx.msk [tilespmem:v10+s17+$0x0], $0xffff;
	v20 =	vpop (erf)  }
0x10f: {  	v58 =	vmul.f32 v20, v16;
	[tilespmem:v3+s23+$0x0] =	vst.idx.add.f32.msk $0xffff, v17  }
0x110: {  	v61 =	vld.idx.msk [tilespmem:v6+s17+$0x0], $0xffff;
	v59 =	vpop (erf)  }
0x111: {  	[tilespmem:v4+s23+$0x0] =	vst.idx.add.f32.msk $0xffff, v58;
	v60 =	vmul.f32 v59, v15  }
0x112: {  	v62 =	vld.idx.msk [tilespmem:v8+s17+$0x0], $0xffff  }
0x113: {  	v10 =	vmul.f32 v18, v10;
	[tilespmem:v7+s23+$0x0] =	vst.idx.add.f32.msk $0xffff, v60  }
0x114: {  	v63 =	vld.idx.msk [tilespmem:v9+s17+$0x0], $0xffff  }
0x115: {  	[tilespmem:v5+s24+$0x0] =	vst.idx.add.f32.msk $0xffff, v10;
	v1 =	vmul.f32 v57, v61  }
0x116: {  	s30 =	sadd.s32 $0x1, s30;
	[tilespmem:v5+s25+$0x0] =	vst.idx.add.f32.msk vm0, v18  }
0x117: {  	p1 =	sne.s32 s30, $0x52;
	v2 =	vmul.f32 v20, v62;
	[tilespmem:v3+s24+$0x0] =	vst.idx.add.f32.msk $0xffff, v1  }
.Ltmp3:
0x118: {  	[tilespmem:v3+s25+$0x0] =	vst.idx.add.f32.msk vm0, v57;
	(pc) =	sbr.rel @p1 .LBB2_4-.Ltmp3, $4  }
0x119: {  	[tilespmem:v4+s24+$0x0] =	vst.idx.add.f32.msk $0xffff, v2;
	v1 =	vmul.f32 v59, v63  }
0x11a: {  	[tilespmem:v4+s25+$0x0] =	vst.idx.add.f32.msk vm0, v20  }
0x11b: {  	[tilespmem:v7+s24+$0x0] =	vst.idx.add.f32.msk $0xffff, v1  }
0x11c: {  	[tilespmem:v7+s25+$0x0] =	vst.idx.add.f32.msk vm0, v59  }
0x11d: {  	_ =	swait.ge [sflag:s21], $0x1000  }
0x11e: {  	[sflag:s21] =	ssyncset.done $0x0  }
0x11f: {  	[sflag:s21] =	ssyncadd.s32 $0xFFFFF000  }
0x120: {  	[hbm4b:s10+s14] =	stream.strided.scatter [tilespmem:s23], [sflag:$0x3], $0x2800, s15, s14, $0x38;
	[tilespmem:$0x13800] =	vst v63  }
0x121: {  	_ =	swait.ge [sflag:s16], $0x2800  }
0x122: {  	[sflag:s16] =	ssyncset.done $0x0  }
0x123: {  	[sflag:s16] =	ssyncadd.s32 $0xFFFFD800  }
0x124: {  	[hbm4b:s11+s14] =	stream.strided.scatter [tilespmem:s24], [sflag:$0x3], $0x2800, s15, s14, $0x38;
	[tilespmem:$0x13800] =	vst v63  }
0x125: {  	s0 =	simm.s32 @p0 $0x80;
	_ =	swait.ge [sflag:s16], $0x2800  }
0x126: {  	s1 =	simm.s32 @p0 $0x400;
	s28 =	sadd.s32 $0x1, s28;
	[sflag:s16] =	ssyncset.done $0x0  }
0x127: {  	s3 =	simm.s32 @p0 $0xF000;
	p1 =	sne.s32 s28, s13;
	[sflag:s16] =	ssyncadd.s32 $0xFFFFD800  }
0x128: {  	[hbm4b:s12+s0] =	stream.strided.scatter @p0 [tilespmem:s3], [sflag:$0x3], $0x2800, s1, s0, $0x38;
	[tilespmem:$0x13800] =	vst v63  }
.Ltmp4:
0x129: {  	_ = 	snop;
	(pc) =	sbr.rel @p1 .LBB2_1-.Ltmp4, $4  }
0x12a: {  	s0 =	simm.s32 @p0 $0x3  }
0x12b: {  	_ =	swait.ge @p0 [sflag:s0], $0x2800  }
0x12c: {  	[sflag:s0] =	ssyncset.done @p0 $0x0  }
0x12d: {  	[sflag:s0] =	ssyncadd.s32 @p0 $0xFFFFD800  }
0x12e: {  	_ =	sfence.sel $0x180000  }
0x12f: {  	[bflag:$0x0] =	sbarrier.arrive $0xFFFF  }
0x130: {  	_ =	strace $0x9000004A  }
0x131: {  	s0 =	stileid.u32;
	[bflag:$0x2] =	sbarrier.arrive $0xFFFF  }
0x132: {  	p0 =	sne.s32 s0, $0x0;
	s0 =	rddreg [dreg:$0x2]  }
0x133: {  	s0 =	sadd.s32 @!p0 $0x100000, s0  }
0x134: {  	[sflag:s0] =	ssyncadd.tile.s32 @!p0 $0x1;
	_ =	shalt  }
.Lfunc_end2:
_tile_overlayer_lowered:
.L_overlay_start_2:
0x135: {  	(tag) =	ssettag $0x2  }
0x136: {  	s0 =	rddreg [dreg:$0x0];
	s2 =	stileid.u32  }
0x137: {  	s1 =	rddreg [dreg:$0x1];
	p0 =	sne.s32 s2, $0x0  }
0x138: {  	s3 =	rddreg [dreg:$0x2];
	[bflag:$0x3] =	sbarrier.arrive $0xFFFF;
	s2 =	simm.s32 @!p0 $0x1C03  }
0x139: {  	[timem:s3], [sflag:s2] =	dma.local @!p0 [hbm:s0], s1  }
0x13a: {  	s0 =	simm.s32 @!p0 $0x3  }
0x13b: {  	_ =	swait.ge @!p0 [sflag:s0], s1  }
0x13c: {  	s1 =	ssub.s32 @!p0 $0x0, s1;
	[sflag:s0] =	ssyncset.done @!p0 $0x0  }
0x13d: {  	[sflag:s0] =	ssyncadd.s32 @!p0 s1  }
0x13e: {  	[bflag:$0x3] =	sbarrier.arrive $0xFFFF  }
0x13f: {  	_ =	shalt  }

// kernel: kernel.15.cloned.1.call-start
scs
__scs_entry_jumppad:
0x0: {  	(pc) =	sbr.rel $0x88, $3  }
0x1: {  	(tag) =	ssettag $0x0;
	lr =	simm.s32 $0x1  }
0x2: {  	[smem:$0x3F95] =	sst lr;
	_ =	strace $0xD0000000  }
0x3: {  	_ = 	snop  }
0x4: {  	_ = 	snop  }
0x5: {  	_ = 	snop  }
0x6: {  	_ = 	snop  }
0x7: {  	_ = 	snop  }
__scs_overlays_trampoline_lowered:
0x8: {  	[smem:$0x3FA4] =	sst s0  }
0x9: {  	[smem:$0x3FA5] =	sst s1  }
0xa: {  	[smem:$0x3FA6] =	sst s2  }
0xb: {  	[smem:$0x3FA7] =	sst s3  }
0xc: {  	[smem:$0x3FA8] =	sst s4  }
0xd: {  	[smem:$0x3FA9] =	sst s5  }
0xe: {  	[smem:$0x3FAA] =	sst s6  }
0xf: {  	[smem:$0x3FAB] =	sst s7  }
0x10: {  	[smem:$0x3FAC] =	sst s8  }
0x11: {  	[smem:$0x3FAD] =	sst s9;
	s0 =	simm.s32 @!p0 $0x0  }
0x12: {  	s1 =	sld [smem:$0x3F93];
	s0 =	simm.s32 @p0 $0x1  }
0x13: {  	[smem:$0x3FAE] =	sst s0;
	s0 =	simm.s32 @!p1 $0x0  }
0x14: {  	s2 =	sld [smem:$0x3F92];
	s0 =	simm.s32 @p1 $0x1  }
0x15: {  	[smem:$0x3FAF] =	sst s0;
	s0 =	simm.s32 @!p2 $0x0  }
0x16: {  	s3 =	sld [smem:$0x3FDB];
	s0 =	simm.s32 @p2 $0x1  }
0x17: {  	s4 =	simm.s32 $0x1BF5;
	[smem:$0x3FB1] =	sst s0  }
0x18: {  	s0 =	sld [smem:$0x3F94];
	_ =	swait.ge [sflag:s4], $0x0  }
0x19: {  	s7 =	sld [smem:$0x3F95]  }
0x1a: {  	s8 =	sadd.s32 $0xFFFFE003, lr  }
0x1b: {  	s9 =	sadd.s32 $0xFFFFFEF7, lr;
	s5 =	simm.s32 $0xFFFFFFFF;
	p2 =	slt.u32 s8, $0xFFFFF086  }
0x1c: {  	p1 =	slt.u32 s9, $0xF7A;
	s5 =	simm.s32 @!p2 $0x0  }
0x1d: {  	s5 =	simm.s32 @p1 $0x1;
	p0 =	seq.s32 s7, s2  }
0x1e: {  	s7 =	smul.u32 @!p0 $0xF7A, s2;
	p2 =	seq.s32 @!p0 s5, $0x0  }
0x1f: {  	s9 =	smul.u32 $0xF7A, s1;
	s8 =	simm.s32 @!p0 $0x1BF5;
	p2 =	por !p2, p0  }
0x20: {  	[sflag:s8] =	ssyncset.s32 @!p0 $0xFFFFF086;
	s6 =	sadd.s32 @!p0 s3, s7;
	s7 =	simm.s32 @!p0 $0x108  }
0x21: {  	s3 =	sadd.s32 s3, s9;
	s6 =	sadd.s32 @!p0 $0x88, s6;
	s7 =	simm.s32 @p2 $0x1082  }
0x22: {  	[simem:s7], [sflag:s8] =	dma.local @!p0 [hbm:s6], $0xF7A  }
0x23: {  	s9 =	sor.u32 $0xD0000000, s2;
	s6 =	simm.s32 $0x108;
	_ =	swait.ge @!p0 [sflag:s8], $0x0  }
0x24: {  	s3 =	sadd.s32 $0x88, s3;
	s6 =	simm.s32 @!p1 $0x1082;
	[sflag:s4] =	ssyncset.s32 $0xFFFFF086  }
0x25: {  	[simem:s6], [sflag:s4] =	dma.local [hbm:s3], $0xF7A  }
0x26: {  	[smem:$0x3F95] =	sst s1;
	(tag) =	ssettag s2;
	_ =	strace s9  }
0x27: {  	s1 =	sld [smem:$0x3FA5]  }
0x28: {  	s2 =	sld [smem:$0x3FA6]  }
0x29: {  	s4 =	sld [smem:$0x3FA8]  }
0x2a: {  	p0 =	seq.s32 s5, $0x0;
	s5 =	sld [smem:$0x3FA9]  }
0x2b: {  	s6 =	sld [smem:$0x3FAA]  }
0x2c: {  	s7 =	sld [smem:$0x3FAB]  }
0x2d: {  	s3 =	simm.s32 $0x108;
	s8 =	sld [smem:$0x3FAC]  }
0x2e: {  	s3 =	simm.s32 @!p0 $0x1082;
	s9 =	sld [smem:$0x3FAD]  }
0x2f: {  	lr =	sadd.s32 s0, s3;
	s0 =	sld [smem:$0x3FA4]  }
0x30: {  	s3 =	sld [smem:$0x3FA7]  }
0x31: {  	[smem:$0x3FB0] =	sst s10  }
0x32: {  	s10 =	sld [smem:$0x3FAE];
	_ =	sdelay $0x3  }
0x33: {  	p0 =	seq.s32 s10, $0x1;
	s10 =	sld [smem:$0x3FB0];
	_ =	sdelay $0x3  }
0x34: {  	[smem:$0x3FB0] =	sst s10  }
0x35: {  	s10 =	sld [smem:$0x3FAF];
	_ =	sdelay $0x3  }
0x36: {  	p1 =	seq.s32 s10, $0x1;
	s10 =	sld [smem:$0x3FB0];
	_ =	sdelay $0x3  }
0x37: {  	[smem:$0x3FB0] =	sst s10  }
0x38: {  	s10 =	sld [smem:$0x3FB1]  }
0x39: {  	_ = 	snop;
	(pc) =	sbr.ind lr, $3  }
0x3a: {  	_ = 	snop  }
0x3b: {  	_ = 	snop  }
0x3c: {  	p2 =	seq.s32 s10, $0x1;
	s10 =	sld [smem:$0x3FB0]  }
0x3d: {  	_ =	shalt  }
0x3e: {  	_ =	shalt  }
0x3f: {  	_ =	shalt  }
0x40: {  	_ =	shalt  }
0x41: {  	_ =	shalt  }
0x42: {  	_ =	shalt  }
0x43: {  	_ =	shalt  }
0x44: {  	_ =	shalt  }
0x45: {  	_ =	shalt  }
0x46: {  	_ =	shalt  }
0x47: {  	_ =	shalt  }
0x48: {  	_ =	shalt  }
0x49: {  	_ =	shalt  }
0x4a: {  	_ =	shalt  }
0x4b: {  	_ =	shalt  }
0x4c: {  	_ =	shalt  }
0x4d: {  	_ =	shalt  }
0x4e: {  	_ =	shalt  }
0x4f: {  	_ =	shalt  }
0x50: {  	_ =	shalt  }
0x51: {  	_ =	shalt  }
0x52: {  	_ =	shalt  }
0x53: {  	_ =	shalt  }
0x54: {  	_ =	shalt  }
0x55: {  	_ =	shalt  }
0x56: {  	_ =	shalt  }
0x57: {  	_ =	shalt  }
0x58: {  	_ =	shalt  }
0x59: {  	_ =	shalt  }
0x5a: {  	_ =	shalt  }
0x5b: {  	_ =	shalt  }
0x5c: {  	_ =	shalt  }
0x5d: {  	_ =	shalt  }
0x5e: {  	_ =	shalt  }
0x5f: {  	_ =	shalt  }
0x60: {  	_ =	shalt  }
0x61: {  	_ =	shalt  }
0x62: {  	_ =	shalt  }
0x63: {  	_ =	shalt  }
0x64: {  	_ =	shalt  }
0x65: {  	_ =	shalt  }
0x66: {  	_ =	shalt  }
0x67: {  	_ =	shalt  }
0x68: {  	_ =	shalt  }
0x69: {  	_ =	shalt  }
0x6a: {  	_ =	shalt  }
0x6b: {  	_ =	shalt  }
0x6c: {  	_ =	shalt  }
0x6d: {  	_ =	shalt  }
0x6e: {  	_ =	shalt  }
0x6f: {  	_ =	shalt  }
0x70: {  	_ =	shalt  }
0x71: {  	_ =	shalt  }
0x72: {  	_ =	shalt  }
0x73: {  	_ =	shalt  }
0x74: {  	_ =	shalt  }
0x75: {  	_ =	shalt  }
0x76: {  	_ =	shalt  }
0x77: {  	_ =	shalt  }
0x78: {  	_ =	shalt  }
0x79: {  	_ =	shalt  }
0x7a: {  	_ =	shalt  }
0x7b: {  	_ =	shalt  }
0x7c: {  	_ =	shalt  }
0x7d: {  	_ =	shalt  }
0x7e: {  	_ =	shalt  }
0x7f: {  	_ =	shalt  }
0x80: {  	_ =	shalt  }
0x81: {  	_ =	shalt  }
0x82: {  	_ =	shalt  }
0x83: {  	_ =	shalt  }
0x84: {  	_ =	shalt  }
0x85: {  	_ =	shalt  }
0x86: {  	_ =	shalt  }
0x87: {  	_ =	shalt  }
.Lfunc_end0:
.L_simem_size_0:
called_computation.2_lowered:
.L_overlay_start_0:
0x88: {  	s2 =	sld [smem:$0x3FD9]  }
0x89: {  	s3 =	sld [smem:$0x3FFE];
	_ =	sdelay $0x1  }
0x8a: {  	s1 =	srdreg.scid  }
0x8b: {  	s0 =	sand.u32 $0x1, s1  }
0x8c: {  	s16 =	sshll.u32 s0, $0xA;
	s2 =	sadd.s32 s3, s2  }
0x8d: {  	s2 =	sadd.s32 s2, s16  }
0x8e: {  	[smem:$0x3FBC] =	sst s2  }
0x8f: {  	_ = 	snop  }
0x90: {  	(tm) =	ssettm $0x1  }
0x91: {  	s17 =	sld [smem:$0x3FFB];
	_ =	sdelay $0x3  }
0x92: {  	_ =	strace s17  }
0x93: {  	s2 =	sld [smem:$0x3FFC];
	_ =	sdelay $0x3  }
0x94: {  	_ =	strace s2  }
0x95: {  	s2 =	sld [smem:$0x3FFD];
	_ =	sdelay $0x3  }
0x96: {  	_ =	strace s2  }
0x97: {  	_ =	strace $0x8FFFFFFF  }
0x98: {  	s18 =	sld [smem:$0x3FDB];
	_ =	sdelay $0x1  }
0x99: {  	s19 =	simm.s32 $_scs_section_size  }
0x9a: {  	s4 =	simm.s32 $_size__tile_overlayer_lowered;
	s5 =	simm.s32 $_tile_overlayer_lowered  }
0x9b: {  	s22 =	simm.s32 $0x1BFF;
	s21 =	sshll.u32 s5, $0x1;
	s2 =	sadd.s32 s19, s18  }
0x9c: {  	s6 =	simm.s32 $0x0;
	s20 =	sshll.u32 s4, $0x1;
	s4 =	sadd.s32 s21, s2  }
0x9d: {  	[timem:s6], [sflag:s22] =	dma.local [hbm:s4], s20  }
0x9e: {  	_ =	swait.ge [sflag:s22], s20  }
0x9f: {  	s3 =	ssub.s32 $0x0, s20;
	[sflag:s22] =	ssyncset.done $0x0  }
0xa0: {  	[sflag:s22] =	ssyncadd.s32 s3;
	_ =	sdelay $0x1  }
0xa1: {  	s23 =	simm.s32 $0x1B8B  }
0xa2: {  	_ =	swait.ge [sflag:s23], $0x1  }
0xa3: {  	[sflag:s23] =	ssyncset.done $0x0  }
0xa4: {  	s25 =	simm.s32 $0x1B8E;
	s24 =	sld [smem:$0x3FFE];
	[sflag:s23] =	ssyncadd.s32 $0xFFFFFFFF  }
0xa5: {  	s26 =	simm.s32 $execute0_lowered;
	[smem:$0x3FD2] =	sst s25  }
0xa6: {  	s4 =	sshll.u32 s26, $0x1;
	_ =	strace $0x8000004C;
	[dreg:$0x1] =	wrdreg $0xFFFFFFFF  }
0xa7: {  	s28 =	simm.s32 $_size_execute0_lowered;
	s2 =	sadd.s32 s2, s4;
	[dreg:$0x0] =	wrdreg $0x0  }
0xa8: {  	s4 =	sshll.u32 s28, $0x1;
	[dreg:$0x2] =	wrdreg s2  }
0xa9: {  	[dreg:$0x3] =	wrdreg s4  }
0xaa: {  	[dreg:$0x4] =	wrdreg $0xC0  }
0xab: {  	_ =	task [dreg:s6], $0x5FFFF  }
0xac: {  	[dreg:$0x1] =	wrdreg $0xFFFFFFFF  }
0xad: {  	[dreg:$0x0] =	wrdreg $0x60  }
0xae: {  	[dreg:$0x2] =	wrdreg s24  }
0xaf: {  	[dreg:$0x3] =	wrdreg $0x9  }
0xb0: {  	_ =	task.clear_ibuf [dreg:s6], $0x4FFFF;
	_ =	strace $0x9000004C  }
0xb1: {  	s29 =	simm.s32 $0x9;
	_ =	strace $0x8000004E  }
0xb2: {  	_ =	swait.ge [sflag:s29], $0x1  }
0xb3: {  	[sflag:s29] =	ssyncadd.s32 $0xFFFFFFFF  }
0xb4: {  	_ =	strace $0x9000004E  }
0xb5: {  	_ =	sfence  }
0xb6: {  	s30 =	sld [smem:$0x0];
	_ =	sdelay $0x2  }
0xb7: {  	s31 =	sshll.u32 s1, $0xD;
	s1 =	sshrl.u32 s1, $0x2  }
0xb8: {  	s3 =	sand.u32 $0x4000, s31;
	s1 =	sadd.s32 s1, s30  }
0xb9: {  	s0 =	sor.u32 s3, s0;
	s1 =	sshll.u32 s1, $0x11  }
0xba: {  	s0 =	sor.u32 s1, s0  }
0xbb: {  	s0 =	sadd.s32 $0x8F2B, s0  }
0xbc: {  	[sflag:s0] =	ssyncadd.remote.s32 $0x1  }
0xbd: {  	_ =	sfence.sel $0xFFFF  }
0xbe: {  	[dreg:$0x0] =	wrdreg $0xFFFFFFFF;
	(pc) =	sbr.abs _section_cstart, $3  }
0xbf: {  	[dreg:$0x1] =	wrdreg $0xFFFFFFFF  }
0xc0: {  	_ =	task.clear_ibuf [dreg:s6], $0x2FFFF;
	_ =	strace $0x9FFFFFFF  }
0xc1: {  	(tm) =	ssettm $0x7FFFFFFF  }
tec
execute0_lowered:
.L_overlay_start_1:
0x0: {  	(tag) =	ssettag $0x1  }
0x1: {  	s7 =	rddreg [dreg:$0x0]  }
0x2: {  	s0 =	rddreg [dreg:$0x1];
	s2 =	simm.s32 $0x0  }
0x3: {  	s1 =	stileid.u32;
	s4 =	srdreg.scid;
	s11 =	simm.s32 $0x400  }
0x4: {  	s12 =	simm.s32 $0x3;
	s13 =	simm.s32 $0x5000;
	s14 =	simm.s32 $0x1  }
0x5: {  	s15 =	simm.s32 $0x6000;
	s16 =	simm.s32 $0x2800;
	s17 =	simm.s32 $0x2  }
0x6: {  	s18 =	simm.s32 $0x0;
	[smem:$0x7FF] =	sst s2;
	s3 =	sshrl.u32 s1, $0x3  }
0x7: {  	s5 =	sshll.u32 s1, $0x1D;
	s4 =	sand.u32 $0x1, s4;
	s6 =	sshll.u32 s1, $0x1  }
0x8: {  	s8 =	sshrl.u32 s1, $0x2;
	_ =	strace $0x8000004D;
	s3 =	smul.u32 $0xA400, s3  }
0x9: {  	s5 =	sshra.s32 s5, $0x1F;
	s6 =	sor.u32 s4, s6;
	s8 =	smul.u32 $0x14000, s8  }
0xa: {  	s4 =	ssub.s32 $0x2, s4;
	s5 =	sand.u32 $0x2800, s5;
	s9 =	sshll.u32 s6, $0x7  }
0xb: {  	s6 =	sshll.u32 s6, $0x4;
	s30 =	sshrl.u32 s4, $0x1;
	s10 =	sadd.s32 s3, s7  }
0xc: {  	s5 =	sadd.s32 s5, s7;
	s9 =	sand.u32 $0x380, s9;
	s6 =	sand.u32 $0x70, s6  }
0xd: {  	s8 =	sor.u32 s8, s9;
	s9 =	ssub.s32 s4, s30;
	s31 =	sadd.s32 s6, s5  }
0xe: {  	s5 =	sadd.s32 $0x3C00, s10;
	s6 =	sadd.s32 $0x3E00, s7;
	s8 =	sshrl.u32 s8, $0x3  }
0xf: {  	s10 =	simm.s32 $0x80;
	s4 =	sadd.s32 $0x18800, s31;
	s8 =	sadd.s32 s8, s7  }
0x10: {  	v0 =	vimm.f32 $0.0e+00;
	s9 =	smax.u32 s9, $0x1;
	s7 =	sadd.s32 $0x4000, s7;
	s8 =	sadd.s32 $0x1D800, s8  }
.LBB2_1:
0x11: {  	[tilespmem:s2], [sflag:$0x3] =	stream.strided.gather [hbm4b:s4+s10], $0x2800, s11, s10, $0x38;
	[tilespmem:$0x7000] =	vst v63  }
0x12: {  	_ =	swait.ge [sflag:s12], $0x2800  }
0x13: {  	[sflag:s12] =	ssyncset.done $0x0  }
0x14: {  	s19 =	simm.s32 $0x40;
	s20 =	simm.s32 $0x0;
	[sflag:s12] =	ssyncadd.s32 $0xFFFFD800  }
.LBB2_2:
0x15: {  	p0 =	sne.s32 s19, $0x9FC0;
	[tilespmem:s20+$0x2800] =	vst v0;
	s20 =	smov.u32 s19;
	s19 =	sadd.s32 $0x40, s19  }
.Ltmp0:
0x16: {  	(pc) =	sbr.rel @p0 .LBB2_2-.Ltmp0, $2  }
0x17: {  	_ =	sdelay $0x2  }
0x18: {  	s20 =	sshra.s32 s20, $0x2  }
0x19: {  	[tilespmem:s20+$0x2800] =	vst v0;
	s19 =	simm.s32 $0x0;
	s20 =	simm.s32 $0x0  }
0x1a: {  	[tilespmem:s13], [sflag:$0x1] =	stream.linear.gather [hbm4b:s5+s19], $0x1000, $0x38;
	[tilespmem:$0x7000] =	vst v63  }
.LBB2_4:
0x1b: {  	_ =	swait.ge [sflag:s14], $0x1000;
	s21 =	sshll.u32 s20, $0xA  }
0x1c: {  	[sflag:s14] =	ssyncset.done $0x0;
	s21 =	sadd.s32 s3, s21  }
0x1d: {  	s30 =	simm.s32 $0x5000;
	[sflag:s14] =	ssyncadd.s32 $0xFFFFF000;
	s22 =	sadd.s32 s21, s6  }
0x1e: {  	[tilespmem:s15], [sflag:$0x2] =	stream.linear.gather [hbm4b:s22+s19], $0x1000, $0x38;
	[tilespmem:$0x7000] =	vst v63  }
0x1f: {  	v2 =	vld [tilespmem:s30+$0x30]  }
0x20: {  	v3 =	vld [tilespmem:s30+$0x10]  }
0x21: {  	v4 =	vld [tilespmem:s30+$0x20]  }
0x22: {  	v5 =	vld [tilespmem:s30+$0x0];
	_ =	sdelay $0x1  }
0x23: {  	v6 =	vld [tilespmem:s30+$0x830]  }
0x24: {  	v7 =	vld [tilespmem:s30+$0x810]  }
0x25: {  	v1 =	vld [tilespmem:s30+$0x820]  }
0x26: {  	v8 =	vld.idx.msk [tilespmem:v2+s2+$0x0], $0xffff  }
0x27: {  	v9 =	vld.idx.msk [tilespmem:v3+s2+$0x0], $0xffff  }
0x28: {  	v4 =	vld.idx.msk [tilespmem:v4+s2+$0x0], $0xffff  }
0x29: {  	s31 =	sand.u32 $0x7C0, s19;
	v2 =	vld.idx.msk [tilespmem:v5+s2+$0x0], $0xffff  }
0x2a: {  	v3 =	vld [tilespmem:s31+$0x5800]  }
0x2b: {  	[tilespmem:v6+s16+$0x0] =	vst.idx.add.f32.msk $0xffff, v8  }
0x2c: {  	s23 =	simm.s32 $0x5040;
	s24 =	simm.s32 $0x0;
	s22 =	simm.s32 $0x0;
	[tilespmem:v7+s16+$0x0] =	vst.idx.add.f32.msk $0xffff, v9  }
.LBB2_5:
0x2d: {  	v5 =	vld [tilespmem:s23+$0x30];
	s22 =	sadd.s32 $0x4, s22;
	v6 =	vmov v4  }
0x2e: {  	v4 =	vld [tilespmem:s23+$0x10];
	p0 =	slt.u32 s22, $0x7C  }
0x2f: {  	v7 =	vld [tilespmem:s23+$0x20]  }
0x30: {  	v8 =	vld [tilespmem:s23+$0x0]  }
0x31: {  	v9 =	vld [tilespmem:s23+$0x810]  }
0x32: {  	v10 =	vld [tilespmem:s23+$0x820]  }
0x33: {  	v11 =	vld [tilespmem:s23+$0x830]  }
0x34: {  	[tilespmem:v3+s16+$0x0] =	vst.idx.add.f32.msk $0xffff, v2  }
0x35: {  	v5 =	vld.idx.msk [tilespmem:v5+s2+$0x0], $0xffff  }
0x36: {  	v12 =	vld.idx.msk [tilespmem:v4+s2+$0x0], $0xffff  }
0x37: {  	v4 =	vld.idx.msk [tilespmem:v7+s2+$0x0], $0xffff  }
.Ltmp1:
0x38: {  	s24 =	sadd.s32 $0x40, s24;
	v2 =	vld.idx.msk [tilespmem:v8+s2+$0x0], $0xffff;
	(pc) =	sbr.rel @p0 .LBB2_5-.Ltmp1, $4  }
0x39: {  	s25 =	sand.u32 $0x7C0, s24;
	[tilespmem:v1+s16+$0x0] =	vst.idx.add.f32.msk $0xffff, v6;
	v1 =	vmov v10  }
0x3a: {  	v3 =	vld [tilespmem:s25+$0x5800]  }
0x3b: {  	[tilespmem:v11+s16+$0x0] =	vst.idx.add.f32.msk $0xffff, v5  }
0x3c: {  	s23 =	sadd.s32 $0x40, s23;
	[tilespmem:v9+s16+$0x0] =	vst.idx.add.f32.msk $0xffff, v12  }
0x3d: {  	_ =	sdelay $0x4  }
0x3e: {  	[tilespmem:v1+s16+$0x0] =	vst.idx.add.f32.msk $0xffff, v4  }
0x3f: {  	[tilespmem:v3+s16+$0x0] =	vst.idx.add.f32.msk $0xffff, v2  }
0x40: {  	_ =	swait.ge [sflag:s17], $0x1000  }
0x41: {  	s22 =	sadd.s32 s21, s7;
	[sflag:s17] =	ssyncset.done $0x0  }
0x42: {  	s21 =	simm.s32 $0x0;
	s30 =	simm.s32 $0x6000;
	[sflag:s17] =	ssyncadd.s32 $0xFFFFF000  }
0x43: {  	[tilespmem:s13], [sflag:$0x1] =	stream.linear.gather [hbm4b:s22+s21], $0x1000, $0x38;
	[tilespmem:$0x7000] =	vst v63  }
0x44: {  	v2 =	vld [tilespmem:s30+$0x30]  }
0x45: {  	v3 =	vld [tilespmem:s30+$0x10]  }
0x46: {  	v4 =	vld [tilespmem:s30+$0x20]  }
0x47: {  	v5 =	vld [tilespmem:s30+$0x0];
	_ =	sdelay $0x1  }
0x48: {  	v6 =	vld [tilespmem:s30+$0x830]  }
0x49: {  	v7 =	vld [tilespmem:s30+$0x810]  }
0x4a: {  	v1 =	vld [tilespmem:s30+$0x820]  }
0x4b: {  	v8 =	vld.idx.msk [tilespmem:v2+s2+$0x0], $0xffff  }
0x4c: {  	v9 =	vld.idx.msk [tilespmem:v3+s2+$0x0], $0xffff  }
0x4d: {  	v4 =	vld.idx.msk [tilespmem:v4+s2+$0x0], $0xffff  }
0x4e: {  	s31 =	sand.u32 $0x7C0, s21;
	v2 =	vld.idx.msk [tilespmem:v5+s2+$0x0], $0xffff  }
0x4f: {  	v3 =	vld [tilespmem:s31+$0x6800]  }
0x50: {  	[tilespmem:v6+s16+$0x0] =	vst.idx.add.f32.msk $0xffff, v8  }
0x51: {  	s23 =	simm.s32 $0x6040;
	s22 =	simm.s32 $0x0;
	[tilespmem:v7+s16+$0x0] =	vst.idx.add.f32.msk $0xffff, v9  }
.LBB2_7:
0x52: {  	v5 =	vld [tilespmem:s23+$0x30];
	s22 =	sadd.s32 $0x4, s22;
	v6 =	vmov v4  }
0x53: {  	v4 =	vld [tilespmem:s23+$0x10];
	p0 =	slt.u32 s22, $0x7C  }
0x54: {  	v7 =	vld [tilespmem:s23+$0x20]  }
0x55: {  	v8 =	vld [tilespmem:s23+$0x0]  }
0x56: {  	v9 =	vld [tilespmem:s23+$0x810]  }
0x57: {  	v10 =	vld [tilespmem:s23+$0x820]  }
0x58: {  	v11 =	vld [tilespmem:s23+$0x830]  }
0x59: {  	[tilespmem:v3+s16+$0x0] =	vst.idx.add.f32.msk $0xffff, v2  }
0x5a: {  	v5 =	vld.idx.msk [tilespmem:v5+s2+$0x0], $0xffff  }
0x5b: {  	v12 =	vld.idx.msk [tilespmem:v4+s2+$0x0], $0xffff  }
0x5c: {  	v4 =	vld.idx.msk [tilespmem:v7+s2+$0x0], $0xffff  }
.Ltmp2:
0x5d: {  	s21 =	sadd.s32 $0x40, s21;
	v2 =	vld.idx.msk [tilespmem:v8+s2+$0x0], $0xffff;
	(pc) =	sbr.rel @p0 .LBB2_7-.Ltmp2, $4  }
0x5e: {  	s24 =	sand.u32 $0x7C0, s21;
	[tilespmem:v1+s16+$0x0] =	vst.idx.add.f32.msk $0xffff, v6;
	v1 =	vmov v10  }
0x5f: {  	v3 =	vld [tilespmem:s24+$0x6800]  }
0x60: {  	[tilespmem:v11+s16+$0x0] =	vst.idx.add.f32.msk $0xffff, v5  }
0x61: {  	s23 =	sadd.s32 $0x40, s23;
	[tilespmem:v9+s16+$0x0] =	vst.idx.add.f32.msk $0xffff, v12  }
0x62: {  	s20 =	sadd.s32 $0x1, s20  }
0x63: {  	p0 =	sne.s32 s20, $0x29  }
.Ltmp3:
0x64: {  	_ = 	snop;
	(pc) =	sbr.rel @p0 .LBB2_4-.Ltmp3, $3  }
0x65: {  	_ =	sdelay $0x1  }
0x66: {  	[tilespmem:v1+s16+$0x0] =	vst.idx.add.f32.msk $0xffff, v4  }
0x67: {  	[tilespmem:v3+s16+$0x0] =	vst.idx.add.f32.msk $0xffff, v2  }
0x68: {  	_ =	swait.ge [sflag:s14], $0x1000;
	s18 =	sadd.s32 $0x1, s18  }
0x69: {  	[sflag:s14] =	ssyncset.done $0x0;
	p0 =	sne.s32 s18, s9  }
.Ltmp4:
0x6a: {  	[sflag:s14] =	ssyncadd.s32 $0xFFFFF000;
	(pc) =	sbr.rel @p0 .LBB2_1-.Ltmp4, $4  }
0x6b: {  	[hbm4b:s8+s10] =	stream.strided.scatter [tilespmem:s16], [sflag:$0x3], $0x2800, s11, s10, $0x38;
	[tilespmem:$0x7000] =	vst v63  }
0x6c: {  	_ =	swait.ge [sflag:s12], $0x2800  }
0x6d: {  	[sflag:s12] =	ssyncset.done $0x0  }
0x6e: {  	[sflag:s12] =	ssyncadd.s32 $0xFFFFD800  }
0x6f: {  	_ =	sfence.sel $0x180000  }
0x70: {  	[bflag:$0x0] =	sbarrier.arrive $0xFFFF  }
0x71: {  	p0 =	sne.s32 s1, $0x0;
	_ =	strace $0x9000004D  }
0x72: {  	s0 =	sadd.s32 @!p0 $0x100000, s0;
	[bflag:$0x2] =	sbarrier.arrive $0xFFFF  }
0x73: {  	[sflag:s0] =	ssyncadd.tile.s32 @!p0 $0x1;
	_ =	shalt  }
.Lfunc_end2:
_tile_overlayer_lowered:
.L_overlay_start_2:
0x74: {  	(tag) =	ssettag $0x2  }
0x75: {  	s0 =	rddreg [dreg:$0x0];
	s2 =	stileid.u32  }
0x76: {  	s1 =	rddreg [dreg:$0x1];
	p0 =	sne.s32 s2, $0x0  }
0x77: {  	s3 =	rddreg [dreg:$0x2];
	[bflag:$0x3] =	sbarrier.arrive $0xFFFF;
	s2 =	simm.s32 @!p0 $0x1C03  }
0x78: {  	[timem:s3], [sflag:s2] =	dma.local @!p0 [hbm:s0], s1  }
0x79: {  	s0 =	simm.s32 @!p0 $0x3  }
0x7a: {  	_ =	swait.ge @!p0 [sflag:s0], s1  }
0x7b: {  	s1 =	ssub.s32 @!p0 $0x0, s1;
	[sflag:s0] =	ssyncset.done @!p0 $0x0  }
0x7c: {  	[sflag:s0] =	ssyncadd.s32 @!p0 s1  }
0x7d: {  	[bflag:$0x3] =	sbarrier.arrive $0xFFFF  }
0x7e: {  	_ =	shalt  }

// kernel: kernel.9.cloned.1.call-start
scs
__scs_entry_jumppad:
0x0: {  	(pc) =	sbr.rel $0x88, $3  }
0x1: {  	(tag) =	ssettag $0x0;
	lr =	simm.s32 $0x1  }
0x2: {  	[smem:$0x3F95] =	sst lr;
	_ =	strace $0xD0000000  }
0x3: {  	_ = 	snop  }
0x4: {  	_ = 	snop  }
0x5: {  	_ = 	snop  }
0x6: {  	_ = 	snop  }
0x7: {  	_ = 	snop  }
__scs_overlays_trampoline_lowered:
0x8: {  	[smem:$0x3FA4] =	sst s0  }
0x9: {  	[smem:$0x3FA5] =	sst s1  }
0xa: {  	[smem:$0x3FA6] =	sst s2  }
0xb: {  	[smem:$0x3FA7] =	sst s3  }
0xc: {  	[smem:$0x3FA8] =	sst s4  }
0xd: {  	[smem:$0x3FA9] =	sst s5  }
0xe: {  	[smem:$0x3FAA] =	sst s6  }
0xf: {  	[smem:$0x3FAB] =	sst s7  }
0x10: {  	[smem:$0x3FAC] =	sst s8  }
0x11: {  	[smem:$0x3FAD] =	sst s9;
	s0 =	simm.s32 @!p0 $0x0  }
0x12: {  	s1 =	sld [smem:$0x3F93];
	s0 =	simm.s32 @p0 $0x1  }
0x13: {  	[smem:$0x3FAE] =	sst s0;
	s0 =	simm.s32 @!p1 $0x0  }
0x14: {  	s2 =	sld [smem:$0x3F92];
	s0 =	simm.s32 @p1 $0x1  }
0x15: {  	[smem:$0x3FAF] =	sst s0;
	s0 =	simm.s32 @!p2 $0x0  }
0x16: {  	s3 =	sld [smem:$0x3FDB];
	s0 =	simm.s32 @p2 $0x1  }
0x17: {  	s4 =	simm.s32 $0x1BF5;
	[smem:$0x3FB1] =	sst s0  }
0x18: {  	s0 =	sld [smem:$0x3F94];
	_ =	swait.ge [sflag:s4], $0x0  }
0x19: {  	s7 =	sld [smem:$0x3F95]  }
0x1a: {  	s8 =	sadd.s32 $0xFFFFE003, lr  }
0x1b: {  	s9 =	sadd.s32 $0xFFFFFEF7, lr;
	s5 =	simm.s32 $0xFFFFFFFF;
	p2 =	slt.u32 s8, $0xFFFFF086  }
0x1c: {  	p1 =	slt.u32 s9, $0xF7A;
	s5 =	simm.s32 @!p2 $0x0  }
0x1d: {  	s5 =	simm.s32 @p1 $0x1;
	p0 =	seq.s32 s7, s2  }
0x1e: {  	s7 =	smul.u32 @!p0 $0xF7A, s2;
	p2 =	seq.s32 @!p0 s5, $0x0  }
0x1f: {  	s9 =	smul.u32 $0xF7A, s1;
	s8 =	simm.s32 @!p0 $0x1BF5;
	p2 =	por !p2, p0  }
0x20: {  	[sflag:s8] =	ssyncset.s32 @!p0 $0xFFFFF086;
	s6 =	sadd.s32 @!p0 s3, s7;
	s7 =	simm.s32 @!p0 $0x108  }
0x21: {  	s3 =	sadd.s32 s3, s9;
	s6 =	sadd.s32 @!p0 $0x88, s6;
	s7 =	simm.s32 @p2 $0x1082  }
0x22: {  	[simem:s7], [sflag:s8] =	dma.local @!p0 [hbm:s6], $0xF7A  }
0x23: {  	s9 =	sor.u32 $0xD0000000, s2;
	s6 =	simm.s32 $0x108;
	_ =	swait.ge @!p0 [sflag:s8], $0x0  }
0x24: {  	s3 =	sadd.s32 $0x88, s3;
	s6 =	simm.s32 @!p1 $0x1082;
	[sflag:s4] =	ssyncset.s32 $0xFFFFF086  }
0x25: {  	[simem:s6], [sflag:s4] =	dma.local [hbm:s3], $0xF7A  }
0x26: {  	[smem:$0x3F95] =	sst s1;
	(tag) =	ssettag s2;
	_ =	strace s9  }
0x27: {  	s1 =	sld [smem:$0x3FA5]  }
0x28: {  	s2 =	sld [smem:$0x3FA6]  }
0x29: {  	s4 =	sld [smem:$0x3FA8]  }
0x2a: {  	p0 =	seq.s32 s5, $0x0;
	s5 =	sld [smem:$0x3FA9]  }
0x2b: {  	s6 =	sld [smem:$0x3FAA]  }
0x2c: {  	s7 =	sld [smem:$0x3FAB]  }
0x2d: {  	s3 =	simm.s32 $0x108;
	s8 =	sld [smem:$0x3FAC]  }
0x2e: {  	s3 =	simm.s32 @!p0 $0x1082;
	s9 =	sld [smem:$0x3FAD]  }
0x2f: {  	lr =	sadd.s32 s0, s3;
	s0 =	sld [smem:$0x3FA4]  }
0x30: {  	s3 =	sld [smem:$0x3FA7]  }
0x31: {  	[smem:$0x3FB0] =	sst s10  }
0x32: {  	s10 =	sld [smem:$0x3FAE];
	_ =	sdelay $0x3  }
0x33: {  	p0 =	seq.s32 s10, $0x1;
	s10 =	sld [smem:$0x3FB0];
	_ =	sdelay $0x3  }
0x34: {  	[smem:$0x3FB0] =	sst s10  }
0x35: {  	s10 =	sld [smem:$0x3FAF];
	_ =	sdelay $0x3  }
0x36: {  	p1 =	seq.s32 s10, $0x1;
	s10 =	sld [smem:$0x3FB0];
	_ =	sdelay $0x3  }
0x37: {  	[smem:$0x3FB0] =	sst s10  }
0x38: {  	s10 =	sld [smem:$0x3FB1]  }
0x39: {  	_ = 	snop;
	(pc) =	sbr.ind lr, $3  }
0x3a: {  	_ = 	snop  }
0x3b: {  	_ = 	snop  }
0x3c: {  	p2 =	seq.s32 s10, $0x1;
	s10 =	sld [smem:$0x3FB0]  }
0x3d: {  	_ =	shalt  }
0x3e: {  	_ =	shalt  }
0x3f: {  	_ =	shalt  }
0x40: {  	_ =	shalt  }
0x41: {  	_ =	shalt  }
0x42: {  	_ =	shalt  }
0x43: {  	_ =	shalt  }
0x44: {  	_ =	shalt  }
0x45: {  	_ =	shalt  }
0x46: {  	_ =	shalt  }
0x47: {  	_ =	shalt  }
0x48: {  	_ =	shalt  }
0x49: {  	_ =	shalt  }
0x4a: {  	_ =	shalt  }
0x4b: {  	_ =	shalt  }
0x4c: {  	_ =	shalt  }
0x4d: {  	_ =	shalt  }
0x4e: {  	_ =	shalt  }
0x4f: {  	_ =	shalt  }
0x50: {  	_ =	shalt  }
0x51: {  	_ =	shalt  }
0x52: {  	_ =	shalt  }
0x53: {  	_ =	shalt  }
0x54: {  	_ =	shalt  }
0x55: {  	_ =	shalt  }
0x56: {  	_ =	shalt  }
0x57: {  	_ =	shalt  }
0x58: {  	_ =	shalt  }
0x59: {  	_ =	shalt  }
0x5a: {  	_ =	shalt  }
0x5b: {  	_ =	shalt  }
0x5c: {  	_ =	shalt  }
0x5d: {  	_ =	shalt  }
0x5e: {  	_ =	shalt  }
0x5f: {  	_ =	shalt  }
0x60: {  	_ =	shalt  }
0x61: {  	_ =	shalt  }
0x62: {  	_ =	shalt  }
0x63: {  	_ =	shalt  }
0x64: {  	_ =	shalt  }
0x65: {  	_ =	shalt  }
0x66: {  	_ =	shalt  }
0x67: {  	_ =	shalt  }
0x68: {  	_ =	shalt  }
0x69: {  	_ =	shalt  }
0x6a: {  	_ =	shalt  }
0x6b: {  	_ =	shalt  }
0x6c: {  	_ =	shalt  }
0x6d: {  	_ =	shalt  }
0x6e: {  	_ =	shalt  }
0x6f: {  	_ =	shalt  }
0x70: {  	_ =	shalt  }
0x71: {  	_ =	shalt  }
0x72: {  	_ =	shalt  }
0x73: {  	_ =	shalt  }
0x74: {  	_ =	shalt  }
0x75: {  	_ =	shalt  }
0x76: {  	_ =	shalt  }
0x77: {  	_ =	shalt  }
0x78: {  	_ =	shalt  }
0x79: {  	_ =	shalt  }
0x7a: {  	_ =	shalt  }
0x7b: {  	_ =	shalt  }
0x7c: {  	_ =	shalt  }
0x7d: {  	_ =	shalt  }
0x7e: {  	_ =	shalt  }
0x7f: {  	_ =	shalt  }
0x80: {  	_ =	shalt  }
0x81: {  	_ =	shalt  }
0x82: {  	_ =	shalt  }
0x83: {  	_ =	shalt  }
0x84: {  	_ =	shalt  }
0x85: {  	_ =	shalt  }
0x86: {  	_ =	shalt  }
0x87: {  	_ =	shalt  }
.Lfunc_end0:
.L_simem_size_0:
called_computation_lowered:
.L_overlay_start_0:
0x88: {  	s2 =	sld [smem:$0x3FD9]  }
0x89: {  	s3 =	sld [smem:$0x3FFE];
	_ =	sdelay $0x1  }
0x8a: {  	s1 =	srdreg.scid  }
0x8b: {  	s0 =	sand.u32 $0x1, s1  }
0x8c: {  	s17 =	sshll.u32 s0, $0xA;
	s2 =	sadd.s32 s3, s2  }
0x8d: {  	s2 =	sadd.s32 s2, s17  }
0x8e: {  	[smem:$0x3FBC] =	sst s2  }
0x8f: {  	_ = 	snop  }
0x90: {  	s2 =	sld [smem:$0x3FD0];
	(tm) =	ssettm $0x1  }
0x91: {  	s18 =	sld [smem:$0x3FFB];
	_ =	sdelay $0x3  }
0x92: {  	_ =	strace s18  }
0x93: {  	s3 =	sld [smem:$0x3FFC];
	_ =	sdelay $0x3  }
0x94: {  	_ =	strace s3  }
0x95: {  	s3 =	sld [smem:$0x3FFD];
	_ =	sdelay $0x3  }
0x96: {  	_ =	strace s3  }
0x97: {  	_ =	strace $0x8FFFFFFF  }
0x98: {  	s19 =	sld [smem:$0x3FDB];
	_ =	sdelay $0x1  }
0x99: {  	s4 =	simm.s32 $_scs_section_size  }
0x9a: {  	s5 =	simm.s32 $_size__tile_overlayer_lowered;
	s6 =	simm.s32 $_tile_overlayer_lowered  }
0x9b: {  	s22 =	simm.s32 $0x1BFF;
	s21 =	sshll.u32 s6, $0x1;
	s3 =	sadd.s32 s4, s19  }
0x9c: {  	s7 =	simm.s32 $0x0;
	s20 =	sshll.u32 s5, $0x1;
	s5 =	sadd.s32 s21, s3  }
0x9d: {  	[timem:s7], [sflag:s22] =	dma.local [hbm:s5], s20  }
0x9e: {  	_ =	swait.ge [sflag:s22], s20  }
0x9f: {  	s4 =	ssub.s32 $0x0, s20;
	[sflag:s22] =	ssyncset.done $0x0  }
0xa0: {  	[sflag:s22] =	ssyncadd.s32 s4;
	_ =	sdelay $0x1  }
0xa1: {  	s23 =	simm.s32 $0x1B8B  }
0xa2: {  	_ =	swait.ge [sflag:s23], $0x1  }
0xa3: {  	[sflag:s23] =	ssyncset.done $0x0  }
0xa4: {  	s25 =	simm.s32 $0x1B8E;
	s24 =	sld [smem:$0x3FFE];
	[sflag:s23] =	ssyncadd.s32 $0xFFFFFFFF  }
0xa5: {  	s26 =	simm.s32 $execute0_lowered;
	[smem:$0x3FD2] =	sst s25  }
0xa6: {  	s5 =	sshll.u32 s26, $0x1;
	_ =	strace $0x80000046;
	[dreg:$0x1] =	wrdreg $0xFFFFFFFF  }
0xa7: {  	s28 =	simm.s32 $_size_execute0_lowered;
	s3 =	sadd.s32 s3, s5;
	[dreg:$0x0] =	wrdreg $0x0  }
0xa8: {  	s5 =	sshll.u32 s28, $0x1;
	[dreg:$0x2] =	wrdreg s3  }
0xa9: {  	[dreg:$0x3] =	wrdreg s5  }
0xaa: {  	[dreg:$0x4] =	wrdreg $0xC0  }
0xab: {  	_ =	task [dreg:s7], $0x5FFFF  }
0xac: {  	[dreg:$0x1] =	wrdreg $0xFFFFFFFF  }
0xad: {  	[dreg:$0x0] =	wrdreg $0x60  }
0xae: {  	[dreg:$0x2] =	wrdreg s24  }
0xaf: {  	[dreg:$0x3] =	wrdreg s2  }
0xb0: {  	[dreg:$0x4] =	wrdreg $0x9  }
0xb1: {  	_ =	task.clear_ibuf [dreg:s7], $0x5FFFF;
	_ =	strace $0x90000046  }
0xb2: {  	s29 =	simm.s32 $0x9;
	_ =	strace $0x80000048  }
0xb3: {  	_ =	swait.ge [sflag:s29], $0x1  }
0xb4: {  	[sflag:s29] =	ssyncadd.s32 $0xFFFFFFFF  }
0xb5: {  	_ =	strace $0x90000048  }
0xb6: {  	_ =	sfence  }
0xb7: {  	s30 =	sld [smem:$0x0];
	_ =	sdelay $0x2  }
0xb8: {  	s31 =	sshll.u32 s1, $0xD;
	s1 =	sshrl.u32 s1, $0x2  }
0xb9: {  	s3 =	sand.u32 $0x4000, s31;
	s1 =	sadd.s32 s1, s30  }
0xba: {  	s0 =	sor.u32 s3, s0;
	s1 =	sshll.u32 s1, $0x11  }
0xbb: {  	s0 =	sor.u32 s1, s0  }
0xbc: {  	s0 =	sadd.s32 $0x8F2B, s0  }
0xbd: {  	[sflag:s0] =	ssyncadd.remote.s32 $0x1  }
0xbe: {  	_ =	sfence.sel $0xFFFF  }
0xbf: {  	[dreg:$0x0] =	wrdreg $0xFFFFFFFF;
	(pc) =	sbr.abs _section_cstart, $3  }
0xc0: {  	[dreg:$0x1] =	wrdreg $0xFFFFFFFF  }
0xc1: {  	_ =	task.clear_ibuf [dreg:s7], $0x2FFFF;
	_ =	strace $0x9FFFFFFF  }
0xc2: {  	(tm) =	ssettm $0x7FFFFFFF  }
0xc3: {  	_ =	shalt  }
tec
execute0_lowered:
.L_overlay_start_1:
0x0: {  	(tag) =	ssettag $0x1  }
0x1: {  	s0 =	rddreg [dreg:$0x0]  }
0x2: {  	s2 =	rddreg [dreg:$0x1]  }
0x3: {  	s1 =	simm.s32 $0x0;
	s4 =	srdreg.scid;
	s11 =	stileid.u32  }
0x4: {  	s28 =	simm.s32 $0x1B800;
	s29 =	simm.s32 $0x1;
	s30 =	simm.s32 $0x1C800  }
0x5: {  	s31 =	simm.s32 $0xA000;
	[smem:$0x7FF] =	sst s1;
	s3 =	sadd.s32 $0x3C00, s0  }
0x6: {  	s14 =	sadd.s32 $0x18800, s0;
	s5 =	sadd.s32 $0x45800, s0;
	s4 =	sand.u32 $0x1, s4  }
0x7: {  	s6 =	smul.u32 $0x14000, s11;
	s7 =	sadd.s32 $0x6D800, s0;
	s10 =	sshll.u32 s11, $0x1  }
0x8: {  	p1 =	slt.u32 s11, $0x8;
	p3 =	sgt.u32 s11, $0x7;
	s22 =	sshll.u32 s11, $0x3  }
0x9: {  	s11 =	sadd.s32 $0x3E00, s0;
	_ =	strace $0x80000047;
	[dreg:$0x3] =	wrdreg s3  }
0xa: {  	[dreg:$0x4] =	wrdreg s7;
	s15 =	ssub.s32 $0x2, s4;
	s8 =	sshll.u32 s4, $0x9  }
0xb: {  	s4 =	sor.u32 s4, s10;
	s9 =	sshrl.u32 s15, $0x1;
	s6 =	sor.u32 s8, s6  }
0xc: {  	s16 =	sand.u32 $0x3, s4;
	s8 =	sand.u32 $0x70, s22;
	s22 =	simm.s32 $0x2800  }
0xd: {  	s7 =	ssub.s32 s15, s9;
	s6 =	sshrl.u32 s6, $0x3;
	p0 =	seq.s32 s16, $0x0  }
0xe: {  	p2 =	seq.s32 s16, $0x1;
	s3 =	sadd.s32 s8, s14;
	s17 =	sadd.s32 s14, s6  }
0xf: {  	s18 =	sor.u32 $0x10, s6;
	s20 =	sor.u32 $0x20, s6;
	s13 =	sor.u32 $0x30, s6  }
0x10: {  	p0 =	por !p1, !p0;
	p6 =	por !p3, !p2;
	s23 =	sadd.s32 $0x28000, s3  }
0x11: {  	s3 =	sadd.s32 $0x2A800, s3;
	s24 =	sadd.s32 s5, s6;
	p2 =	sne.s32 s4, $0x2  }
0x12: {  	s6 =	simm.s32 $0x0;
	[dreg:$0x5] =	wrdreg s17;
	s19 =	sadd.s32 s14, s18  }
0x13: {  	s12 =	sadd.s32 s14, s20;
	s21 =	sadd.s32 s14, s13;
	[dreg:$0x9] =	wrdreg s23  }
0x14: {  	p0 =	por !p0, !p0;
	p1 =	por !p6, !p6;
	[dreg:$0xa] =	wrdreg s3  }
0x15: {  	[dreg:$0xb] =	wrdreg s24;
	s25 =	sadd.s32 s5, s18;
	s26 =	sadd.s32 s5, s20  }
0x16: {  	s16 =	sadd.s32 s5, s13;
	s17 =	sadd.s32 s2, s8;
	s18 =	smax.u32 s7, $0x1  }
0x17: {  	s20 =	simm.s32 $0x400;
	s23 =	simm.s32 $0x5000;
	[dreg:$0x6] =	wrdreg s19  }
0x18: {  	s24 =	simm.s32 $0x7800;
	s2 =	simm.s32 $0xF000;
	[dreg:$0x7] =	wrdreg s12  }
0x19: {  	s3 =	simm.s32 $0x11800;
	s5 =	simm.s32 $0x2;
	[dreg:$0x8] =	wrdreg s21  }
0x1a: {  	p0 =	por p0, p1;
	p1 =	seq.s32 s4, $0x2;
	[dreg:$0xc] =	wrdreg s25  }
0x1b: {  	s12 =	sadd.s32 $0x4000, s0;
	[dreg:$0xd] =	wrdreg s26;
	s19 =	simm.s32 $0x80  }
0x1c: {  	vm0 =	vmxor vm0, vm0;
	s21 =	simm.s32 $0x3;
	s25 =	simm.s32 $0x14000;
	p3 =	por p1, p0  }
0x1d: {  	v0 =	vimm.f32 $0.0e+00;
	s26 =	simm.s32 $0x16800;
	s0 =	simm.s32 $0xC800;
	s4 =	simm.s32 $0x19000;
	vm0 =	vmneg @p3 vm0  }
.LBB2_1:
0x1e: {  	s7 =	rddreg [dreg:$0x5]  }
0x1f: {  	[tilespmem:s1], [sflag:$0x3] =	stream.strided.gather [hbm4b:s7+s19], $0x2800, s20, s19, $0x38;
	[tilespmem:$0x1D800] =	vst v63  }
0x20: {  	_ =	swait.ge [sflag:s21], $0x2800  }
0x21: {  	[sflag:s21] =	ssyncset.done $0x0  }
0x22: {  	s9 =	rddreg [dreg:$0x6];
	[sflag:s21] =	ssyncadd.s32 $0xFFFFD800  }
0x23: {  	[tilespmem:s22], [sflag:$0x3] =	stream.strided.gather [hbm4b:s9+s19], $0x2800, s20, s19, $0x38;
	[tilespmem:$0x1D800] =	vst v63  }
0x24: {  	_ =	swait.ge [sflag:s21], $0x2800  }
0x25: {  	[sflag:s21] =	ssyncset.done $0x0  }
0x26: {  	s10 =	rddreg [dreg:$0x7];
	[sflag:s21] =	ssyncadd.s32 $0xFFFFD800  }
0x27: {  	[tilespmem:s23], [sflag:$0x3] =	stream.strided.gather [hbm4b:s10+s19], $0x2800, s20, s19, $0x38;
	[tilespmem:$0x1D800] =	vst v63  }
0x28: {  	_ =	swait.ge [sflag:s21], $0x2800  }
0x29: {  	[sflag:s21] =	ssyncset.done $0x0  }
0x2a: {  	s13 =	rddreg [dreg:$0x8];
	[sflag:s21] =	ssyncadd.s32 $0xFFFFD800  }
0x2b: {  	[tilespmem:s24], [sflag:$0x3] =	stream.strided.gather [hbm4b:s13+s19], $0x2800, s20, s19, $0x38;
	[tilespmem:$0x1D800] =	vst v63  }
0x2c: {  	_ =	swait.ge [sflag:s21], $0x2800  }
0x2d: {  	[sflag:s21] =	ssyncset.done $0x0  }
0x2e: {  	s14 =	rddreg [dreg:$0x9];
	[sflag:s21] =	ssyncadd.s32 $0xFFFFD800  }
0x2f: {  	[tilespmem:s25], [sflag:$0x3] =	stream.strided.gather [hbm4b:s14+s19], $0x2800, s20, s19, $0x38;
	[tilespmem:$0x1D800] =	vst v63  }
0x30: {  	_ =	swait.ge [sflag:s21], $0x2800  }
0x31: {  	[sflag:s21] =	ssyncset.done $0x0  }
0x32: {  	s15 =	rddreg [dreg:$0xa];
	[sflag:s21] =	ssyncadd.s32 $0xFFFFD800  }
0x33: {  	[tilespmem:s26], [sflag:$0x3] =	stream.strided.gather [hbm4b:s15+s19], $0x2800, s20, s19, $0x38;
	[tilespmem:$0x1D800] =	vst v63  }
0x34: {  	_ =	swait.ge [sflag:s21], $0x2800  }
0x35: {  	[sflag:s21] =	ssyncset.done $0x0  }
0x36: {  	s8 =	simm.s32 $0x40;
	s7 =	simm.s32 $0x0;
	[sflag:s21] =	ssyncadd.s32 $0xFFFFD800  }
.LBB2_2:
0x37: {  	p3 =	sne.s32 s8, $0x9FC0;
	[tilespmem:s7+$0x19000] =	vst v0;
	s9 =	smov.u32 s8;
	s8 =	sadd.s32 $0x40, s8  }
.Ltmp0:
0x38: {  	[tilespmem:s7+$0x11800] =	vst v0;
	(pc) =	sbr.rel @p3 .LBB2_2-.Ltmp0, $4  }
0x39: {  	[tilespmem:s7+$0xF000] =	vst v0  }
0x3a: {  	[tilespmem:s7+$0xA000] =	vst v0  }
0x3b: {  	[tilespmem:s7+$0xC800] =	vst v0  }
0x3c: {  	s7 =	sshra.s32 s9, $0x2  }
0x3d: {  	[tilespmem:s7+$0x19000] =	vst v0  }
0x3e: {  	[tilespmem:s7+$0x11800] =	vst v0  }
0x3f: {  	[tilespmem:s7+$0xF000] =	vst v0  }
0x40: {  	[tilespmem:s7+$0xA000] =	vst v0  }
0x41: {  	[tilespmem:s7+$0xC800] =	vst v0;
	s7 =	simm.s32 $0x0;
	s8 =	rddreg [dreg:$0x3]  }
0x42: {  	[tilespmem:s28], [sflag:$0x1] =	stream.linear.gather [hbm4b:s8+s7], $0x1000, $0x38;
	[tilespmem:$0x1D800] =	vst v63  }
0x43: {  	s8 =	simm.s32 $0x0  }
.LBB2_4:
0x44: {  	_ =	swait.ge [sflag:s29], $0x1000  }
0x45: {  	s9 =	sshll.u32 s8, $0xA;
	[sflag:s29] =	ssyncset.done $0x0  }
0x46: {  	s15 =	simm.s32 $0x1B800;
	s10 =	sadd.s32 s9, s11;
	[sflag:s29] =	ssyncadd.s32 $0xFFFFF000  }
0x47: {  	[tilespmem:s30], [sflag:$0x2] =	stream.linear.gather [hbm4b:s10+s7], $0x1000, $0x38;
	[tilespmem:$0x1D800] =	vst v63  }
0x48: {  	s13 =	sand.u32 $0x7C0, s7;
	v3 =	vld [tilespmem:s15+$0x0]  }
0x49: {  	v13 =	vld [tilespmem:s13+$0x1C000];
	_ =	sdelay $0x2  }
0x4a: {  	v14 =	vld [tilespmem:s15+$0x10]  }
0x4b: {  	v12 =	vld [tilespmem:s15+$0x810]  }
0x4c: {  	v11 =	vld [tilespmem:s15+$0x20]  }
0x4d: {  	v2 =	vld [tilespmem:s15+$0x820]  }
0x4e: {  	v4 =	vld.idx.msk [tilespmem:v3+s25+$0x0], $0xffff  }
0x4f: {  	v5 =	vld.idx.msk [tilespmem:v13+s26+$0x0], $0xffff;
	_ =	sdelay $0x1  }
0x50: {  	v15 =	vld [tilespmem:s15+$0x30]  }
0x51: {  	v1 =	vld [tilespmem:s15+$0x830]  }
0x52: {  	v6 =	vld.idx.msk [tilespmem:v14+s25+$0x0], $0xffff  }
0x53: {  	v7 =	vld.idx.msk [tilespmem:v12+s26+$0x0], $0xffff;
	v4 =	vadd.f32 v5, v4;
	_ =	sdelay $0x1  }
0x54: {  	v8 =	vld.idx.msk [tilespmem:v11+s25+$0x0], $0xffff;
	v9 =	vmul.f32 $2.000000030e-01, v4  }
0x55: {  	v5 =	vld.idx.msk [tilespmem:v2+s26+$0x0], $0xffff;
	vm1 =	vge.f32 v4, $0.0e+00  }
0x56: {  	v4 =	vsel vm1, v4, v9  }
0x57: {  	v6 =	vadd.f32 v7, v6;
	v4 =	vmul.f32 $1.442695020e+00, v4  }
0x58: {  	v10 =	vld.idx.msk [tilespmem:v15+s25+$0x0], $0xffff  }
0x59: {  	v7 =	vld.idx.msk [tilespmem:v1+s26+$0x0], $0xffff;
	v9 =	vmul.f32 $2.000000030e-01, v6;
	(erf) = vpow2.f32 v4  }
0x5a: {  	vm1 =	vge.f32 v6, $0.0e+00;
	v5 =	vadd.f32 v5, v8  }
0x5b: {  	v4 =	vsel vm1, v6, v9  }
0x5c: {  	v6 =	vmul.f32 $2.000000030e-01, v5;
	v4 =	vmul.f32 $1.442695020e+00, v4  }
0x5d: {  	vm1 =	vge.f32 v5, $0.0e+00  }
0x5e: {  	v5 =	vsel vm1, v5, v6;
	v6 =	vadd.f32 v7, v10;
	(erf) = vpow2.f32 v4;
	v4 =	vld.idx.msk [tilespmem:v3+s1+$0x0], $0xffff;
	_ =	sdelay $0x1  }
0x5f: {  	s15 =	simm.s32 $0x1B840;
	v5 =	vmul.f32 $1.442695020e+00, v5;
	v7 =	vmul.f32 $2.000000030e-01, v6  }
0x60: {  	v9 =	vld [tilespmem:s15+$0x10];
	vm1 =	vge.f32 v6, $0.0e+00  }
0x61: {  	v10 =	vld [tilespmem:s15+$0x0];
	(erf) = vpow2.f32 v5;
	v5 =	vsel vm1, v6, v7;
	v16 =	vpop (erf)  }
0x62: {  	v8 =	vld [tilespmem:s15+$0x30];
	v5 =	vmul.f32 $1.442695020e+00, v5;
	v4 =	vmul.f32 v16, v4  }
0x63: {  	v6 =	vld.idx.msk [tilespmem:v14+s1+$0x0], $0xffff  }
0x64: {  	(erf) = vpow2.f32 v5;
	[tilespmem:v13+s31+$0x0] =	vst.idx.add.f32.msk $0xffff, v4  }
0x65: {  	v4 =	vld.idx.msk [tilespmem:v3+s22+$0x0], $0xffff  }
0x66: {  	v7 =	vld.idx.msk [tilespmem:v15+s1+$0x0], $0xffff  }
0x67: {  	v5 =	vld.idx.msk [tilespmem:v11+s1+$0x0], $0xffff;
	v17 =	vpop (erf)  }
0x68: {  	v25 =	vld.idx.msk [tilespmem:v9+s25+$0x0], $0xffff;
	v6 =	vmul.f32 v17, v6  }
0x69: {  	v23 =	vld.idx.msk [tilespmem:v10+s25+$0x0], $0xffff  }
0x6a: {  	[tilespmem:v12+s31+$0x0] =	vst.idx.add.f32.msk $0xffff, v6;
	v4 =	vmul.f32 v16, v4  }
0x6b: {  	v18 =	vpop (erf);
	v6 =	vld.idx.msk [tilespmem:v14+s22+$0x0], $0xffff  }
0x6c: {  	v5 =	vmul.f32 v18, v5;
	[tilespmem:v13+s0+$0x0] =	vst.idx.add.f32.msk $0xffff, v4  }
0x6d: {  	v19 =	vpop (erf);
	v4 =	vld.idx.msk [tilespmem:v3+s23+$0x0], $0xffff  }
0x6e: {  	[tilespmem:v2+s31+$0x0] =	vst.idx.add.f32.msk $0xffff, v5;
	v7 =	vmul.f32 v19, v7  }
0x6f: {  	s14 =	simm.s32 $0x40;
	v5 =	vld.idx.msk [tilespmem:v11+s22+$0x0], $0xffff  }
0x70: {  	s10 =	sand.u32 $0x7C0, s14;
	v6 =	vmul.f32 v17, v6;
	[tilespmem:v1+s31+$0x0] =	vst.idx.add.f32.msk $0xffff, v7  }
0x71: {  	v7 =	vld [tilespmem:s10+$0x1C000]  }
0x72: {  	[tilespmem:v12+s0+$0x0] =	vst.idx.add.f32.msk $0xffff, v6;
	v4 =	vmul.f32 v16, v4  }
0x73: {  	v6 =	vld [tilespmem:s15+$0x20]  }
0x74: {  	[tilespmem:v13+s2+$0x0] =	vst.idx.add.f32.msk $0xffff, v4  }
0x75: {  	v4 =	vld [tilespmem:s15+$0x810]  }
0x76: {  	v22 =	vld.idx.msk [tilespmem:v3+s24+$0x0], $0xffff  }
0x77: {  	v3 =	vld [tilespmem:s15+$0x820]  }
0x78: {  	v20 =	vld.idx.msk [tilespmem:v15+s22+$0x0], $0xffff  }
0x79: {  	v5 =	vmul.f32 v18, v5;
	v24 =	vld.idx.msk [tilespmem:v7+s26+$0x0], $0xffff  }
0x7a: {  	v21 =	vld.idx.msk [tilespmem:v14+s23+$0x0], $0xffff  }
0x7b: {  	[tilespmem:v2+s0+$0x0] =	vst.idx.add.f32.msk $0xffff, v5  }
0x7c: {  	v5 =	vld [tilespmem:s15+$0x830]  }
0x7d: {  	v26 =	vld.idx.msk [tilespmem:v4+s26+$0x0], $0xffff  }
0x7e: {  	v27 =	vld.idx.msk [tilespmem:v6+s25+$0x0], $0xffff;
	v22 =	vmul.f32 v22, v16;
	v23 =	vadd.f32 v24, v23  }
0x7f: {  	v20 =	vmul.f32 v19, v20;
	v24 =	vld.idx.msk [tilespmem:v3+s26+$0x0], $0xffff  }
0x80: {  	[tilespmem:v13+s3+$0x0] =	vst.idx.add.f32.msk $0xffff, v22;
	v22 =	vmul.f32 $2.000000030e-01, v23  }
0x81: {  	[tilespmem:v1+s0+$0x0] =	vst.idx.add.f32.msk $0xffff, v20;
	v16 =	vpsel p1, $0x3F800000, v16;
	vm1 =	vge.f32 v23, $0.0e+00  }
0x82: {  	[tilespmem:v13+s4+$0x0] =	vst.idx.add.f32.msk vm0, v16;
	v16 =	vsel vm1, v23, v22;
	v22 =	vadd.f32 v26, v25  }
0x83: {  	v13 =	vld.idx.msk [tilespmem:v8+s25+$0x0], $0xffff;
	v16 =	vmul.f32 $1.442695020e+00, v16  }
0x84: {  	v21 =	vmul.f32 v17, v21;
	v23 =	vld.idx.msk [tilespmem:v5+s26+$0x0], $0xffff;
	v24 =	vadd.f32 v24, v27;
	v26 =	vmul.f32 $2.000000030e-01, v22  }
0x85: {  	(erf) = vpow2.f32 v16;
	v16 =	vld.idx.msk [tilespmem:v11+s23+$0x0], $0xffff;
	vm1 =	vge.f32 v22, $0.0e+00  }
0x86: {  	[tilespmem:v12+s2+$0x0] =	vst.idx.add.f32.msk $0xffff, v21;
	v20 =	vsel vm1, v22, v26;
	v22 =	vmul.f32 $2.000000030e-01, v24  }
0x87: {  	vm1 =	vge.f32 v24, $0.0e+00;
	v26 =	vld.idx.msk [tilespmem:v15+s23+$0x0], $0xffff;
	v20 =	vmul.f32 $1.442695020e+00, v20  }
0x88: {  	v14 =	vld.idx.msk [tilespmem:v14+s24+$0x0], $0xffff;
	v22 =	vsel vm1, v24, v22  }
0x89: {  	v25 =	vld.idx.msk [tilespmem:v9+s1+$0x0], $0xffff;
	v13 =	vadd.f32 v23, v13;
	v22 =	vmul.f32 $1.442695020e+00, v22;
	(erf) = vpow2.f32 v20  }
0x8a: {  	v16 =	vmul.f32 v18, v16;
	v20 =	vld.idx.msk [tilespmem:v10+s1+$0x0], $0xffff  }
0x8b: {  	v27 =	vld.idx.msk [tilespmem:v6+s1+$0x0], $0xffff;
	v24 =	vmul.f32 $2.000000030e-01, v13;
	(erf) = vpow2.f32 v22  }
0x8c: {  	v23 =	vld.idx.msk [tilespmem:v8+s1+$0x0], $0xffff;
	vm1 =	vge.f32 v13, $0.0e+00;
	v21 =	vmul.f32 v19, v26  }
0x8d: {  	[tilespmem:v2+s2+$0x0] =	vst.idx.add.f32.msk $0xffff, v16;
	v13 =	vsel vm1, v13, v24  }
0x8e: {  	v13 =	vmul.f32 $1.442695020e+00, v13;
	v22 =	vpop (erf);
	[tilespmem:v1+s2+$0x0] =	vst.idx.add.f32.msk $0xffff, v21  }
0x8f: {  	v16 =	vmul.f32 v22, v20;
	v20 =	vld.idx.msk [tilespmem:v11+s24+$0x0], $0xffff  }
0x90: {  	v21 =	vld.idx.msk [tilespmem:v15+s24+$0x0], $0xffff;
	v11 =	vmul.f32 v14, v17  }
0x91: {  	(erf) = vpow2.f32 v13;
	[tilespmem:v7+s31+$0x0] =	vst.idx.add.f32.msk $0xffff, v16  }
0x92: {  	[tilespmem:v12+s3+$0x0] =	vst.idx.add.f32.msk $0xffff, v11;
	v13 =	vpop (erf)  }
0x93: {  	v15 =	vpsel p1, $0x3F800000, v17;
	v14 =	vld.idx.msk [tilespmem:v10+s22+$0x0], $0xffff;
	v16 =	vmul.f32 v13, v25  }
0x94: {  	[tilespmem:v12+s4+$0x0] =	vst.idx.add.f32.msk vm0, v15;
	v11 =	vpop (erf)  }
0x95: {  	[tilespmem:v4+s31+$0x0] =	vst.idx.add.f32.msk $0xffff, v16;
	v12 =	vmul.f32 v11, v27  }
0x96: {  	v15 =	vld.idx.msk [tilespmem:v9+s22+$0x0], $0xffff  }
0x97: {  	[tilespmem:v3+s31+$0x0] =	vst.idx.add.f32.msk $0xffff, v12  }
0x98: {  	v16 =	vmul.f32 v20, v18;
	v17 =	vld.idx.msk [tilespmem:v6+s22+$0x0], $0xffff  }
0x99: {  	v14 =	vmul.f32 v22, v14  }
0x9a: {  	[tilespmem:v2+s3+$0x0] =	vst.idx.add.f32.msk $0xffff, v16;
	v12 =	vpop (erf)  }
0x9b: {  	[tilespmem:v7+s0+$0x0] =	vst.idx.add.f32.msk $0xffff, v14;
	v16 =	vmul.f32 v12, v23  }
0x9c: {  	v25 =	vld.idx.msk [tilespmem:v10+s23+$0x0], $0xffff  }
0x9d: {  	v14 =	vmul.f32 v13, v15;
	[tilespmem:v5+s31+$0x0] =	vst.idx.add.f32.msk $0xffff, v16;
	v17 =	vmul.f32 v11, v17  }
0x9e: {  	v23 =	vld.idx.msk [tilespmem:v8+s22+$0x0], $0xffff  }
0x9f: {  	[tilespmem:v4+s0+$0x0] =	vst.idx.add.f32.msk $0xffff, v14  }
0xa0: {  	v21 =	vmul.f32 v21, v19;
	v20 =	vpsel p1, $0x3F800000, v11;
	v15 =	vpsel p1, $0x3F800000, v19;
	v24 =	vld.idx.msk [tilespmem:v9+s23+$0x0], $0xffff  }
0xa1: {  	s14 =	simm.s32 $0x1B880;
	s13 =	simm.s32 $0x80;
	s10 =	simm.s32 $0x4;
	v19 =	vpsel p1, $0x3F800000, v12;
	v16 =	vpsel p1, $0x3F800000, v18;
	v18 =	vmovc v3;
	v14 =	vpsel p1, $0x3F800000, v13;
	[tilespmem:v3+s0+$0x0] =	vst.idx.add.f32.msk $0xffff, v17;
	v17 =	vmovc v5  }
.LBB2_5:
0xa2: {  	v26 =	vld [tilespmem:s14+$0x0];
	s15 =	sand.u32 $0x7C0, s13;
	v25 =	vmul.f32 v22, v25  }
0xa3: {  	v27 =	vld [tilespmem:s15+$0x1C000]  }
0xa4: {  	v23 =	vmul.f32 v12, v23;
	[tilespmem:v7+s2+$0x0] =	vst.idx.add.f32.msk $0xffff, v25  }
0xa5: {  	s10 =	sadd.s32 $0x4, s10;
	v25 =	vld.idx.msk [tilespmem:v10+s24+$0x0], $0xffff  }
0xa6: {  	p3 =	slt.u32 s10, $0x7C;
	v24 =	vmul.f32 v13, v24;
	v28 =	vld [tilespmem:s14+$0x10]  }
0xa7: {  	v29 =	vld [tilespmem:s14+$0x810];
	v10 =	vmov v26  }
0xa8: {  	v30 =	vld [tilespmem:s14+$0x20]  }
0xa9: {  	v31 =	vld [tilespmem:s14+$0x820]  }
0xaa: {  	v32 =	vld [tilespmem:s14+$0x30]  }
0xab: {  	v25 =	vmul.f32 v25, v22;
	v26 =	vld.idx.msk [tilespmem:v26+s25+$0x0], $0xffff  }
0xac: {  	v33 =	vld.idx.msk [tilespmem:v27+s26+$0x0], $0xffff  }
0xad: {  	v22 =	vpsel p1, $0x3F800000, v22;
	[tilespmem:v7+s3+$0x0] =	vst.idx.add.f32.msk $0xffff, v25  }
0xae: {  	[tilespmem:v7+s4+$0x0] =	vst.idx.add.f32.msk vm0, v22;
	v7 =	vmov v27  }
0xaf: {  	v25 =	vld [tilespmem:s14+$0x830]  }
0xb0: {  	v22 =	vld.idx.msk [tilespmem:v28+s25+$0x0], $0xffff  }
0xb1: {  	v27 =	vld.idx.msk [tilespmem:v29+s26+$0x0], $0xffff  }
0xb2: {  	v34 =	vld.idx.msk [tilespmem:v30+s25+$0x0], $0xffff  }
0xb3: {  	v26 =	vadd.f32 v33, v26;
	v33 =	vld.idx.msk [tilespmem:v31+s26+$0x0], $0xffff  }
0xb4: {  	v35 =	vld.idx.msk [tilespmem:v32+s25+$0x0], $0xffff  }
0xb5: {  	v36 =	vmul.f32 $2.000000030e-01, v26;
	v37 =	vld.idx.msk [tilespmem:v28+s1+$0x0], $0xffff  }
0xb6: {  	vm1 =	vge.f32 v26, $0.0e+00;
	v38 =	vld.idx.msk [tilespmem:v30+s1+$0x0], $0xffff  }
0xb7: {  	v26 =	vsel vm1, v26, v36;
	v22 =	vadd.f32 v27, v22;
	v27 =	vld.idx.msk [tilespmem:v25+s26+$0x0], $0xffff  }
0xb8: {  	v26 =	vmul.f32 $1.442695020e+00, v26;
	v36 =	vld.idx.msk [tilespmem:v32+s1+$0x0], $0xffff  }
0xb9: {  	vm1 =	vge.f32 v22, $0.0e+00;
	v39 =	vmul.f32 $2.000000030e-01, v22;
	v33 =	vadd.f32 v33, v34;
	[tilespmem:v5+s0+$0x0] =	vst.idx.add.f32.msk $0xffff, v23  }
0xba: {  	(erf) = vpow2.f32 v26;
	v23 =	vld.idx.msk [tilespmem:v6+s23+$0x0], $0xffff  }
0xbb: {  	v22 =	vsel vm1, v22, v39;
	vm1 =	vge.f32 v33, $0.0e+00;
	v26 =	vmul.f32 $2.000000030e-01, v33;
	v34 =	vld.idx.msk [tilespmem:v8+s23+$0x0], $0xffff  }
0xbc: {  	v22 =	vmul.f32 $1.442695020e+00, v22;
	[tilespmem:v4+s2+$0x0] =	vst.idx.add.f32.msk $0xffff, v24  }
0xbd: {  	v24 =	vsel vm1, v33, v26;
	v26 =	vadd.f32 v27, v35;
	v27 =	vld.idx.msk [tilespmem:v9+s24+$0x0], $0xffff;
	v9 =	vmov v28  }
0xbe: {  	v24 =	vmul.f32 $1.442695020e+00, v24;
	v28 =	vld.idx.msk [tilespmem:v10+s1+$0x0], $0xffff;
	(erf) = vpow2.f32 v22  }
0xbf: {  	vm1 =	vge.f32 v26, $0.0e+00;
	v22 =	vmul.f32 $2.000000030e-01, v26;
	[tilespmem:v2+s4+$0x0] =	vst.idx.add.f32.msk vm0, v16;
	v2 =	vmovc v3;
	v3 =	vmovc v31;
	v16 =	vmov v20  }
0xc0: {  	v20 =	vmul.f32 v11, v23;
	(erf) = vpow2.f32 v24;
	[tilespmem:v1+s3+$0x0] =	vst.idx.add.f32.msk $0xffff, v21  }
0xc1: {  	v21 =	vsel vm1, v26, v22;
	v23 =	vmul.f32 v12, v34;
	[tilespmem:v1+s4+$0x0] =	vst.idx.add.f32.msk vm0, v15;
	v1 =	vmov v5  }
0xc2: {  	v21 =	vmul.f32 $1.442695020e+00, v21;
	v5 =	vmovc v25;
	v15 =	vmov v19;
	[tilespmem:v18+s2+$0x0] =	vst.idx.add.f32.msk $0xffff, v20;
	v18 =	vmov v31  }
0xc3: {  	v19 =	vmul.f32 v27, v13;
	v22 =	vpop (erf);
	[tilespmem:v17+s2+$0x0] =	vst.idx.add.f32.msk $0xffff, v23;
	v17 =	vmov v25  }
0xc4: {  	v20 =	vmul.f32 v22, v28;
	(erf) = vpow2.f32 v21;
	v21 =	vld.idx.msk [tilespmem:v6+s24+$0x0], $0xffff;
	v6 =	vmov v30  }
0xc5: {  	v23 =	vld.idx.msk [tilespmem:v8+s24+$0x0], $0xffff;
	v8 =	vmov v32  }
0xc6: {  	[tilespmem:v7+s31+$0x0] =	vst.idx.add.f32.msk $0xffff, v20  }
0xc7: {  	v24 =	vld.idx.msk [tilespmem:v10+s22+$0x0], $0xffff;
	v13 =	vpop (erf)  }
0xc8: {  	v20 =	vmul.f32 v13, v37;
	v25 =	vpsel p1, $0x3F800000, v13;
	[tilespmem:v4+s3+$0x0] =	vst.idx.add.f32.msk $0xffff, v19  }
0xc9: {  	v19 =	vpop (erf);
	[tilespmem:v4+s4+$0x0] =	vst.idx.add.f32.msk vm0, v14;
	v4 =	vmov v29;
	v14 =	vmov v25  }
0xca: {  	v26 =	vmul.f32 v21, v11;
	[tilespmem:v29+s31+$0x0] =	vst.idx.add.f32.msk $0xffff, v20;
	v25 =	vmul.f32 v19, v38;
	v20 =	vpsel p1, $0x3F800000, v19  }
0xcb: {  	v21 =	vmul.f32 v23, v12;
	v11 =	vmov v19;
	v27 =	vld.idx.msk [tilespmem:v9+s22+$0x0], $0xffff  }
0xcc: {  	[tilespmem:v3+s31+$0x0] =	vst.idx.add.f32.msk $0xffff, v25  }
0xcd: {  	v23 =	vmul.f32 v22, v24;
	v24 =	vld.idx.msk [tilespmem:v30+s22+$0x0], $0xffff;
	v12 =	vpop (erf)  }
0xce: {  	v28 =	vmul.f32 v12, v36;
	v19 =	vpsel p1, $0x3F800000, v12;
	[tilespmem:v2+s3+$0x0] =	vst.idx.add.f32.msk $0xffff, v26  }
0xcf: {  	[tilespmem:v7+s0+$0x0] =	vst.idx.add.f32.msk $0xffff, v23  }
0xd0: {  	v25 =	vld.idx.msk [tilespmem:v10+s23+$0x0], $0xffff  }
.Ltmp1:
0xd1: {  	v26 =	vmul.f32 v13, v27;
	[tilespmem:v5+s31+$0x0] =	vst.idx.add.f32.msk $0xffff, v28;
	(pc) =	sbr.rel @p3 .LBB2_5-.Ltmp1, $4  }
0xd2: {  	v23 =	vld.idx.msk [tilespmem:v32+s22+$0x0], $0xffff  }
0xd3: {  	[tilespmem:v29+s0+$0x0] =	vst.idx.add.f32.msk $0xffff, v26;
	v26 =	vmul.f32 v11, v24  }
0xd4: {  	v24 =	vld.idx.msk [tilespmem:v9+s23+$0x0], $0xffff  }
0xd5: {  	s13 =	sadd.s32 $0x40, s13;
	s14 =	sadd.s32 $0x40, s14;
	[tilespmem:v3+s0+$0x0] =	vst.idx.add.f32.msk $0xffff, v26  }
0xd6: {  	_ =	sdelay $0x1  }
0xd7: {  	v25 =	vmul.f32 v22, v25;
	_ =	sdelay $0x1  }
0xd8: {  	[tilespmem:v7+s2+$0x0] =	vst.idx.add.f32.msk $0xffff, v25  }
0xd9: {  	v10 =	vld.idx.msk [tilespmem:v10+s24+$0x0], $0xffff;
	_ =	sdelay $0x2  }
0xda: {  	v23 =	vmul.f32 v12, v23;
	_ =	sdelay $0x1  }
0xdb: {  	[tilespmem:v5+s0+$0x0] =	vst.idx.add.f32.msk $0xffff, v23;
	v10 =	vmul.f32 v10, v22  }
0xdc: {  	v23 =	vmul.f32 v13, v24;
	v24 =	vld.idx.msk [tilespmem:v8+s23+$0x0], $0xffff  }
0xdd: {  	[tilespmem:v7+s3+$0x0] =	vst.idx.add.f32.msk $0xffff, v10  }
0xde: {  	v10 =	vld.idx.msk [tilespmem:v6+s23+$0x0], $0xffff  }
0xdf: {  	[tilespmem:v2+s4+$0x0] =	vst.idx.add.f32.msk vm0, v16  }
0xe0: {  	[tilespmem:v4+s2+$0x0] =	vst.idx.add.f32.msk $0xffff, v23;
	v22 =	vpsel p1, $0x3F800000, v22  }
0xe1: {  	v2 =	vmul.f32 v12, v24;
	[tilespmem:v7+s4+$0x0] =	vst.idx.add.f32.msk vm0, v22  }
0xe2: {  	v7 =	vld.idx.msk [tilespmem:v9+s24+$0x0], $0xffff  }
0xe3: {  	[tilespmem:v17+s2+$0x0] =	vst.idx.add.f32.msk $0xffff, v2;
	v9 =	vmul.f32 v11, v10  }
0xe4: {  	v2 =	vld.idx.msk [tilespmem:v8+s24+$0x0], $0xffff  }
0xe5: {  	[tilespmem:v18+s2+$0x0] =	vst.idx.add.f32.msk $0xffff, v9  }
0xe6: {  	v6 =	vld.idx.msk [tilespmem:v6+s24+$0x0], $0xffff  }
0xe7: {  	[tilespmem:v1+s3+$0x0] =	vst.idx.add.f32.msk $0xffff, v21;
	v7 =	vmul.f32 v7, v13  }
0xe8: {  	[tilespmem:v1+s4+$0x0] =	vst.idx.add.f32.msk vm0, v15  }
0xe9: {  	v2 =	vmul.f32 v2, v12;
	[tilespmem:v4+s3+$0x0] =	vst.idx.add.f32.msk $0xffff, v7  }
0xea: {  	[tilespmem:v4+s4+$0x0] =	vst.idx.add.f32.msk vm0, v14  }
0xeb: {  	[tilespmem:v5+s3+$0x0] =	vst.idx.add.f32.msk $0xffff, v2;
	v1 =	vmul.f32 v6, v11  }
0xec: {  	[tilespmem:v5+s4+$0x0] =	vst.idx.add.f32.msk vm0, v19  }
0xed: {  	[tilespmem:v3+s3+$0x0] =	vst.idx.add.f32.msk $0xffff, v1  }
0xee: {  	[tilespmem:v3+s4+$0x0] =	vst.idx.add.f32.msk vm0, v20  }
0xef: {  	_ =	swait.ge [sflag:s5], $0x1000  }
0xf0: {  	s9 =	sadd.s32 s9, s12;
	[sflag:s5] =	ssyncset.done $0x0  }
0xf1: {  	s10 =	simm.s32 $0x0;
	s13 =	simm.s32 $0x1C800;
	[sflag:s5] =	ssyncadd.s32 $0xFFFFF000  }
0xf2: {  	[tilespmem:s28], [sflag:$0x1] =	stream.linear.gather [hbm4b:s9+s10], $0x1000, $0x38;
	[tilespmem:$0x1D800] =	vst v63  }
0xf3: {  	s10 =	sand.u32 $0x7C0, s10;
	v3 =	vld [tilespmem:s13+$0x0]  }
0xf4: {  	v13 =	vld [tilespmem:s10+$0x1D000];
	_ =	sdelay $0x2  }
0xf5: {  	v14 =	vld [tilespmem:s13+$0x10]  }
0xf6: {  	v12 =	vld [tilespmem:s13+$0x810]  }
0xf7: {  	v11 =	vld [tilespmem:s13+$0x20]  }
0xf8: {  	v2 =	vld [tilespmem:s13+$0x820]  }
0xf9: {  	v4 =	vld.idx.msk [tilespmem:v3+s25+$0x0], $0xffff  }
0xfa: {  	v5 =	vld.idx.msk [tilespmem:v13+s26+$0x0], $0xffff;
	_ =	sdelay $0x1  }
0xfb: {  	v15 =	vld [tilespmem:s13+$0x30]  }
0xfc: {  	v1 =	vld [tilespmem:s13+$0x830]  }
0xfd: {  	v6 =	vld.idx.msk [tilespmem:v14+s25+$0x0], $0xffff  }
0xfe: {  	v7 =	vld.idx.msk [tilespmem:v12+s26+$0x0], $0xffff;
	v4 =	vadd.f32 v5, v4;
	_ =	sdelay $0x1  }
0xff: {  	v8 =	vld.idx.msk [tilespmem:v11+s25+$0x0], $0xffff;
	v9 =	vmul.f32 $2.000000030e-01, v4  }
0x100: {  	v5 =	vld.idx.msk [tilespmem:v2+s26+$0x0], $0xffff;
	vm1 =	vge.f32 v4, $0.0e+00  }
0x101: {  	v4 =	vsel vm1, v4, v9  }
0x102: {  	v6 =	vadd.f32 v7, v6;
	v4 =	vmul.f32 $1.442695020e+00, v4  }
0x103: {  	v10 =	vld.idx.msk [tilespmem:v15+s25+$0x0], $0xffff  }
0x104: {  	v7 =	vld.idx.msk [tilespmem:v1+s26+$0x0], $0xffff;
	v9 =	vmul.f32 $2.000000030e-01, v6;
	(erf) = vpow2.f32 v4  }
0x105: {  	vm1 =	vge.f32 v6, $0.0e+00;
	v5 =	vadd.f32 v5, v8  }
0x106: {  	v4 =	vsel vm1, v6, v9  }
0x107: {  	v6 =	vmul.f32 $2.000000030e-01, v5;
	v4 =	vmul.f32 $1.442695020e+00, v4  }
0x108: {  	vm1 =	vge.f32 v5, $0.0e+00  }
0x109: {  	v5 =	vsel vm1, v5, v6;
	v6 =	vadd.f32 v7, v10;
	(erf) = vpow2.f32 v4;
	v4 =	vld.idx.msk [tilespmem:v3+s1+$0x0], $0xffff;
	_ =	sdelay $0x1  }
0x10a: {  	s15 =	simm.s32 $0x1C840;
	v5 =	vmul.f32 $1.442695020e+00, v5;
	v7 =	vmul.f32 $2.000000030e-01, v6  }
0x10b: {  	v9 =	vld [tilespmem:s15+$0x10];
	vm1 =	vge.f32 v6, $0.0e+00  }
0x10c: {  	v10 =	vld [tilespmem:s15+$0x0];
	(erf) = vpow2.f32 v5;
	v5 =	vsel vm1, v6, v7;
	v16 =	vpop (erf)  }
0x10d: {  	v8 =	vld [tilespmem:s15+$0x30];
	v5 =	vmul.f32 $1.442695020e+00, v5;
	v4 =	vmul.f32 v16, v4  }
0x10e: {  	v6 =	vld.idx.msk [tilespmem:v14+s1+$0x0], $0xffff  }
0x10f: {  	(erf) = vpow2.f32 v5;
	[tilespmem:v13+s31+$0x0] =	vst.idx.add.f32.msk $0xffff, v4  }
0x110: {  	v4 =	vld.idx.msk [tilespmem:v3+s22+$0x0], $0xffff  }
0x111: {  	v7 =	vld.idx.msk [tilespmem:v15+s1+$0x0], $0xffff  }
0x112: {  	v5 =	vld.idx.msk [tilespmem:v11+s1+$0x0], $0xffff;
	v17 =	vpop (erf)  }
0x113: {  	v25 =	vld.idx.msk [tilespmem:v9+s25+$0x0], $0xffff;
	v6 =	vmul.f32 v17, v6  }
0x114: {  	v23 =	vld.idx.msk [tilespmem:v10+s25+$0x0], $0xffff  }
0x115: {  	[tilespmem:v12+s31+$0x0] =	vst.idx.add.f32.msk $0xffff, v6;
	v4 =	vmul.f32 v16, v4  }
0x116: {  	v18 =	vpop (erf);
	v6 =	vld.idx.msk [tilespmem:v14+s22+$0x0], $0xffff  }
0x117: {  	v5 =	vmul.f32 v18, v5;
	[tilespmem:v13+s0+$0x0] =	vst.idx.add.f32.msk $0xffff, v4  }
0x118: {  	v19 =	vpop (erf);
	v4 =	vld.idx.msk [tilespmem:v3+s23+$0x0], $0xffff  }
0x119: {  	[tilespmem:v2+s31+$0x0] =	vst.idx.add.f32.msk $0xffff, v5;
	v7 =	vmul.f32 v19, v7  }
0x11a: {  	s14 =	simm.s32 $0x40;
	v5 =	vld.idx.msk [tilespmem:v11+s22+$0x0], $0xffff  }
0x11b: {  	s9 =	sand.u32 $0x7C0, s14;
	v6 =	vmul.f32 v17, v6;
	[tilespmem:v1+s31+$0x0] =	vst.idx.add.f32.msk $0xffff, v7  }
0x11c: {  	v7 =	vld [tilespmem:s9+$0x1D000]  }
0x11d: {  	[tilespmem:v12+s0+$0x0] =	vst.idx.add.f32.msk $0xffff, v6;
	v4 =	vmul.f32 v16, v4  }
0x11e: {  	v6 =	vld [tilespmem:s15+$0x20]  }
0x11f: {  	[tilespmem:v13+s2+$0x0] =	vst.idx.add.f32.msk $0xffff, v4  }
0x120: {  	v4 =	vld [tilespmem:s15+$0x810]  }
0x121: {  	v22 =	vld.idx.msk [tilespmem:v3+s24+$0x0], $0xffff  }
0x122: {  	v3 =	vld [tilespmem:s15+$0x820]  }
0x123: {  	v20 =	vld.idx.msk [tilespmem:v15+s22+$0x0], $0xffff  }
0x124: {  	v5 =	vmul.f32 v18, v5;
	v24 =	vld.idx.msk [tilespmem:v7+s26+$0x0], $0xffff  }
0x125: {  	v21 =	vld.idx.msk [tilespmem:v14+s23+$0x0], $0xffff  }
0x126: {  	[tilespmem:v2+s0+$0x0] =	vst.idx.add.f32.msk $0xffff, v5  }
0x127: {  	v5 =	vld [tilespmem:s15+$0x830]  }
0x128: {  	v26 =	vld.idx.msk [tilespmem:v4+s26+$0x0], $0xffff  }
0x129: {  	v27 =	vld.idx.msk [tilespmem:v6+s25+$0x0], $0xffff;
	v22 =	vmul.f32 v22, v16;
	v23 =	vadd.f32 v24, v23  }
0x12a: {  	v20 =	vmul.f32 v19, v20;
	v24 =	vld.idx.msk [tilespmem:v3+s26+$0x0], $0xffff  }
0x12b: {  	[tilespmem:v13+s3+$0x0] =	vst.idx.add.f32.msk $0xffff, v22;
	v22 =	vmul.f32 $2.000000030e-01, v23  }
0x12c: {  	[tilespmem:v1+s0+$0x0] =	vst.idx.add.f32.msk $0xffff, v20;
	v16 =	vpsel p1, $0x3F800000, v16;
	vm1 =	vge.f32 v23, $0.0e+00  }
0x12d: {  	[tilespmem:v13+s4+$0x0] =	vst.idx.add.f32.msk vm0, v16;
	v16 =	vsel vm1, v23, v22;
	v22 =	vadd.f32 v26, v25  }
0x12e: {  	v13 =	vld.idx.msk [tilespmem:v8+s25+$0x0], $0xffff;
	v16 =	vmul.f32 $1.442695020e+00, v16  }
0x12f: {  	v21 =	vmul.f32 v17, v21;
	v23 =	vld.idx.msk [tilespmem:v5+s26+$0x0], $0xffff;
	v24 =	vadd.f32 v24, v27;
	v26 =	vmul.f32 $2.000000030e-01, v22  }
0x130: {  	(erf) = vpow2.f32 v16;
	v16 =	vld.idx.msk [tilespmem:v11+s23+$0x0], $0xffff;
	vm1 =	vge.f32 v22, $0.0e+00  }
0x131: {  	[tilespmem:v12+s2+$0x0] =	vst.idx.add.f32.msk $0xffff, v21;
	v20 =	vsel vm1, v22, v26;
	v22 =	vmul.f32 $2.000000030e-01, v24  }
0x132: {  	vm1 =	vge.f32 v24, $0.0e+00;
	v26 =	vld.idx.msk [tilespmem:v15+s23+$0x0], $0xffff;
	v20 =	vmul.f32 $1.442695020e+00, v20  }
0x133: {  	v14 =	vld.idx.msk [tilespmem:v14+s24+$0x0], $0xffff;
	v22 =	vsel vm1, v24, v22  }
0x134: {  	v25 =	vld.idx.msk [tilespmem:v9+s1+$0x0], $0xffff;
	v13 =	vadd.f32 v23, v13;
	v22 =	vmul.f32 $1.442695020e+00, v22;
	(erf) = vpow2.f32 v20  }
0x135: {  	v16 =	vmul.f32 v18, v16;
	v20 =	vld.idx.msk [tilespmem:v10+s1+$0x0], $0xffff  }
0x136: {  	v27 =	vld.idx.msk [tilespmem:v6+s1+$0x0], $0xffff;
	v24 =	vmul.f32 $2.000000030e-01, v13;
	(erf) = vpow2.f32 v22  }
0x137: {  	v23 =	vld.idx.msk [tilespmem:v8+s1+$0x0], $0xffff;
	vm1 =	vge.f32 v13, $0.0e+00;
	v21 =	vmul.f32 v19, v26  }
0x138: {  	[tilespmem:v2+s2+$0x0] =	vst.idx.add.f32.msk $0xffff, v16;
	v13 =	vsel vm1, v13, v24  }
0x139: {  	v13 =	vmul.f32 $1.442695020e+00, v13;
	v22 =	vpop (erf);
	[tilespmem:v1+s2+$0x0] =	vst.idx.add.f32.msk $0xffff, v21  }
0x13a: {  	v16 =	vmul.f32 v22, v20;
	v20 =	vld.idx.msk [tilespmem:v11+s24+$0x0], $0xffff  }
0x13b: {  	v21 =	vld.idx.msk [tilespmem:v15+s24+$0x0], $0xffff;
	v11 =	vmul.f32 v14, v17  }
0x13c: {  	(erf) = vpow2.f32 v13;
	[tilespmem:v7+s31+$0x0] =	vst.idx.add.f32.msk $0xffff, v16  }
0x13d: {  	[tilespmem:v12+s3+$0x0] =	vst.idx.add.f32.msk $0xffff, v11;
	v13 =	vpop (erf)  }
0x13e: {  	v15 =	vpsel p1, $0x3F800000, v17;
	v14 =	vld.idx.msk [tilespmem:v10+s22+$0x0], $0xffff;
	v16 =	vmul.f32 v13, v25  }
0x13f: {  	[tilespmem:v12+s4+$0x0] =	vst.idx.add.f32.msk vm0, v15;
	v11 =	vpop (erf)  }
0x140: {  	[tilespmem:v4+s31+$0x0] =	vst.idx.add.f32.msk $0xffff, v16;
	v12 =	vmul.f32 v11, v27  }
0x141: {  	v15 =	vld.idx.msk [tilespmem:v9+s22+$0x0], $0xffff  }
0x142: {  	[tilespmem:v3+s31+$0x0] =	vst.idx.add.f32.msk $0xffff, v12  }
0x143: {  	v16 =	vmul.f32 v20, v18;
	v17 =	vld.idx.msk [tilespmem:v6+s22+$0x0], $0xffff  }
0x144: {  	v14 =	vmul.f32 v22, v14  }
0x145: {  	[tilespmem:v2+s3+$0x0] =	vst.idx.add.f32.msk $0xffff, v16;
	v12 =	vpop (erf)  }
0x146: {  	[tilespmem:v7+s0+$0x0] =	vst.idx.add.f32.msk $0xffff, v14;
	v16 =	vmul.f32 v12, v23  }
0x147: {  	v25 =	vld.idx.msk [tilespmem:v10+s23+$0x0], $0xffff  }
0x148: {  	v14 =	vmul.f32 v13, v15;
	[tilespmem:v5+s31+$0x0] =	vst.idx.add.f32.msk $0xffff, v16;
	v17 =	vmul.f32 v11, v17  }
0x149: {  	v23 =	vld.idx.msk [tilespmem:v8+s22+$0x0], $0xffff  }
0x14a: {  	[tilespmem:v4+s0+$0x0] =	vst.idx.add.f32.msk $0xffff, v14  }
0x14b: {  	v21 =	vmul.f32 v21, v19;
	v20 =	vpsel p1, $0x3F800000, v11;
	v15 =	vpsel p1, $0x3F800000, v19;
	v24 =	vld.idx.msk [tilespmem:v9+s23+$0x0], $0xffff  }
0x14c: {  	s10 =	simm.s32 $0x80;
	s13 =	simm.s32 $0x1C880;
	s9 =	simm.s32 $0x4;
	v19 =	vpsel p1, $0x3F800000, v12;
	v16 =	vpsel p1, $0x3F800000, v18;
	v18 =	vmovc v3;
	v14 =	vpsel p1, $0x3F800000, v13;
	[tilespmem:v3+s0+$0x0] =	vst.idx.add.f32.msk $0xffff, v17;
	v17 =	vmovc v5  }
.LBB2_7:
0x14d: {  	v26 =	vld [tilespmem:s13+$0x0];
	s14 =	sand.u32 $0x7C0, s10;
	v25 =	vmul.f32 v22, v25  }
0x14e: {  	v27 =	vld [tilespmem:s14+$0x1D000]  }
0x14f: {  	v23 =	vmul.f32 v12, v23;
	[tilespmem:v7+s2+$0x0] =	vst.idx.add.f32.msk $0xffff, v25  }
0x150: {  	s9 =	sadd.s32 $0x4, s9;
	v25 =	vld.idx.msk [tilespmem:v10+s24+$0x0], $0xffff  }
0x151: {  	p3 =	slt.u32 s9, $0x7C;
	v24 =	vmul.f32 v13, v24;
	v28 =	vld [tilespmem:s13+$0x10]  }
0x152: {  	v29 =	vld [tilespmem:s13+$0x810];
	v10 =	vmov v26  }
0x153: {  	v30 =	vld [tilespmem:s13+$0x20]  }
0x154: {  	v31 =	vld [tilespmem:s13+$0x820]  }
0x155: {  	v32 =	vld [tilespmem:s13+$0x30]  }
0x156: {  	v25 =	vmul.f32 v25, v22;
	v26 =	vld.idx.msk [tilespmem:v26+s25+$0x0], $0xffff  }
0x157: {  	v33 =	vld.idx.msk [tilespmem:v27+s26+$0x0], $0xffff  }
0x158: {  	v22 =	vpsel p1, $0x3F800000, v22;
	[tilespmem:v7+s3+$0x0] =	vst.idx.add.f32.msk $0xffff, v25  }
0x159: {  	[tilespmem:v7+s4+$0x0] =	vst.idx.add.f32.msk vm0, v22;
	v7 =	vmov v27  }
0x15a: {  	v25 =	vld [tilespmem:s13+$0x830]  }
0x15b: {  	v22 =	vld.idx.msk [tilespmem:v28+s25+$0x0], $0xffff  }
0x15c: {  	v27 =	vld.idx.msk [tilespmem:v29+s26+$0x0], $0xffff  }
0x15d: {  	v34 =	vld.idx.msk [tilespmem:v30+s25+$0x0], $0xffff  }
0x15e: {  	v26 =	vadd.f32 v33, v26;
	v33 =	vld.idx.msk [tilespmem:v31+s26+$0x0], $0xffff  }
0x15f: {  	v35 =	vld.idx.msk [tilespmem:v32+s25+$0x0], $0xffff  }
0x160: {  	v36 =	vmul.f32 $2.000000030e-01, v26;
	v37 =	vld.idx.msk [tilespmem:v28+s1+$0x0], $0xffff  }
0x161: {  	vm1 =	vge.f32 v26, $0.0e+00;
	v38 =	vld.idx.msk [tilespmem:v30+s1+$0x0], $0xffff  }
0x162: {  	v26 =	vsel vm1, v26, v36;
	v22 =	vadd.f32 v27, v22;
	v27 =	vld.idx.msk [tilespmem:v25+s26+$0x0], $0xffff  }
0x163: {  	v26 =	vmul.f32 $1.442695020e+00, v26;
	v36 =	vld.idx.msk [tilespmem:v32+s1+$0x0], $0xffff  }
0x164: {  	vm1 =	vge.f32 v22, $0.0e+00;
	v39 =	vmul.f32 $2.000000030e-01, v22;
	v33 =	vadd.f32 v33, v34;
	[tilespmem:v5+s0+$0x0] =	vst.idx.add.f32.msk $0xffff, v23  }
0x165: {  	(erf) = vpow2.f32 v26;
	v23 =	vld.idx.msk [tilespmem:v6+s23+$0x0], $0xffff  }
0x166: {  	v22 =	vsel vm1, v22, v39;
	vm1 =	vge.f32 v33, $0.0e+00;
	v26 =	vmul.f32 $2.000000030e-01, v33;
	v34 =	vld.idx.msk [tilespmem:v8+s23+$0x0], $0xffff  }
0x167: {  	v22 =	vmul.f32 $1.442695020e+00, v22;
	[tilespmem:v4+s2+$0x0] =	vst.idx.add.f32.msk $0xffff, v24  }
0x168: {  	v24 =	vsel vm1, v33, v26;
	v26 =	vadd.f32 v27, v35;
	v27 =	vld.idx.msk [tilespmem:v9+s24+$0x0], $0xffff;
	v9 =	vmov v28  }
0x169: {  	v24 =	vmul.f32 $1.442695020e+00, v24;
	v28 =	vld.idx.msk [tilespmem:v10+s1+$0x0], $0xffff;
	(erf) = vpow2.f32 v22  }
0x16a: {  	vm1 =	vge.f32 v26, $0.0e+00;
	v22 =	vmul.f32 $2.000000030e-01, v26;
	[tilespmem:v2+s4+$0x0] =	vst.idx.add.f32.msk vm0, v16;
	v2 =	vmovc v3;
	v3 =	vmovc v31;
	v16 =	vmov v20  }
0x16b: {  	v20 =	vmul.f32 v11, v23;
	(erf) = vpow2.f32 v24;
	[tilespmem:v1+s3+$0x0] =	vst.idx.add.f32.msk $0xffff, v21  }
0x16c: {  	v21 =	vsel vm1, v26, v22;
	v23 =	vmul.f32 v12, v34;
	[tilespmem:v1+s4+$0x0] =	vst.idx.add.f32.msk vm0, v15;
	v1 =	vmov v5  }
0x16d: {  	v21 =	vmul.f32 $1.442695020e+00, v21;
	v5 =	vmovc v25;
	v15 =	vmov v19;
	[tilespmem:v18+s2+$0x0] =	vst.idx.add.f32.msk $0xffff, v20;
	v18 =	vmov v31  }
0x16e: {  	v19 =	vmul.f32 v27, v13;
	v22 =	vpop (erf);
	[tilespmem:v17+s2+$0x0] =	vst.idx.add.f32.msk $0xffff, v23;
	v17 =	vmov v25  }
0x16f: {  	v20 =	vmul.f32 v22, v28;
	(erf) = vpow2.f32 v21;
	v21 =	vld.idx.msk [tilespmem:v6+s24+$0x0], $0xffff;
	v6 =	vmov v30  }
0x170: {  	v23 =	vld.idx.msk [tilespmem:v8+s24+$0x0], $0xffff;
	v8 =	vmov v32  }
0x171: {  	[tilespmem:v7+s31+$0x0] =	vst.idx.add.f32.msk $0xffff, v20  }
0x172: {  	v24 =	vld.idx.msk [tilespmem:v10+s22+$0x0], $0xffff;
	v13 =	vpop (erf)  }
0x173: {  	v20 =	vmul.f32 v13, v37;
	v25 =	vpsel p1, $0x3F800000, v13;
	[tilespmem:v4+s3+$0x0] =	vst.idx.add.f32.msk $0xffff, v19  }
0x174: {  	v19 =	vpop (erf);
	[tilespmem:v4+s4+$0x0] =	vst.idx.add.f32.msk vm0, v14;
	v4 =	vmov v29;
	v14 =	vmov v25  }
0x175: {  	v26 =	vmul.f32 v21, v11;
	[tilespmem:v29+s31+$0x0] =	vst.idx.add.f32.msk $0xffff, v20;
	v25 =	vmul.f32 v19, v38;
	v20 =	vpsel p1, $0x3F800000, v19  }
0x176: {  	v21 =	vmul.f32 v23, v12;
	v11 =	vmov v19;
	v27 =	vld.idx.msk [tilespmem:v9+s22+$0x0], $0xffff  }
0x177: {  	[tilespmem:v3+s31+$0x0] =	vst.idx.add.f32.msk $0xffff, v25  }
0x178: {  	v23 =	vmul.f32 v22, v24;
	v24 =	vld.idx.msk [tilespmem:v30+s22+$0x0], $0xffff;
	v12 =	vpop (erf)  }
0x179: {  	v28 =	vmul.f32 v12, v36;
	v19 =	vpsel p1, $0x3F800000, v12;
	[tilespmem:v2+s3+$0x0] =	vst.idx.add.f32.msk $0xffff, v26  }
0x17a: {  	[tilespmem:v7+s0+$0x0] =	vst.idx.add.f32.msk $0xffff, v23  }
0x17b: {  	v25 =	vld.idx.msk [tilespmem:v10+s23+$0x0], $0xffff  }
.Ltmp2:
0x17c: {  	v26 =	vmul.f32 v13, v27;
	[tilespmem:v5+s31+$0x0] =	vst.idx.add.f32.msk $0xffff, v28;
	(pc) =	sbr.rel @p3 .LBB2_7-.Ltmp2, $4  }
0x17d: {  	v23 =	vld.idx.msk [tilespmem:v32+s22+$0x0], $0xffff  }
0x17e: {  	[tilespmem:v29+s0+$0x0] =	vst.idx.add.f32.msk $0xffff, v26;
	v26 =	vmul.f32 v11, v24  }
0x17f: {  	v24 =	vld.idx.msk [tilespmem:v9+s23+$0x0], $0xffff  }
0x180: {  	s10 =	sadd.s32 $0x40, s10;
	s13 =	sadd.s32 $0x40, s13;
	[tilespmem:v3+s0+$0x0] =	vst.idx.add.f32.msk $0xffff, v26  }
0x181: {  	_ =	sdelay $0x3  }
0x182: {  	v25 =	vmul.f32 v22, v25;
	v57 =	vld.idx.msk [tilespmem:v6+s23+$0x0], $0xffff  }
0x183: {  	[tilespmem:v2+s4+$0x0] =	vst.idx.add.f32.msk vm0, v16  }
0x184: {  	v23 =	vmul.f32 v12, v23;
	[tilespmem:v7+s2+$0x0] =	vst.idx.add.f32.msk $0xffff, v25  }
0x185: {  	v10 =	vld.idx.msk [tilespmem:v10+s24+$0x0], $0xffff  }
0x186: {  	[tilespmem:v5+s0+$0x0] =	vst.idx.add.f32.msk $0xffff, v23  }
0x187: {  	v58 =	vmul.f32 v13, v24;
	v60 =	vld.idx.msk [tilespmem:v8+s23+$0x0], $0xffff  }
0x188: {  	[tilespmem:v1+s3+$0x0] =	vst.idx.add.f32.msk $0xffff, v21  }
0x189: {  	[tilespmem:v4+s2+$0x0] =	vst.idx.add.f32.msk $0xffff, v58;
	v62 =	vmul.f32 v11, v57  }
0x18a: {  	v61 =	vld.idx.msk [tilespmem:v9+s24+$0x0], $0xffff  }
0x18b: {  	[tilespmem:v18+s2+$0x0] =	vst.idx.add.f32.msk $0xffff, v62;
	v10 =	vmul.f32 v10, v22  }
0x18c: {  	v63 =	vld.idx.msk [tilespmem:v6+s24+$0x0], $0xffff;
	v2 =	vmul.f32 v12, v60  }
0x18d: {  	[tilespmem:v7+s3+$0x0] =	vst.idx.add.f32.msk $0xffff, v10  }
0x18e: {  	[tilespmem:v17+s2+$0x0] =	vst.idx.add.f32.msk $0xffff, v2  }
0x18f: {  	v59 =	vpsel p1, $0x3F800000, v22;
	v2 =	vld.idx.msk [tilespmem:v8+s24+$0x0], $0xffff  }
0x190: {  	[tilespmem:v7+s4+$0x0] =	vst.idx.add.f32.msk vm0, v59;
	v7 =	vmul.f32 v61, v13  }
0x191: {  	s8 =	sadd.s32 $0x1, s8;
	[tilespmem:v1+s4+$0x0] =	vst.idx.add.f32.msk vm0, v15  }
0x192: {  	p3 =	sne.s32 s8, $0x52;
	[tilespmem:v4+s3+$0x0] =	vst.idx.add.f32.msk $0xffff, v7;
	v1 =	vmul.f32 v63, v11  }
.Ltmp3:
0x193: {  	[tilespmem:v4+s4+$0x0] =	vst.idx.add.f32.msk vm0, v14;
	(pc) =	sbr.rel @p3 .LBB2_4-.Ltmp3, $4  }
0x194: {  	[tilespmem:v3+s3+$0x0] =	vst.idx.add.f32.msk $0xffff, v1;
	v2 =	vmul.f32 v2, v12  }
0x195: {  	[tilespmem:v3+s4+$0x0] =	vst.idx.add.f32.msk vm0, v20  }
0x196: {  	[tilespmem:v5+s3+$0x0] =	vst.idx.add.f32.msk $0xffff, v2  }
0x197: {  	[tilespmem:v5+s4+$0x0] =	vst.idx.add.f32.msk vm0, v19  }
0x198: {  	_ =	swait.ge [sflag:s29], $0x1000  }
0x199: {  	[sflag:s29] =	ssyncset.done $0x0  }
0x19a: {  	s7 =	rddreg [dreg:$0xb];
	[sflag:s29] =	ssyncadd.s32 $0xFFFFF000  }
0x19b: {  	[hbm4b:s7+s19] =	stream.strided.scatter [tilespmem:s31], [sflag:$0x3], $0x2800, s20, s19, $0x38;
	[tilespmem:$0x1D800] =	vst v63  }
0x19c: {  	_ =	swait.ge [sflag:s21], $0x2800  }
0x19d: {  	[sflag:s21] =	ssyncset.done $0x0  }
0x19e: {  	s14 =	rddreg [dreg:$0xc];
	[sflag:s21] =	ssyncadd.s32 $0xFFFFD800  }
0x19f: {  	[hbm4b:s14+s19] =	stream.strided.scatter [tilespmem:s0], [sflag:$0x3], $0x2800, s20, s19, $0x38;
	[tilespmem:$0x1D800] =	vst v63  }
0x1a0: {  	_ =	swait.ge [sflag:s21], $0x2800  }
0x1a1: {  	[sflag:s21] =	ssyncset.done $0x0  }
0x1a2: {  	s15 =	rddreg [dreg:$0xd];
	[sflag:s21] =	ssyncadd.s32 $0xFFFFD800  }
0x1a3: {  	[hbm4b:s15+s19] =	stream.strided.scatter [tilespmem:s2], [sflag:$0x3], $0x2800, s20, s19, $0x38;
	[tilespmem:$0x1D800] =	vst v63  }
0x1a4: {  	_ =	swait.ge [sflag:s21], $0x2800  }
0x1a5: {  	[sflag:s21] =	ssyncset.done $0x0  }
0x1a6: {  	[sflag:s21] =	ssyncadd.s32 $0xFFFFD800  }
0x1a7: {  	[hbm4b:s16+s19] =	stream.strided.scatter [tilespmem:s3], [sflag:$0x3], $0x2800, s20, s19, $0x38;
	[tilespmem:$0x1D800] =	vst v63  }
0x1a8: {  	_ =	swait.ge [sflag:s21], $0x2800  }
0x1a9: {  	s8 =	simm.s32 @p0 $0x400;
	[sflag:s21] =	ssyncset.done $0x0  }
0x1aa: {  	s9 =	simm.s32 @p0 $0x19000;
	s7 =	simm.s32 @p0 $0x80;
	[sflag:s21] =	ssyncadd.s32 $0xFFFFD800  }
0x1ab: {  	[hbm4b:s17+s7] =	stream.strided.scatter @p0 [tilespmem:s9], [sflag:$0x3], $0x2800, s8, s7, $0x38;
	[tilespmem:$0x1D800] =	vst v63  }
0x1ac: {  	s7 =	simm.s32 @p0 $0x3  }
0x1ad: {  	s6 =	sadd.s32 $0x1, s6;
	_ =	swait.ge @p0 [sflag:s7], $0x2800  }
0x1ae: {  	p3 =	sne.s32 s6, s18;
	s8 =	simm.s32 @!p2 $0x19000;
	[sflag:s7] =	ssyncset.done @p0 $0x0  }
0x1af: {  	s9 =	rddreg [dreg:$0x4];
	[sflag:s7] =	ssyncadd.s32 @p0 $0xFFFFD800;
	s7 =	simm.s32 @!p2 $0x0  }
0x1b0: {  	[hbm4b:s9+s7] =	stream.linear.scatter @!p2 [tilespmem:s8], [sflag:$0x3], $0x2800, $0x38;
	[tilespmem:$0x1D800] =	vst v63  }
.Ltmp4:
0x1b1: {  	_ = 	snop;
	(pc) =	sbr.rel @p3 .LBB2_1-.Ltmp4, $4  }
0x1b2: {  	s7 =	simm.s32 @!p2 $0x3  }
0x1b3: {  	_ =	swait.ge @!p2 [sflag:s7], $0x2800  }
0x1b4: {  	[sflag:s7] =	ssyncset.done @!p2 $0x0  }
0x1b5: {  	[sflag:s7] =	ssyncadd.s32 @!p2 $0xFFFFD800  }
0x1b6: {  	_ =	sfence.sel $0x180000  }
0x1b7: {  	[bflag:$0x0] =	sbarrier.arrive $0xFFFF  }
0x1b8: {  	_ =	strace $0x90000047  }
0x1b9: {  	s0 =	stileid.u32;
	[bflag:$0x2] =	sbarrier.arrive $0xFFFF  }
0x1ba: {  	p0 =	sne.s32 s0, $0x0;
	s0 =	rddreg [dreg:$0x2]  }
0x1bb: {  	s0 =	sadd.s32 @!p0 $0x100000, s0  }
0x1bc: {  	[sflag:s0] =	ssyncadd.tile.s32 @!p0 $0x1;
	_ =	shalt  }
.Lfunc_end2:
_tile_overlayer_lowered:
.L_overlay_start_2:
0x1bd: {  	(tag) =	ssettag $0x2  }
0x1be: {  	s0 =	rddreg [dreg:$0x0];
	s2 =	stileid.u32  }
0x1bf: {  	s1 =	rddreg [dreg:$0x1];
	p0 =	sne.s32 s2, $0x0  }
0x1c0: {  	s3 =	rddreg [dreg:$0x2];
	[bflag:$0x3] =	sbarrier.arrive $0xFFFF;
	s2 =	simm.s32 @!p0 $0x1C03  }
0x1c1: {  	[timem:s3], [sflag:s2] =	dma.local @!p0 [hbm:s0], s1  }
0x1c2: {  	s0 =	simm.s32 @!p0 $0x3  }
0x1c3: {  	_ =	swait.ge @!p0 [sflag:s0], s1  }
0x1c4: {  	s1 =	ssub.s32 @!p0 $0x0, s1;
	[sflag:s0] =	ssyncset.done @!p0 $0x0  }
0x1c5: {  	[sflag:s0] =	ssyncadd.s32 @!p0 s1  }
0x1c6: {  	[bflag:$0x3] =	sbarrier.arrive $0xFFFF  }
0x1c7: {  	_ =	shalt  }

</sc_bundles>
